<compile_context>
chip_gen: v7x
topology: tpu7x:2x2x1
jax: 0.10.2.dev20260603
libtpu: 0.0.44.dev20260713+nightly
codegen_flags: <defaults>
</compile_context>

<pallas_src>
import dataclasses
import functools

import jax
import jax.numpy as jnp
from jax import lax
from jax.experimental import pallas as pl
from jax.experimental.pallas import tpu as pltpu
from jax.experimental.pallas import tpu_sc as plsc

N = 10000
D = 128
E = 320000
NC = 2
NS = 16
NW = NC * NS
EDGES_PER_W = E // NW
BATCH = 80
NBATCH = EDGES_PER_W // BATCH
NBUF = 3
PIPE_ITERS = -(-(NBATCH + NBUF) // NBUF)
ZCHUNK = 1000
ZTILES = N // ZCHUNK
CNT_W = 16



def _sc_aggregate(h, pk2d, zsum):
  mesh = plsc.VectorSubcoreMesh(core_axis_name="c", subcore_axis_name="s")

  def body(h_hbm, pk_hbm, zsum_hbm, sum_out,
           pk_v, sdec, ddec, rows_v, acc_sp, *sems):
    c = lax.axis_index("c")
    s = lax.axis_index("s")
    w = c * NS + s
    rows = pl.ds(s * ZCHUNK, ZCHUNK)

    @pl.when(s < ZTILES)
    def _():
      pltpu.sync_copy(zsum_hbm.at[rows], acc_sp.at[rows])

    pltpu.sync_copy(pk_hbm.at[w], pk_v)
    plsc.subcore_barrier()

    mask = jnp.int32(0xFFFF)

    def start(b, j):
      for k in range(BATCH // 16):
        sl = pl.ds(k * 16, 16)
        pk = pk_v[j, sl]
        sdec[b, sl] = jnp.bitwise_and(pk, mask)
        ddec[b, sl] = lax.shift_right_logical(pk, 16)
      pltpu.async_copy(h_hbm.at[sdec.at[b]], rows_v.at[b], sems[b])

    def finish(b):
      pltpu.make_async_copy(h_hbm.at[sdec.at[b]], rows_v.at[b],
                            sems[b]).wait()
      pltpu.sync_copy(rows_v.at[b], acc_sp.at[ddec.at[b]], add=True)

    @pl.loop(0, PIPE_ITERS)
    def _(i):
      for b in range(NBUF):
        jf = i * NBUF + b - NBUF
        js = i * NBUF + b

        @pl.when(jnp.logical_and(jf >= 0, jf < NBATCH))
        def _():
          finish(b)

        @pl.when(js < NBATCH)
        def _():
          start(b, js)

    plsc.subcore_barrier()

    @pl.when(s < ZTILES)
    def _():
      pltpu.sync_copy(acc_sp.at[rows], sum_out.at[c, rows])

  f = pl.kernel(
      body,
      out_type=jax.ShapeDtypeStruct((NC, N, D), jnp.float32),
      mesh=mesh,
      scratch_types=[
          pltpu.VMEM((NBATCH, BATCH), jnp.int32),
          pltpu.VMEM((NBUF, BATCH), jnp.int32),
          pltpu.VMEM((NBUF, BATCH), jnp.int32),
          pltpu.VMEM((NBUF, BATCH, D), jnp.float32),
          pltpu.VMEM_SHARED((N, D), jnp.float32),
      ] + [pltpu.SemaphoreType.DMA] * NBUF,
  )
  return f(h, pk2d, zsum)


def _sc_counts(dst16):
  mesh = plsc.VectorSubcoreMesh(core_axis_name="c", subcore_axis_name="s")
  NVEC = E // NW // 16

  def body(dst_hbm, cnt_out, dst_v, hist_v):
    c = lax.axis_index("c")
    s = lax.axis_index("s")
    w = c * NS + s

    @pl.loop(0, N // 16)
    def _(i):
      hist_v[pl.ds(i * 16, 16)] = jnp.zeros((16,), jnp.float32)

    pltpu.sync_copy(dst_hbm.at[w], dst_v)
    ones = jnp.full((16,), 1.0, jnp.float32)

    @pl.loop(0, NVEC)
    def _(j):
      plsc.addupdate_scatter(hist_v, [dst_v[j, :]], ones)

    pltpu.sync_copy(hist_v, cnt_out.at[w, 0])

  cp = pltpu.CompilerParams()
  if "needs_layout_passes" in pltpu.CompilerParams.__dataclass_fields__:
    cp = dataclasses.replace(cp, needs_layout_passes=False)
  f = pl.kernel(
      body,
      out_type=jax.ShapeDtypeStruct((NW, 1, N), jnp.float32),
      mesh=mesh,
      scratch_types=[
          pltpu.VMEM((NVEC, 16), jnp.int32),
          pltpu.VMEM((N,), jnp.float32),
      ],
      compiler_params=cp,
  )
  return f(dst16)



_TC_R = 2000


def _tc_project(x, Wp, bp):
  def body(x_ref, w_ref, b_ref, o_ref):
    o_ref[...] = jnp.maximum(
        lax.dot_general(x_ref[...], w_ref[...], (((1,), (1,)), ((), ())),
                        preferred_element_type=jnp.float32) + b_ref[...],
        0.0)

  return pl.pallas_call(
      body,
      grid=(N // _TC_R,),
      in_specs=[
          pl.BlockSpec((_TC_R, D), lambda i: (i, 0)),
          pl.BlockSpec((D, D), lambda i: (0, 0)),
          pl.BlockSpec((1, D), lambda i: (0, 0)),
      ],
      out_specs=pl.BlockSpec((_TC_R, D), lambda i: (i, 0)),
      out_shape=jax.ShapeDtypeStruct((N, D), jnp.float32),
  )(x, Wp, bp.reshape(1, D))


def _tc_xr(x, Wr):
  def body(x_ref, w_ref, o_ref):
    o_ref[...] = lax.dot_general(x_ref[...], w_ref[...],
                                 (((1,), (1,)), ((), ())),
                                 preferred_element_type=jnp.float32)

  return pl.pallas_call(
      body,
      grid=(N // _TC_R,),
      in_specs=[
          pl.BlockSpec((_TC_R, D), lambda i: (i, 0)),
          pl.BlockSpec((D, D), lambda i: (0, 0)),
      ],
      out_specs=pl.BlockSpec((_TC_R, D), lambda i: (i, 0)),
      out_shape=jax.ShapeDtypeStruct((N, D), jnp.float32),
  )(x, Wr)


def _tc_mid(parts, cnts, xr0, Wl0, bl0, Wp1, bp1, Wr1):
  def body(p_ref, c_ref, xr_ref, wl_ref, bl_ref, wp_ref, bp_ref, wr_ref,
           h1_ref, xr1_ref):
    ssum = p_ref[0] + p_ref[1]
    cnt = jnp.sum(c_ref[...], axis=1, keepdims=True)
    mean = ssum / jnp.maximum(cnt, 1.0)
    x1 = (lax.dot_general(mean, wl_ref[...], (((1,), (1,)), ((), ())),
                          preferred_element_type=jnp.float32)
          + bl_ref[...] + xr_ref[...])
    x1 = jnp.maximum(x1, 0.0)
    h1_ref[...] = jnp.maximum(
        lax.dot_general(x1, wp_ref[...], (((1,), (1,)), ((), ())),
                        preferred_element_type=jnp.float32) + bp_ref[...],
        0.0)
    xr1_ref[...] = lax.dot_general(x1, wr_ref[...], (((1,), (1,)), ((), ())),
                                   preferred_element_type=jnp.float32)

  return pl.pallas_call(
      body,
      grid=(N // _TC_R,),
      in_specs=[
          pl.BlockSpec((NC, _TC_R, D), lambda i: (0, i, 0)),
          pl.BlockSpec((_TC_R, NW), lambda i: (i, 0)),
          pl.BlockSpec((_TC_R, D), lambda i: (i, 0)),
          pl.BlockSpec((D, D), lambda i: (0, 0)),
          pl.BlockSpec((1, D), lambda i: (0, 0)),
          pl.BlockSpec((D, D), lambda i: (0, 0)),
          pl.BlockSpec((1, D), lambda i: (0, 0)),
          pl.BlockSpec((D, D), lambda i: (0, 0)),
      ],
      out_specs=[
          pl.BlockSpec((_TC_R, D), lambda i: (i, 0)),
          pl.BlockSpec((_TC_R, D), lambda i: (i, 0)),
      ],
      out_shape=[
          jax.ShapeDtypeStruct((N, D), jnp.float32),
          jax.ShapeDtypeStruct((N, D), jnp.float32),
      ],
  )(parts, cnts, xr0, Wl0, bl0.reshape(1, D), Wp1, bp1.reshape(1, D), Wr1)


def _tc_final(parts, cnts, xr1, Wl1, bl1):
  def body(p_ref, c_ref, xr_ref, wl_ref, bl_ref, o_ref):
    ssum = p_ref[0] + p_ref[1]
    cnt = jnp.sum(c_ref[...], axis=1, keepdims=True)
    mean = ssum / jnp.maximum(cnt, 1.0)
    o_ref[...] = (lax.dot_general(mean, wl_ref[...], (((1,), (1,)), ((), ())),
                                  preferred_element_type=jnp.float32)
                  + bl_ref[...] + xr_ref[...])

  return pl.pallas_call(
      body,
      grid=(N // _TC_R,),
      in_specs=[
          pl.BlockSpec((NC, _TC_R, D), lambda i: (0, i, 0)),
          pl.BlockSpec((_TC_R, NW), lambda i: (i, 0)),
          pl.BlockSpec((_TC_R, D), lambda i: (i, 0)),
          pl.BlockSpec((D, D), lambda i: (0, 0)),
          pl.BlockSpec((1, D), lambda i: (0, 0)),
      ],
      out_specs=pl.BlockSpec((_TC_R, D), lambda i: (i, 0)),
      out_shape=jax.ShapeDtypeStruct((N, D), jnp.float32),
  )(parts, cnts, xr1, Wl1, bl1.reshape(1, D))



def kernel(x, edge_index, Wp0, bp0, Wl0, bl0, Wr0, Wp1, bp1, Wl1, bl1, Wr1):
  src = edge_index[0]
  dst = edge_index[1]
  pk2d = jnp.bitwise_or(src, jnp.left_shift(dst, 16)).reshape(
      NW, NBATCH, BATCH)
  dst16 = dst.reshape(NW, E // NW // 16, 16)
  zsum = jnp.zeros((N, D), jnp.float32)

  cnts = _sc_counts(dst16)
  cnts_t = cnts.reshape(NW, N).T
  h0 = _tc_project(x, Wp0, bp0)
  sums0 = _sc_aggregate(h0, pk2d, zsum)
  xr0 = _tc_xr(x, Wr0)
  h1, xr1 = _tc_mid(sums0, cnts_t, xr0, Wl0, bl0, Wp1, bp1, Wr1)
  sums1 = _sc_aggregate(h1, pk2d, zsum)
  return _tc_final(sums1, cnts_t, xr1, Wl1, bl1)

# --- scband reference (transcript-rebuilt; emitter-appended) ---
"""Pipeline reference for scband-graph-sage-17540646436883 (READ-ONLY COPY).

The authoritative reference and input builder live on the scoring server;
editing this copy changes nothing except your own understanding.
"""

import jax, jax.numpy as jnp
import numpy as np

N = 10000
E = 320000
D = 128


def setup_inputs(seed: int = 0) -> dict:
    key = jax.random.key(seed)
    ks = jax.random.split(key, 14)
    x = jax.random.normal(ks[0], (N, D), dtype=jnp.float32)
    edge_index = jax.random.randint(ks[1], (2, E), 0, N, dtype=jnp.int32)
    s = 0.05
    params = {
        'Wp0': jax.random.normal(ks[2], (D, D), dtype=jnp.float32) * s,
        'bp0': jnp.zeros((D,), dtype=jnp.float32),
        'Wl0': jax.random.normal(ks[3], (D, D), dtype=jnp.float32) * s,
        'bl0': jnp.zeros((D,), dtype=jnp.float32),
        'Wr0': jax.random.normal(ks[4], (D, D), dtype=jnp.float32) * s,
        'Wp1': jax.random.normal(ks[5], (D, D), dtype=jnp.float32) * s,
        'bp1': jnp.zeros((D,), dtype=jnp.float32),
        'Wl1': jax.random.normal(ks[6], (D, D), dtype=jnp.float32) * s,
        'bl1': jnp.zeros((D,), dtype=jnp.float32),
        'Wr1': jax.random.normal(ks[7], (D, D), dtype=jnp.float32) * s,
    }
    inp = {'x': x, 'edge_index': edge_index}
    inp.update(params)
    return inp


def _sage_conv(x, edge_index, Wp, bp, Wl, bl, Wr):
    # project=True: source features projected + relu before aggregation
    h = jax.nn.relu(x @ Wp.T + bp)
    src = edge_index[0]
    dst = edge_index[1]
    msgs = jnp.take(h, src, axis=0)                       # gather
    summed = jax.ops.segment_sum(msgs, dst, num_segments=x.shape[0])  # scatter-add
    cnt = jax.ops.segment_sum(jnp.ones((edge_index.shape[1],), dtype=x.dtype), dst, num_segments=x.shape[0])
    mean = summed / jnp.clip(cnt, 1.0)[:, None]
    # lin_l on aggregated neighbors (bias) + lin_r on root features (no bias)
    return mean @ Wl.T + bl + x @ Wr.T


def reference(x, edge_index, Wp0, bp0, Wl0, bl0, Wr0, Wp1, bp1, Wl1, bl1, Wr1):
    h = _sage_conv(x, edge_index, Wp0, bp0, Wl0, bl0, Wr0)
    h = jax.nn.relu(h)
    out = _sage_conv(h, edge_index, Wp1, bp1, Wl1, bl1, Wr1)
    return out

if __name__ == "__main__":
    import jax
    _d = setup_inputs()
    print(jax.jit(kernel)(*tuple(_d.values())))

</pallas_src>

<mosaic_0001>
#map = affine_map<(d0, d1) -> (0, 0, 0)>
module attributes {stable_mosaic.version = 14 : i64} {
  func.func @body(%arg0: i32, %arg1: i32, %arg2: memref<32x625x16xi32, #tpu.memory_space<hbm>>, %arg3: memref<32x1x10000xf32, #tpu.memory_space<hbm>>, %arg4: memref<625x16xi32, #tpu.memory_space<vmem>>, %arg5: memref<10000xf32, #tpu.memory_space<vmem>>) attributes {dimension_semantics = [#tpu.dimension_semantics<core_parallel>, #tpu.dimension_semantics<subcore_parallel>], iteration_bounds = array<i64: 2, 16>, scalar_prefetch = 0 : i64, scratch_operands = 2 : i64, tpu.core_type = #tpu.core_type<sc_vector_subcore>, window_params = [{transform_indices = #map}, {transform_indices = #map}]} {
    %mul3A = arith.constant 16 : i32
    %mul3A_0 = arith.muli %arg0, %mul3A : i32
    %add3A = arith.addi %mul3A_0, %arg1 : i32
    %scan3A = arith.constant 0 : i32
    %scan3A_1 = arith.constant 625 : i32
    %scan3A_2 = arith.addi %scan3A, %scan3A_1 : i32
    %scan3A_3 = arith.constant 1 : i32
    scf.for %scan3A_11 = %scan3A to %scan3A_2 step %scan3A_3  : i32 {
      %mul3A_12 = arith.constant 1 : i32
      %mul3A_13 = arith.muli %scan3A_11, %mul3A_12 : i32
      %add3A_14 = arith.constant 0 : i32
      %add3A_15 = arith.addi %add3A_14, %mul3A_13 : i32
      %broadcast_in_dim3A_16 = arith.constant 0.000000e+00 : f32
      %broadcast_in_dim3A_17 = vector.broadcast %broadcast_in_dim3A_16 : f32 to vector<16xf32>
      %mul3A_18 = arith.constant 16 : i32
      %mul3A_19 = arith.muli %add3A_15, %mul3A_18 : i32
      %swap3A = arith.index_cast %mul3A_19 : i32 to index
      %swap3A_20 = tpu.vector_load %arg5[%swap3A] {strides = array<i32>} : memref<10000xf32, #tpu.memory_space<vmem>>, vector<16xf32>,
      tpu.vector_store %arg5[%swap3A], %broadcast_in_dim3A_17 {strides = array<i32>} : memref<10000xf32, #tpu.memory_space<vmem>>, vector<16xf32>,
    }
    %scan3A_4 = arith.constant 625 : i32
    "tpu.region"() ({
      %run_scoped3A_11 = tpu.sem_alloc : memref<!tpu.dma_semaphore, #tpu.memory_space<semaphore_mem>>
      %dma_start3A = arith.constant 0 : i32
      %dma_start3A_12 = arith.constant 0 : i32
      %dma_start3A_13 = tpu.memref_slice %arg2[%add3A, %dma_start3A, %dma_start3A_12] : memref<32x625x16xi32, #tpu.memory_space<hbm>> -> memref<1x625x16xi32, #tpu.memory_space<hbm>>
      %dma_start3A_14 = tpu.memref_squeeze %dma_start3A_13 : memref<1x625x16xi32, #tpu.memory_space<hbm>> -> memref<625x16xi32, #tpu.memory_space<hbm>>
      %dma_start3A_15 = arith.constant 0 : i32
      %dma_start3A_16 = arith.constant 0 : i32
      %dma_start3A_17 = tpu.memref_slice %arg2[%add3A, %dma_start3A_15, %dma_start3A_16] : memref<32x625x16xi32, #tpu.memory_space<hbm>> -> memref<1x625x16xi32, #tpu.memory_space<hbm>>
      %dma_start3A_18 = tpu.memref_squeeze %dma_start3A_17 : memref<1x625x16xi32, #tpu.memory_space<hbm>> -> memref<625x16xi32, #tpu.memory_space<hbm>>
      tpu.enqueue_dma source(%dma_start3A_18 : memref<625x16xi32, #tpu.memory_space<hbm>>) target(%arg4 : memref<625x16xi32, #tpu.memory_space<vmem>>) target_semaphore(%run_scoped3A_11 : memref<!tpu.dma_semaphore, #tpu.memory_space<semaphore_mem>>)
      %dma_wait3A = arith.constant 0 : i32
      %dma_wait3A_19 = arith.constant 0 : i32
      %dma_wait3A_20 = tpu.memref_slice %arg2[%add3A, %dma_wait3A, %dma_wait3A_19] : memref<32x625x16xi32, #tpu.memory_space<hbm>> -> memref<1x625x16xi32, #tpu.memory_space<hbm>>
      %dma_wait3A_21 = tpu.memref_squeeze %dma_wait3A_20 : memref<1x625x16xi32, #tpu.memory_space<hbm>> -> memref<625x16xi32, #tpu.memory_space<hbm>>
      %dma_wait3A_22 = arith.constant 0 : i32
      %dma_wait3A_23 = arith.constant 0 : i32
      %dma_wait3A_24 = tpu.memref_slice %arg2[%add3A, %dma_wait3A_22, %dma_wait3A_23] : memref<32x625x16xi32, #tpu.memory_space<hbm>> -> memref<1x625x16xi32, #tpu.memory_space<hbm>>
      %dma_wait3A_25 = tpu.memref_squeeze %dma_wait3A_24 : memref<1x625x16xi32, #tpu.memory_space<hbm>> -> memref<625x16xi32, #tpu.memory_space<hbm>>
      tpu.wait_dma2 semaphore(%run_scoped3A_11 : memref<!tpu.dma_semaphore, #tpu.memory_space<semaphore_mem>>) src(%dma_wait3A_25 : memref<625x16xi32, #tpu.memory_space<hbm>>) dst(%arg4 : memref<625x16xi32, #tpu.memory_space<vmem>>)
      tpu.yield
    }) : () -> ()
    %broadcast_in_dim3A = arith.constant 1.000000e+00 : f32
    %broadcast_in_dim3A_5 = vector.broadcast %broadcast_in_dim3A : f32 to vector<16xf32>
    %scan3A_6 = arith.constant 0 : i32
    %scan3A_7 = arith.constant 625 : i32
    %scan3A_8 = arith.addi %scan3A_6, %scan3A_7 : i32
    %scan3A_9 = arith.constant 1 : i32
    scf.for %scan3A_11 = %scan3A_6 to %scan3A_8 step %scan3A_9  : i32 {
      %mul3A_12 = arith.constant 1 : i32
      %mul3A_13 = arith.muli %scan3A_11, %mul3A_12 : i32
      %add3A_14 = arith.constant 0 : i32
      %add3A_15 = arith.addi %add3A_14, %mul3A_13 : i32
      %get3A = arith.index_cast %add3A_15 : i32 to index
      %get3A_16 = arith.constant 0 : index
      %get3A_17 = tpu.vector_load %arg4[%get3A, %get3A_16] {strides = array<i32>} : memref<625x16xi32, #tpu.memory_space<vmem>>, vector<16xi32>,
      tpu.vector_store_idx %arg5[%get3A_17], %broadcast_in_dim3A_5 {add = true} : memref<10000xf32, #tpu.memory_space<vmem>>[vector<16xi32>], vector<16xf32>,
    }
    %scan3A_10 = arith.constant 625 : i32
    %run_scoped3A = arith.constant 0 : i32
    "tpu.region"() ({
      %run_scoped3A_11 = tpu.sem_alloc : memref<!tpu.dma_semaphore, #tpu.memory_space<semaphore_mem>>
      %dma_start3A = arith.constant 0 : i32
      %dma_start3A_12 = tpu.memref_slice %arg3[%add3A, %run_scoped3A, %dma_start3A] : memref<32x1x10000xf32, #tpu.memory_space<hbm>> -> memref<1x1x10000xf32, #tpu.memory_space<hbm>>
      %dma_start3A_13 = tpu.memref_squeeze %dma_start3A_12 : memref<1x1x10000xf32, #tpu.memory_space<hbm>> -> memref<10000xf32, #tpu.memory_space<hbm>>
      %dma_start3A_14 = arith.constant 0 : i32
      %dma_start3A_15 = tpu.memref_slice %arg3[%add3A, %run_scoped3A, %dma_start3A_14] : memref<32x1x10000xf32, #tpu.memory_space<hbm>> -> memref<1x1x10000xf32, #tpu.memory_space<hbm>>
      %dma_start3A_16 = tpu.memref_squeeze %dma_start3A_15 : memref<1x1x10000xf32, #tpu.memory_space<hbm>> -> memref<10000xf32, #tpu.memory_space<hbm>>
      tpu.enqueue_dma source(%arg5 : memref<10000xf32, #tpu.memory_space<vmem>>) target(%dma_start3A_16 : memref<10000xf32, #tpu.memory_space<hbm>>) target_semaphore(%run_scoped3A_11 : memref<!tpu.dma_semaphore, #tpu.memory_space<semaphore_mem>>)
      %dma_wait3A = arith.constant 0 : i32
      %dma_wait3A_17 = tpu.memref_slice %arg3[%add3A, %run_scoped3A, %dma_wait3A] : memref<32x1x10000xf32, #tpu.memory_space<hbm>> -> memref<1x1x10000xf32, #tpu.memory_space<hbm>>
      %dma_wait3A_18 = tpu.memref_squeeze %dma_wait3A_17 : memref<1x1x10000xf32, #tpu.memory_space<hbm>> -> memref<10000xf32, #tpu.memory_space<hbm>>
      %dma_wait3A_19 = arith.constant 0 : i32
      %dma_wait3A_20 = tpu.memref_slice %arg3[%add3A, %run_scoped3A, %dma_wait3A_19] : memref<32x1x10000xf32, #tpu.memory_space<hbm>> -> memref<1x1x10000xf32, #tpu.memory_space<hbm>>
      %dma_wait3A_21 = tpu.memref_squeeze %dma_wait3A_20 : memref<1x1x10000xf32, #tpu.memory_space<hbm>> -> memref<10000xf32, #tpu.memory_space<hbm>>
      tpu.wait_dma2 semaphore(%run_scoped3A_11 : memref<!tpu.dma_semaphore, #tpu.memory_space<semaphore_mem>>) src(%arg5 : memref<10000xf32, #tpu.memory_space<vmem>>) dst(%dma_wait3A_21 : memref<10000xf32, #tpu.memory_space<hbm>>)
      tpu.yield
    }) : () -> ()
    return
  }
}

#map = affine_map<(d0, d1) -> (0, 0)>
#map1 = affine_map<(d0, d1) -> (0, 0, 0)>
module attributes {stable_mosaic.version = 14 : i64} {
  func.func @body(%arg0: i32, %arg1: i32, %arg2: memref<10000x128xf32, #tpu.memory_space<hbm>>, %arg3: memref<32x125x80xi32, #tpu.memory_space<hbm>>, %arg4: memref<10000x128xf32, #tpu.memory_space<hbm>>, %arg5: memref<2x10000x128xf32, #tpu.memory_space<hbm>>, %arg6: memref<125x80xi32, #tpu.memory_space<vmem>>, %arg7: memref<3x80xi32, #tpu.memory_space<vmem>>, %arg8: memref<3x80xi32, #tpu.memory_space<vmem>>, %arg9: memref<3x80x128xf32, #tpu.memory_space<vmem>>, %arg10: memref<10000x128xf32, #tpu.memory_space<vmem_shared>>, %arg11: memref<!tpu.dma_semaphore, #tpu.memory_space<semaphore_mem>>, %arg12: memref<!tpu.dma_semaphore, #tpu.memory_space<semaphore_mem>>, %arg13: memref<!tpu.dma_semaphore, #tpu.memory_space<semaphore_mem>>) attributes {dimension_semantics = [#tpu.dimension_semantics<core_parallel>, #tpu.dimension_semantics<subcore_parallel>], iteration_bounds = array<i64: 2, 16>, scalar_prefetch = 0 : i64, scratch_operands = 8 : i64, tpu.core_type = #tpu.core_type<sc_vector_subcore>, window_params = [{transform_indices = #map}, {transform_indices = #map1}, {transform_indices = #map}, {transform_indices = #map1}]} {
    %mul3A = arith.constant 16 : i32
    %mul3A_0 = arith.muli %arg0, %mul3A : i32
    %add3A = arith.addi %mul3A_0, %arg1 : i32
    %mul3A_1 = arith.constant 1000 : i32
    %mul3A_2 = arith.muli %arg1, %mul3A_1 : i32
    %lt3A = arith.constant 10 : i32
    %lt3A_3 = arith.cmpi slt, %arg1, %lt3A : i32
    %convert_element_type3A = arith.extui %lt3A_3 : i1 to i32
    %cond3A = arith.constant 0 : i32
    %cond3A_4 = arith.cmpi ne, %convert_element_type3A, %cond3A : i32
    scf.if %cond3A_4 {
      "tpu.region"() ({
        %run_scoped3A = tpu.sem_alloc : memref<!tpu.dma_semaphore, #tpu.memory_space<semaphore_mem>>
        %dma_start3A = arith.constant 0 : i32
        %dma_start3A_16 = tpu.memref_slice %arg10[%mul3A_2, %dma_start3A] : memref<10000x128xf32, #tpu.memory_space<vmem_shared>> -> memref<1000x128xf32, #tpu.memory_space<vmem_shared>>
        %dma_start3A_17 = arith.constant 0 : i32
        %dma_start3A_18 = tpu.memref_slice %arg4[%mul3A_2, %dma_start3A_17] : memref<10000x128xf32, #tpu.memory_space<hbm>> -> memref<1000x128xf32, #tpu.memory_space<hbm>>
        tpu.enqueue_dma source(%dma_start3A_18 : memref<1000x128xf32, #tpu.memory_space<hbm>>) target(%dma_start3A_16 : memref<1000x128xf32, #tpu.memory_space<vmem_shared>>) target_semaphore(%run_scoped3A : memref<!tpu.dma_semaphore, #tpu.memory_space<semaphore_mem>>)
        %dma_wait3A = arith.constant 0 : i32
        %dma_wait3A_19 = tpu.memref_slice %arg10[%mul3A_2, %dma_wait3A] : memref<10000x128xf32, #tpu.memory_space<vmem_shared>> -> memref<1000x128xf32, #tpu.memory_space<vmem_shared>>
        %dma_wait3A_20 = arith.constant 0 : i32
        %dma_wait3A_21 = tpu.memref_slice %arg4[%mul3A_2, %dma_wait3A_20] : memref<10000x128xf32, #tpu.memory_space<hbm>> -> memref<1000x128xf32, #tpu.memory_space<hbm>>
        tpu.wait_dma2 semaphore(%run_scoped3A : memref<!tpu.dma_semaphore, #tpu.memory_space<semaphore_mem>>) src(%dma_wait3A_21 : memref<1000x128xf32, #tpu.memory_space<hbm>>) dst(%dma_wait3A_19 : memref<1000x128xf32, #tpu.memory_space<vmem_shared>>)
        tpu.yield
      }) : () -> ()
    } else {
    }
    "tpu.region"() ({
      %run_scoped3A = tpu.sem_alloc : memref<!tpu.dma_semaphore, #tpu.memory_space<semaphore_mem>>
      %dma_start3A = arith.constant 0 : i32
      %dma_start3A_16 = arith.constant 0 : i32
      %dma_start3A_17 = tpu.memref_slice %arg3[%add3A, %dma_start3A, %dma_start3A_16] : memref<32x125x80xi32, #tpu.memory_space<hbm>> -> memref<1x125x80xi32, #tpu.memory_space<hbm>>
      %dma_start3A_18 = tpu.memref_squeeze %dma_start3A_17 : memref<1x125x80xi32, #tpu.memory_space<hbm>> -> memref<125x80xi32, #tpu.memory_space<hbm>>
      %dma_start3A_19 = arith.constant 0 : i32
      %dma_start3A_20 = arith.constant 0 : i32
      %dma_start3A_21 = tpu.memref_slice %arg3[%add3A, %dma_start3A_19, %dma_start3A_20] : memref<32x125x80xi32, #tpu.memory_space<hbm>> -> memref<1x125x80xi32, #tpu.memory_space<hbm>>
      %dma_start3A_22 = tpu.memref_squeeze %dma_start3A_21 : memref<1x125x80xi32, #tpu.memory_space<hbm>> -> memref<125x80xi32, #tpu.memory_space<hbm>>
      tpu.enqueue_dma source(%dma_start3A_22 : memref<125x80xi32, #tpu.memory_space<hbm>>) target(%arg6 : memref<125x80xi32, #tpu.memory_space<vmem>>) target_semaphore(%run_scoped3A : memref<!tpu.dma_semaphore, #tpu.memory_space<semaphore_mem>>)
      %dma_wait3A = arith.constant 0 : i32
      %dma_wait3A_23 = arith.constant 0 : i32
      %dma_wait3A_24 = tpu.memref_slice %arg3[%add3A, %dma_wait3A, %dma_wait3A_23] : memref<32x125x80xi32, #tpu.memory_space<hbm>> -> memref<1x125x80xi32, #tpu.memory_space<hbm>>
      %dma_wait3A_25 = tpu.memref_squeeze %dma_wait3A_24 : memref<1x125x80xi32, #tpu.memory_space<hbm>> -> memref<125x80xi32, #tpu.memory_space<hbm>>
      %dma_wait3A_26 = arith.constant 0 : i32
      %dma_wait3A_27 = arith.constant 0 : i32
      %dma_wait3A_28 = tpu.memref_slice %arg3[%add3A, %dma_wait3A_26, %dma_wait3A_27] : memref<32x125x80xi32, #tpu.memory_space<hbm>> -> memref<1x125x80xi32, #tpu.memory_space<hbm>>
      %dma_wait3A_29 = tpu.memref_squeeze %dma_wait3A_28 : memref<1x125x80xi32, #tpu.memory_space<hbm>> -> memref<125x80xi32, #tpu.memory_space<hbm>>
      tpu.wait_dma2 semaphore(%run_scoped3A : memref<!tpu.dma_semaphore, #tpu.memory_space<semaphore_mem>>) src(%dma_wait3A_29 : memref<125x80xi32, #tpu.memory_space<hbm>>) dst(%arg6 : memref<125x80xi32, #tpu.memory_space<vmem>>)
      tpu.yield
    }) : () -> ()
    %barrier3A = arith.constant 0 : index
    tpu.barrier barrier_id(%barrier3A)
    %scan3A = arith.constant 65535 : i32
    %scan3A_5 = arith.constant 0 : i32
    %scan3A_6 = arith.constant 43 : i32
    %scan3A_7 = arith.addi %scan3A_5, %scan3A_6 : i32
    %scan3A_8 = arith.constant 1 : i32
    scf.for %scan3A_16 = %scan3A_5 to %scan3A_7 step %scan3A_8  : i32 {
      %mul3A_17 = arith.constant 1 : i32
      %mul3A_18 = arith.muli %scan3A_16, %mul3A_17 : i32
      %add3A_19 = arith.constant 0 : i32
      %add3A_20 = arith.addi %add3A_19, %mul3A_18 : i32
      %mul3A_21 = arith.constant 3 : i32
      %mul3A_22 = arith.muli %add3A_20, %mul3A_21 : i32
      %add3A_23 = arith.constant 0 : i32
      %add3A_24 = arith.addi %mul3A_22, %add3A_23 : i32
      %sub3A = arith.constant 3 : i32
      %sub3A_25 = arith.subi %add3A_24, %sub3A : i32
      %mul3A_26 = arith.constant 3 : i32
      %mul3A_27 = arith.muli %add3A_20, %mul3A_26 : i32
      %add3A_28 = arith.constant 0 : i32
      %add3A_29 = arith.addi %mul3A_27, %add3A_28 : i32
      %ge3A = arith.constant 0 : i32
      %ge3A_30 = arith.cmpi sge, %sub3A_25, %ge3A : i32
      %lt3A_31 = arith.constant 125 : i32
      %lt3A_32 = arith.cmpi slt, %sub3A_25, %lt3A_31 : i32
      %and3A = arith.andi %ge3A_30, %lt3A_32 : i1
      %convert_element_type3A_33 = arith.extui %and3A : i1 to i32
      %cond3A_34 = arith.constant 0 : i32
      %cond3A_35 = arith.cmpi ne, %convert_element_type3A_33, %cond3A_34 : i32
      scf.if %cond3A_35 {
        %dma_wait3A = arith.constant 0 : i32
        %dma_wait3A_87 = arith.constant 0 : i32
        %dma_wait3A_88 = arith.constant 0 : i32
        %dma_wait3A_89 = arith.constant 0 : i32
        %dma_wait3A_90 = tpu.memref_slice %arg9[%dma_wait3A_87, %dma_wait3A_88, %dma_wait3A_89] : memref<3x80x128xf32, #tpu.memory_space<vmem>> -> memref<1x80x128xf32, #tpu.memory_space<vmem>>
        %dma_wait3A_91 = tpu.memref_squeeze %dma_wait3A_90 : memref<1x80x128xf32, #tpu.memory_space<vmem>> -> memref<80x128xf32, #tpu.memory_space<vmem>>
        %dma_wait3A_92 = arith.constant 0 : i32
        %dma_wait3A_93 = tpu.memref_slice %arg7[%dma_wait3A, %dma_wait3A_92] : memref<3x80xi32, #tpu.memory_space<vmem>> -> memref<1x80xi32, #tpu.memory_space<vmem>>
        %dma_wait3A_94 = tpu.memref_squeeze %dma_wait3A_93 : memref<1x80xi32, #tpu.memory_space<vmem>> -> memref<80xi32, #tpu.memory_space<vmem>>
        %dma_wait3A_95 = arith.constant 0 : i32
        %dma_wait3A_96 = arith.constant 0 : i32
        %dma_wait3A_97 = tpu.memref_slice %arg2[%dma_wait3A_95, %dma_wait3A_96] : memref<10000x128xf32, #tpu.memory_space<hbm>> -> memref<10000x128xf32, #tpu.memory_space<hbm>>
        tpu.wait_indirect_dma semaphore(%arg11 : memref<!tpu.dma_semaphore, #tpu.memory_space<semaphore_mem>>) src(%dma_wait3A_97 : memref<10000x128xf32, #tpu.memory_space<hbm>>) dst(%dma_wait3A_91 : memref<80x128xf32, #tpu.memory_space<vmem>>)
        %run_scoped3A = arith.constant 0 : i32
        %run_scoped3A_98 = arith.constant 0 : i32
        "tpu.region"() ({
          %run_scoped3A_99 = tpu.sem_alloc : memref<!tpu.dma_semaphore, #tpu.memory_space<semaphore_mem>>
          %dma_start3A = arith.constant 0 : i32
          %dma_start3A_100 = arith.constant 0 : i32
          %dma_start3A_101 = tpu.memref_slice %arg9[%run_scoped3A, %dma_start3A, %dma_start3A_100] : memref<3x80x128xf32, #tpu.memory_space<vmem>> -> memref<1x80x128xf32, #tpu.memory_space<vmem>>
          %dma_start3A_102 = tpu.memref_squeeze %dma_start3A_101 : memref<1x80x128xf32, #tpu.memory_space<vmem>> -> memref<80x128xf32, #tpu.memory_space<vmem>>
          %dma_start3A_103 = arith.constant 0 : i32
          %dma_start3A_104 = tpu.memref_slice %arg8[%run_scoped3A_98, %dma_start3A_103] : memref<3x80xi32, #tpu.memory_space<vmem>> -> memref<1x80xi32, #tpu.memory_space<vmem>>
          %dma_start3A_105 = tpu.memref_squeeze %dma_start3A_104 : memref<1x80xi32, #tpu.memory_space<vmem>> -> memref<80xi32, #tpu.memory_space<vmem>>
          %dma_start3A_106 = arith.constant 0 : i32
          %dma_start3A_107 = arith.constant 0 : i32
          %dma_start3A_108 = tpu.memref_slice %arg10[%dma_start3A_106, %dma_start3A_107] : memref<10000x128xf32, #tpu.memory_space<vmem_shared>> -> memref<10000x128xf32, #tpu.memory_space<vmem_shared>>
          tpu.enqueue_indirect_dma source(%dma_start3A_102 : memref<80x128xf32, #tpu.memory_space<vmem>>) target(%dma_start3A_108 : memref<10000x128xf32, #tpu.memory_space<vmem_shared>>) offsets(%dma_start3A_105 : memref<80xi32, #tpu.memory_space<vmem>>) semaphore(%run_scoped3A_99 : memref<!tpu.dma_semaphore, #tpu.memory_space<semaphore_mem>>) {add = true}
          %dma_wait3A_109 = arith.constant 0 : i32
          %dma_wait3A_110 = arith.constant 0 : i32
          %dma_wait3A_111 = tpu.memref_slice %arg9[%run_scoped3A, %dma_wait3A_109, %dma_wait3A_110] : memref<3x80x128xf32, #tpu.memory_space<vmem>> -> memref<1x80x128xf32, #tpu.memory_space<vmem>>
          %dma_wait3A_112 = tpu.memref_squeeze %dma_wait3A_111 : memref<1x80x128xf32, #tpu.memory_space<vmem>> -> memref<80x128xf32, #tpu.memory_space<vmem>>
          %dma_wait3A_113 = arith.constant 0 : i32
          %dma_wait3A_114 = tpu.memref_slice %arg8[%run_scoped3A_98, %dma_wait3A_113] : memref<3x80xi32, #tpu.memory_space<vmem>> -> memref<1x80xi32, #tpu.memory_space<vmem>>
          %dma_wait3A_115 = tpu.memref_squeeze %dma_wait3A_114 : memref<1x80xi32, #tpu.memory_space<vmem>> -> memref<80xi32, #tpu.memory_space<vmem>>
          %dma_wait3A_116 = arith.constant 0 : i32
          %dma_wait3A_117 = arith.constant 0 : i32
          %dma_wait3A_118 = tpu.memref_slice %arg10[%dma_wait3A_116, %dma_wait3A_117] : memref<10000x128xf32, #tpu.memory_space<vmem_shared>> -> memref<10000x128xf32, #tpu.memory_space<vmem_shared>>
          tpu.wait_indirect_dma semaphore(%run_scoped3A_99 : memref<!tpu.dma_semaphore, #tpu.memory_space<semaphore_mem>>) src(%dma_wait3A_112 : memref<80x128xf32, #tpu.memory_space<vmem>>) dst(%dma_wait3A_118 : memref<10000x128xf32, #tpu.memory_space<vmem_shared>>)
          tpu.yield
        }) : () -> ()
      } else {
      }
      %lt3A_36 = arith.constant 125 : i32
      %lt3A_37 = arith.cmpi slt, %add3A_29, %lt3A_36 : i32
      %convert_element_type3A_38 = arith.extui %lt3A_37 : i1 to i32
      %cond3A_39 = arith.constant 0 : i32
      %cond3A_40 = arith.cmpi ne, %convert_element_type3A_38, %cond3A_39 : i32
      scf.if %cond3A_40 {
        %get3A = arith.index_cast %add3A_29 : i32 to index
        %get3A_87 = arith.constant 0 : index
        %get3A_88 = tpu.vector_load %arg6[%get3A, %get3A_87] {strides = array<i32>} : memref<125x80xi32, #tpu.memory_space<vmem>>, vector<1x16xi32>,
        %get3A_89 = vector.shape_cast %get3A_88 : vector<1x16xi32> to vector<16xi32>
        %and3A_90 = vector.broadcast %scan3A : i32 to vector<16xi32>
        %and3A_91 = arith.andi %get3A_89, %and3A_90 : vector<16xi32>
        %swap3A = arith.constant 0 : i32
        %swap3A_92 = arith.index_cast %swap3A : i32 to index
        %swap3A_93 = arith.constant 0 : index
        %swap3A_94 = tpu.vector_load %arg7[%swap3A_92, %swap3A_93] {strides = array<i32>} : memref<3x80xi32, #tpu.memory_space<vmem>>, vector<1x16xi32>,
        %swap3A_95 = vector.shape_cast %swap3A_94 : vector<1x16xi32> to vector<16xi32>
        %swap3A_96 = vector.shape_cast %and3A_91 : vector<16xi32> to vector<1x16xi32>
        tpu.vector_store %arg7[%swap3A_92, %swap3A_93], %swap3A_96 {strides = array<i32>} : memref<3x80xi32, #tpu.memory_space<vmem>>, vector<1x16xi32>,
        %shift_right_logical3A = arith.constant 16 : i32
        %shift_right_logical3A_97 = vector.broadcast %shift_right_logical3A : i32 to vector<16xi32>
        %shift_right_logical3A_98 = arith.shrui %get3A_89, %shift_right_logical3A_97 : vector<16xi32>
        %swap3A_99 = arith.constant 0 : i32
        %swap3A_100 = arith.index_cast %swap3A_99 : i32 to index
        %swap3A_101 = arith.constant 0 : index
        %swap3A_102 = tpu.vector_load %arg8[%swap3A_100, %swap3A_101] {strides = array<i32>} : memref<3x80xi32, #tpu.memory_space<vmem>>, vector<1x16xi32>,
        %swap3A_103 = vector.shape_cast %swap3A_102 : vector<1x16xi32> to vector<16xi32>
        %swap3A_104 = vector.shape_cast %shift_right_logical3A_98 : vector<16xi32> to vector<1x16xi32>
        tpu.vector_store %arg8[%swap3A_100, %swap3A_101], %swap3A_104 {strides = array<i32>} : memref<3x80xi32, #tpu.memory_space<vmem>>, vector<1x16xi32>,
        %get3A_105 = arith.index_cast %add3A_29 : i32 to index
        %get3A_106 = arith.constant 16 : index
        %get3A_107 = tpu.vector_load %arg6[%get3A_105, %get3A_106] {strides = array<i32>} : memref<125x80xi32, #tpu.memory_space<vmem>>, vector<1x16xi32>,
        %get3A_108 = vector.shape_cast %get3A_107 : vector<1x16xi32> to vector<16xi32>
        %and3A_109 = vector.broadcast %scan3A : i32 to vector<16xi32>
        %and3A_110 = arith.andi %get3A_108, %and3A_109 : vector<16xi32>
        %swap3A_111 = arith.constant 0 : i32
        %swap3A_112 = arith.index_cast %swap3A_111 : i32 to index
        %swap3A_113 = arith.constant 16 : index
        %swap3A_114 = tpu.vector_load %arg7[%swap3A_112, %swap3A_113] {strides = array<i32>} : memref<3x80xi32, #tpu.memory_space<vmem>>, vector<1x16xi32>,
        %swap3A_115 = vector.shape_cast %swap3A_114 : vector<1x16xi32> to vector<16xi32>
        %swap3A_116 = vector.shape_cast %and3A_110 : vector<16xi32> to vector<1x16xi32>
        tpu.vector_store %arg7[%swap3A_112, %swap3A_113], %swap3A_116 {strides = array<i32>} : memref<3x80xi32, #tpu.memory_space<vmem>>, vector<1x16xi32>,
        %shift_right_logical3A_117 = arith.constant 16 : i32
        %shift_right_logical3A_118 = vector.broadcast %shift_right_logical3A_117 : i32 to vector<16xi32>
        %shift_right_logical3A_119 = arith.shrui %get3A_108, %shift_right_logical3A_118 : vector<16xi32>
        %swap3A_120 = arith.constant 0 : i32
        %swap3A_121 = arith.index_cast %swap3A_120 : i32 to index
        %swap3A_122 = arith.constant 16 : index
        %swap3A_123 = tpu.vector_load %arg8[%swap3A_121, %swap3A_122] {strides = array<i32>} : memref<3x80xi32, #tpu.memory_space<vmem>>, vector<1x16xi32>,
        %swap3A_124 = vector.shape_cast %swap3A_123 : vector<1x16xi32> to vector<16xi32>
        %swap3A_125 = vector.shape_cast %shift_right_logical3A_119 : vector<16xi32> to vector<1x16xi32>
        tpu.vector_store %arg8[%swap3A_121, %swap3A_122], %swap3A_125 {strides = array<i32>} : memref<3x80xi32, #tpu.memory_space<vmem>>, vector<1x16xi32>,
        %get3A_126 = arith.index_cast %add3A_29 : i32 to index
        %get3A_127 = arith.constant 32 : index
        %get3A_128 = tpu.vector_load %arg6[%get3A_126, %get3A_127] {strides = array<i32>} : memref<125x80xi32, #tpu.memory_space<vmem>>, vector<1x16xi32>,
        %get3A_129 = vector.shape_cast %get3A_128 : vector<1x16xi32> to vector<16xi32>
        %and3A_130 = vector.broadcast %scan3A : i32 to vector<16xi32>
        %and3A_131 = arith.andi %get3A_129, %and3A_130 : vector<16xi32>
        %swap3A_132 = arith.constant 0 : i32
        %swap3A_133 = arith.index_cast %swap3A_132 : i32 to index
        %swap3A_134 = arith.constant 32 : index
        %swap3A_135 = tpu.vector_load %arg7[%swap3A_133, %swap3A_134] {strides = array<i32>} : memref<3x80xi32, #tpu.memory_space<vmem>>, vector<1x16xi32>,
        %swap3A_136 = vector.shape_cast %swap3A_135 : vector<1x16xi32> to vector<16xi32>
        %swap3A_137 = vector.shape_cast %and3A_131 : vector<16xi32> to vector<1x16xi32>
        tpu.vector_store %arg7[%swap3A_133, %swap3A_134], %swap3A_137 {strides = array<i32>} : memref<3x80xi32, #tpu.memory_space<vmem>>, vector<1x16xi32>,
        %shift_right_logical3A_138 = arith.constant 16 : i32
        %shift_right_logical3A_139 = vector.broadcast %shift_right_logical3A_138 : i32 to vector<16xi32>
        %shift_right_logical3A_140 = arith.shrui %get3A_129, %shift_right_logical3A_139 : vector<16xi32>
        %swap3A_141 = arith.constant 0 : i32
        %swap3A_142 = arith.index_cast %swap3A_141 : i32 to index
        %swap3A_143 = arith.constant 32 : index
        %swap3A_144 = tpu.vector_load %arg8[%swap3A_142, %swap3A_143] {strides = array<i32>} : memref<3x80xi32, #tpu.memory_space<vmem>>, vector<1x16xi32>,
        %swap3A_145 = vector.shape_cast %swap3A_144 : vector<1x16xi32> to vector<16xi32>
        %swap3A_146 = vector.shape_cast %shift_right_logical3A_140 : vector<16xi32> to vector<1x16xi32>
        tpu.vector_store %arg8[%swap3A_142, %swap3A_143], %swap3A_146 {strides = array<i32>} : memref<3x80xi32, #tpu.memory_space<vmem>>, vector<1x16xi32>,
        %get3A_147 = arith.index_cast %add3A_29 : i32 to index
        %get3A_148 = arith.constant 48 : index
        %get3A_149 = tpu.vector_load %arg6[%get3A_147, %get3A_148] {strides = array<i32>} : memref<125x80xi32, #tpu.memory_space<vmem>>, vector<1x16xi32>,
        %get3A_150 = vector.shape_cast %get3A_149 : vector<1x16xi32> to vector<16xi32>
        %and3A_151 = vector.broadcast %scan3A : i32 to vector<16xi32>
        %and3A_152 = arith.andi %get3A_150, %and3A_151 : vector<16xi32>
        %swap3A_153 = arith.constant 0 : i32
        %swap3A_154 = arith.index_cast %swap3A_153 : i32 to index
        %swap3A_155 = arith.constant 48 : index
        %swap3A_156 = tpu.vector_load %arg7[%swap3A_154, %swap3A_155] {strides = array<i32>} : memref<3x80xi32, #tpu.memory_space<vmem>>, vector<1x16xi32>,
        %swap3A_157 = vector.shape_cast %swap3A_156 : vector<1x16xi32> to vector<16xi32>
        %swap3A_158 = vector.shape_cast %and3A_152 : vector<16xi32> to vector<1x16xi32>
        tpu.vector_store %arg7[%swap3A_154, %swap3A_155], %swap3A_158 {strides = array<i32>} : memref<3x80xi32, #tpu.memory_space<vmem>>, vector<1x16xi32>,
        %shift_right_logical3A_159 = arith.constant 16 : i32
        %shift_right_logical3A_160 = vector.broadcast %shift_right_logical3A_159 : i32 to vector<16xi32>
        %shift_right_logical3A_161 = arith.shrui %get3A_150, %shift_right_logical3A_160 : vector<16xi32>
        %swap3A_162 = arith.constant 0 : i32
        %swap3A_163 = arith.index_cast %swap3A_162 : i32 to index
        %swap3A_164 = arith.constant 48 : index
        %swap3A_165 = tpu.vector_load %arg8[%swap3A_163, %swap3A_164] {strides = array<i32>} : memref<3x80xi32, #tpu.memory_space<vmem>>, vector<1x16xi32>,
        %swap3A_166 = vector.shape_cast %swap3A_165 : vector<1x16xi32> to vector<16xi32>
        %swap3A_167 = vector.shape_cast %shift_right_logical3A_161 : vector<16xi32> to vector<1x16xi32>
        tpu.vector_store %arg8[%swap3A_163, %swap3A_164], %swap3A_167 {strides = array<i32>} : memref<3x80xi32, #tpu.memory_space<vmem>>, vector<1x16xi32>,
        %get3A_168 = arith.index_cast %add3A_29 : i32 to index
        %get3A_169 = arith.constant 64 : index
        %get3A_170 = tpu.vector_load %arg6[%get3A_168, %get3A_169] {strides = array<i32>} : memref<125x80xi32, #tpu.memory_space<vmem>>, vector<1x16xi32>,
        %get3A_171 = vector.shape_cast %get3A_170 : vector<1x16xi32> to vector<16xi32>
        %and3A_172 = vector.broadcast %scan3A : i32 to vector<16xi32>
        %and3A_173 = arith.andi %get3A_171, %and3A_172 : vector<16xi32>
        %swap3A_174 = arith.constant 0 : i32
        %swap3A_175 = arith.index_cast %swap3A_174 : i32 to index
        %swap3A_176 = arith.constant 64 : index
        %swap3A_177 = tpu.vector_load %arg7[%swap3A_175, %swap3A_176] {strides = array<i32>} : memref<3x80xi32, #tpu.memory_space<vmem>>, vector<1x16xi32>,
        %swap3A_178 = vector.shape_cast %swap3A_177 : vector<1x16xi32> to vector<16xi32>
        %swap3A_179 = vector.shape_cast %and3A_173 : vector<16xi32> to vector<1x16xi32>
        tpu.vector_store %arg7[%swap3A_175, %swap3A_176], %swap3A_179 {strides = array<i32>} : memref<3x80xi32, #tpu.memory_space<vmem>>, vector<1x16xi32>,
        %shift_right_logical3A_180 = arith.constant 16 : i32
        %shift_right_logical3A_181 = vector.broadcast %shift_right_logical3A_180 : i32 to vector<16xi32>
        %shift_right_logical3A_182 = arith.shrui %get3A_171, %shift_right_logical3A_181 : vector<16xi32>
        %swap3A_183 = arith.constant 0 : i32
        %swap3A_184 = arith.index_cast %swap3A_183 : i32 to index
        %swap3A_185 = arith.constant 64 : index
        %swap3A_186 = tpu.vector_load %arg8[%swap3A_184, %swap3A_185] {strides = array<i32>} : memref<3x80xi32, #tpu.memory_space<vmem>>, vector<1x16xi32>,
        %swap3A_187 = vector.shape_cast %swap3A_186 : vector<1x16xi32> to vector<16xi32>
        %swap3A_188 = vector.shape_cast %shift_right_logical3A_182 : vector<16xi32> to vector<1x16xi32>
        tpu.vector_store %arg8[%swap3A_184, %swap3A_185], %swap3A_188 {strides = array<i32>} : memref<3x80xi32, #tpu.memory_space<vmem>>, vector<1x16xi32>,
        %dma_start3A = arith.constant 0 : i32
        %dma_start3A_189 = arith.constant 0 : i32
        %dma_start3A_190 = arith.constant 0 : i32
        %dma_start3A_191 = arith.constant 0 : i32
        %dma_start3A_192 = tpu.memref_slice %arg9[%dma_start3A_189, %dma_start3A_190, %dma_start3A_191] : memref<3x80x128xf32, #tpu.memory_space<vmem>> -> memref<1x80x128xf32, #tpu.memory_space<vmem>>
        %dma_start3A_193 = tpu.memref_squeeze %dma_start3A_192 : memref<1x80x128xf32, #tpu.memory_space<vmem>> -> memref<80x128xf32, #tpu.memory_space<vmem>>
        %dma_start3A_194 = arith.constant 0 : i32
        %dma_start3A_195 = tpu.memref_slice %arg7[%dma_start3A, %dma_start3A_194] : memref<3x80xi32, #tpu.memory_space<vmem>> -> memref<1x80xi32, #tpu.memory_space<vmem>>
        %dma_start3A_196 = tpu.memref_squeeze %dma_start3A_195 : memref<1x80xi32, #tpu.memory_space<vmem>> -> memref<80xi32, #tpu.memory_space<vmem>>
        %dma_start3A_197 = arith.constant 0 : i32
        %dma_start3A_198 = arith.constant 0 : i32
        %dma_start3A_199 = tpu.memref_slice %arg2[%dma_start3A_197, %dma_start3A_198] : memref<10000x128xf32, #tpu.memory_space<hbm>> -> memref<10000x128xf32, #tpu.memory_space<hbm>>
        tpu.enqueue_indirect_dma source(%dma_start3A_199 : memref<10000x128xf32, #tpu.memory_space<hbm>>) target(%dma_start3A_193 : memref<80x128xf32, #tpu.memory_space<vmem>>) offsets(%dma_start3A_196 : memref<80xi32, #tpu.memory_space<vmem>>) semaphore(%arg11 : memref<!tpu.dma_semaphore, #tpu.memory_space<semaphore_mem>>)
      } else {
      }
      %mul3A_41 = arith.constant 3 : i32
      %mul3A_42 = arith.muli %add3A_20, %mul3A_41 : i32
      %add3A_43 = arith.constant 1 : i32
      %add3A_44 = arith.addi %mul3A_42, %add3A_43 : i32
      %sub3A_45 = arith.constant 3 : i32
      %sub3A_46 = arith.subi %add3A_44, %sub3A_45 : i32
      %mul3A_47 = arith.constant 3 : i32
      %mul3A_48 = arith.muli %add3A_20, %mul3A_47 : i32
      %add3A_49 = arith.constant 1 : i32
      %add3A_50 = arith.addi %mul3A_48, %add3A_49 : i32
      %ge3A_51 = arith.constant 0 : i32
      %ge3A_52 = arith.cmpi sge, %sub3A_46, %ge3A_51 : i32
      %lt3A_53 = arith.constant 125 : i32
      %lt3A_54 = arith.cmpi slt, %sub3A_46, %lt3A_53 : i32
      %and3A_55 = arith.andi %ge3A_52, %lt3A_54 : i1
      %convert_element_type3A_56 = arith.extui %and3A_55 : i1 to i32
      %cond3A_57 = arith.constant 0 : i32
      %cond3A_58 = arith.cmpi ne, %convert_element_type3A_56, %cond3A_57 : i32
      scf.if %cond3A_58 {
        %dma_wait3A = arith.constant 1 : i32
        %dma_wait3A_87 = arith.constant 1 : i32
        %dma_wait3A_88 = arith.constant 0 : i32
        %dma_wait3A_89 = arith.constant 0 : i32
        %dma_wait3A_90 = tpu.memref_slice %arg9[%dma_wait3A_87, %dma_wait3A_88, %dma_wait3A_89] : memref<3x80x128xf32, #tpu.memory_space<vmem>> -> memref<1x80x128xf32, #tpu.memory_space<vmem>>
        %dma_wait3A_91 = tpu.memref_squeeze %dma_wait3A_90 : memref<1x80x128xf32, #tpu.memory_space<vmem>> -> memref<80x128xf32, #tpu.memory_space<vmem>>
        %dma_wait3A_92 = arith.constant 0 : i32
        %dma_wait3A_93 = tpu.memref_slice %arg7[%dma_wait3A, %dma_wait3A_92] : memref<3x80xi32, #tpu.memory_space<vmem>> -> memref<1x80xi32, #tpu.memory_space<vmem>>
        %dma_wait3A_94 = tpu.memref_squeeze %dma_wait3A_93 : memref<1x80xi32, #tpu.memory_space<vmem>> -> memref<80xi32, #tpu.memory_space<vmem>>
        %dma_wait3A_95 = arith.constant 0 : i32
        %dma_wait3A_96 = arith.constant 0 : i32
        %dma_wait3A_97 = tpu.memref_slice %arg2[%dma_wait3A_95, %dma_wait3A_96] : memref<10000x128xf32, #tpu.memory_space<hbm>> -> memref<10000x128xf32, #tpu.memory_space<hbm>>
        tpu.wait_indirect_dma semaphore(%arg12 : memref<!tpu.dma_semaphore, #tpu.memory_space<semaphore_mem>>) src(%dma_wait3A_97 : memref<10000x128xf32, #tpu.memory_space<hbm>>) dst(%dma_wait3A_91 : memref<80x128xf32, #tpu.memory_space<vmem>>)
        %run_scoped3A = arith.constant 1 : i32
        %run_scoped3A_98 = arith.constant 1 : i32
        "tpu.region"() ({
          %run_scoped3A_99 = tpu.sem_alloc : memref<!tpu.dma_semaphore, #tpu.memory_space<semaphore_mem>>
          %dma_start3A = arith.constant 0 : i32
          %dma_start3A_100 = arith.constant 0 : i32
          %dma_start3A_101 = tpu.memref_slice %arg9[%run_scoped3A, %dma_start3A, %dma_start3A_100] : memref<3x80x128xf32, #tpu.memory_space<vmem>> -> memref<1x80x128xf32, #tpu.memory_space<vmem>>
          %dma_start3A_102 = tpu.memref_squeeze %dma_start3A_101 : memref<1x80x128xf32, #tpu.memory_space<vmem>> -> memref<80x128xf32, #tpu.memory_space<vmem>>
          %dma_start3A_103 = arith.constant 0 : i32
          %dma_start3A_104 = tpu.memref_slice %arg8[%run_scoped3A_98, %dma_start3A_103] : memref<3x80xi32, #tpu.memory_space<vmem>> -> memref<1x80xi32, #tpu.memory_space<vmem>>
          %dma_start3A_105 = tpu.memref_squeeze %dma_start3A_104 : memref<1x80xi32, #tpu.memory_space<vmem>> -> memref<80xi32, #tpu.memory_space<vmem>>
          %dma_start3A_106 = arith.constant 0 : i32
          %dma_start3A_107 = arith.constant 0 : i32
          %dma_start3A_108 = tpu.memref_slice %arg10[%dma_start3A_106, %dma_start3A_107] : memref<10000x128xf32, #tpu.memory_space<vmem_shared>> -> memref<10000x128xf32, #tpu.memory_space<vmem_shared>>
          tpu.enqueue_indirect_dma source(%dma_start3A_102 : memref<80x128xf32, #tpu.memory_space<vmem>>) target(%dma_start3A_108 : memref<10000x128xf32, #tpu.memory_space<vmem_shared>>) offsets(%dma_start3A_105 : memref<80xi32, #tpu.memory_space<vmem>>) semaphore(%run_scoped3A_99 : memref<!tpu.dma_semaphore, #tpu.memory_space<semaphore_mem>>) {add = true}
          %dma_wait3A_109 = arith.constant 0 : i32
          %dma_wait3A_110 = arith.constant 0 : i32
          %dma_wait3A_111 = tpu.memref_slice %arg9[%run_scoped3A, %dma_wait3A_109, %dma_wait3A_110] : memref<3x80x128xf32, #tpu.memory_space<vmem>> -> memref<1x80x128xf32, #tpu.memory_space<vmem>>
          %dma_wait3A_112 = tpu.memref_squeeze %dma_wait3A_111 : memref<1x80x128xf32, #tpu.memory_space<vmem>> -> memref<80x128xf32, #tpu.memory_space<vmem>>
          %dma_wait3A_113 = arith.constant 0 : i32
          %dma_wait3A_114 = tpu.memref_slice %arg8[%run_scoped3A_98, %dma_wait3A_113] : memref<3x80xi32, #tpu.memory_space<vmem>> -> memref<1x80xi32, #tpu.memory_space<vmem>>
          %dma_wait3A_115 = tpu.memref_squeeze %dma_wait3A_114 : memref<1x80xi32, #tpu.memory_space<vmem>> -> memref<80xi32, #tpu.memory_space<vmem>>
          %dma_wait3A_116 = arith.constant 0 : i32
          %dma_wait3A_117 = arith.constant 0 : i32
          %dma_wait3A_118 = tpu.memref_slice %arg10[%dma_wait3A_116, %dma_wait3A_117] : memref<10000x128xf32, #tpu.memory_space<vmem_shared>> -> memref<10000x128xf32, #tpu.memory_space<vmem_shared>>
          tpu.wait_indirect_dma semaphore(%run_scoped3A_99 : memref<!tpu.dma_semaphore, #tpu.memory_space<semaphore_mem>>) src(%dma_wait3A_112 : memref<80x128xf32, #tpu.memory_space<vmem>>) dst(%dma_wait3A_118 : memref<10000x128xf32, #tpu.memory_space<vmem_shared>>)
          tpu.yield
        }) : () -> ()
      } else {
      }
      %lt3A_59 = arith.constant 125 : i32
      %lt3A_60 = arith.cmpi slt, %add3A_50, %lt3A_59 : i32
      %convert_element_type3A_61 = arith.extui %lt3A_60 : i1 to i32
      %cond3A_62 = arith.constant 0 : i32
      %cond3A_63 = arith.cmpi ne, %convert_element_type3A_61, %cond3A_62 : i32
      scf.if %cond3A_63 {
        %get3A = arith.index_cast %add3A_50 : i32 to index
        %get3A_87 = arith.constant 0 : index
        %get3A_88 = tpu.vector_load %arg6[%get3A, %get3A_87] {strides = array<i32>} : memref<125x80xi32, #tpu.memory_space<vmem>>, vector<1x16xi32>,
        %get3A_89 = vector.shape_cast %get3A_88 : vector<1x16xi32> to vector<16xi32>
        %and3A_90 = vector.broadcast %scan3A : i32 to vector<16xi32>
        %and3A_91 = arith.andi %get3A_89, %and3A_90 : vector<16xi32>
        %swap3A = arith.constant 1 : i32
        %swap3A_92 = arith.index_cast %swap3A : i32 to index
        %swap3A_93 = arith.constant 0 : index
        %swap3A_94 = tpu.vector_load %arg7[%swap3A_92, %swap3A_93] {strides = array<i32>} : memref<3x80xi32, #tpu.memory_space<vmem>>, vector<1x16xi32>,
        %swap3A_95 = vector.shape_cast %swap3A_94 : vector<1x16xi32> to vector<16xi32>
        %swap3A_96 = vector.shape_cast %and3A_91 : vector<16xi32> to vector<1x16xi32>
        tpu.vector_store %arg7[%swap3A_92, %swap3A_93], %swap3A_96 {strides = array<i32>} : memref<3x80xi32, #tpu.memory_space<vmem>>, vector<1x16xi32>,
        %shift_right_logical3A = arith.constant 16 : i32
        %shift_right_logical3A_97 = vector.broadcast %shift_right_logical3A : i32 to vector<16xi32>
        %shift_right_logical3A_98 = arith.shrui %get3A_89, %shift_right_logical3A_97 : vector<16xi32>
        %swap3A_99 = arith.constant 1 : i32
        %swap3A_100 = arith.index_cast %swap3A_99 : i32 to index
        %swap3A_101 = arith.constant 0 : index
        %swap3A_102 = tpu.vector_load %arg8[%swap3A_100, %swap3A_101] {strides = array<i32>} : memref<3x80xi32, #tpu.memory_space<vmem>>, vector<1x16xi32>,
        %swap3A_103 = vector.shape_cast %swap3A_102 : vector<1x16xi32> to vector<16xi32>
        %swap3A_104 = vector.shape_cast %shift_right_logical3A_98 : vector<16xi32> to vector<1x16xi32>
        tpu.vector_store %arg8[%swap3A_100, %swap3A_101], %swap3A_104 {strides = array<i32>} : memref<3x80xi32, #tpu.memory_space<vmem>>, vector<1x16xi32>,
        %get3A_105 = arith.index_cast %add3A_50 : i32 to index
        %get3A_106 = arith.constant 16 : index
        %get3A_107 = tpu.vector_load %arg6[%get3A_105, %get3A_106] {strides = array<i32>} : memref<125x80xi32, #tpu.memory_space<vmem>>, vector<1x16xi32>,
        %get3A_108 = vector.shape_cast %get3A_107 : vector<1x16xi32> to vector<16xi32>
        %and3A_109 = vector.broadcast %scan3A : i32 to vector<16xi32>
        %and3A_110 = arith.andi %get3A_108, %and3A_109 : vector<16xi32>
        %swap3A_111 = arith.constant 1 : i32
        %swap3A_112 = arith.index_cast %swap3A_111 : i32 to index
        %swap3A_113 = arith.constant 16 : index
        %swap3A_114 = tpu.vector_load %arg7[%swap3A_112, %swap3A_113] {strides = array<i32>} : memref<3x80xi32, #tpu.memory_space<vmem>>, vector<1x16xi32>,
        %swap3A_115 = vector.shape_cast %swap3A_114 : vector<1x16xi32> to vector<16xi32>
        %swap3A_116 = vector.shape_cast %and3A_110 : vector<16xi32> to vector<1x16xi32>
        tpu.vector_store %arg7[%swap3A_112, %swap3A_113], %swap3A_116 {strides = array<i32>} : memref<3x80xi32, #tpu.memory_space<vmem>>, vector<1x16xi32>,
        %shift_right_logical3A_117 = arith.constant 16 : i32
        %shift_right_logical3A_118 = vector.broadcast %shift_right_logical3A_117 : i32 to vector<16xi32>
        %shift_right_logical3A_119 = arith.shrui %get3A_108, %shift_right_logical3A_118 : vector<16xi32>
        %swap3A_120 = arith.constant 1 : i32
        %swap3A_121 = arith.index_cast %swap3A_120 : i32 to index
        %swap3A_122 = arith.constant 16 : index
        %swap3A_123 = tpu.vector_load %arg8[%swap3A_121, %swap3A_122] {strides = array<i32>} : memref<3x80xi32, #tpu.memory_space<vmem>>, vector<1x16xi32>,
        %swap3A_124 = vector.shape_cast %swap3A_123 : vector<1x16xi32> to vector<16xi32>
        %swap3A_125 = vector.shape_cast %shift_right_logical3A_119 : vector<16xi32> to vector<1x16xi32>
        tpu.vector_store %arg8[%swap3A_121, %swap3A_122], %swap3A_125 {strides = array<i32>} : memref<3x80xi32, #tpu.memory_space<vmem>>, vector<1x16xi32>,
        %get3A_126 = arith.index_cast %add3A_50 : i32 to index
        %get3A_127 = arith.constant 32 : index
        %get3A_128 = tpu.vector_load %arg6[%get3A_126, %get3A_127] {strides = array<i32>} : memref<125x80xi32, #tpu.memory_space<vmem>>, vector<1x16xi32>,
        %get3A_129 = vector.shape_cast %get3A_128 : vector<1x16xi32> to vector<16xi32>
        %and3A_130 = vector.broadcast %scan3A : i32 to vector<16xi32>
        %and3A_131 = arith.andi %get3A_129, %and3A_130 : vector<16xi32>
        %swap3A_132 = arith.constant 1 : i32
        %swap3A_133 = arith.index_cast %swap3A_132 : i32 to index
        %swap3A_134 = arith.constant 32 : index
        %swap3A_135 = tpu.vector_load %arg7[%swap3A_133, %swap3A_134] {strides = array<i32>} : memref<3x80xi32, #tpu.memory_space<vmem>>, vector<1x16xi32>,
        %swap3A_136 = vector.shape_cast %swap3A_135 : vector<1x16xi32> to vector<16xi32>
        %swap3A_137 = vector.shape_cast %and3A_131 : vector<16xi32> to vector<1x16xi32>
        tpu.vector_store %arg7[%swap3A_133, %swap3A_134], %swap3A_137 {strides = array<i32>} : memref<3x80xi32, #tpu.memory_space<vmem>>, vector<1x16xi32>,
        %shift_right_logical3A_138 = arith.constant 16 : i32
        %shift_right_logical3A_139 = vector.broadcast %shift_right_logical3A_138 : i32 to vector<16xi32>
        %shift_right_logical3A_140 = arith.shrui %get3A_129, %shift_right_logical3A_139 : vector<16xi32>
        %swap3A_141 = arith.constant 1 : i32
        %swap3A_142 = arith.index_cast %swap3A_141 : i32 to index
        %swap3A_143 = arith.constant 32 : index
        %swap3A_144 = tpu.vector_load %arg8[%swap3A_142, %swap3A_143] {strides = array<i32>} : memref<3x80xi32, #tpu.memory_space<vmem>>, vector<1x16xi32>,
        %swap3A_145 = vector.shape_cast %swap3A_144 : vector<1x16xi32> to vector<16xi32>
        %swap3A_146 = vector.shape_cast %shift_right_logical3A_140 : vector<16xi32> to vector<1x16xi32>
        tpu.vector_store %arg8[%swap3A_142, %swap3A_143], %swap3A_146 {strides = array<i32>} : memref<3x80xi32, #tpu.memory_space<vmem>>, vector<1x16xi32>,
        %get3A_147 = arith.index_cast %add3A_50 : i32 to index
        %get3A_148 = arith.constant 48 : index
        %get3A_149 = tpu.vector_load %arg6[%get3A_147, %get3A_148] {strides = array<i32>} : memref<125x80xi32, #tpu.memory_space<vmem>>, vector<1x16xi32>,
        %get3A_150 = vector.shape_cast %get3A_149 : vector<1x16xi32> to vector<16xi32>
        %and3A_151 = vector.broadcast %scan3A : i32 to vector<16xi32>
        %and3A_152 = arith.andi %get3A_150, %and3A_151 : vector<16xi32>
        %swap3A_153 = arith.constant 1 : i32
        %swap3A_154 = arith.index_cast %swap3A_153 : i32 to index
        %swap3A_155 = arith.constant 48 : index
        %swap3A_156 = tpu.vector_load %arg7[%swap3A_154, %swap3A_155] {strides = array<i32>} : memref<3x80xi32, #tpu.memory_space<vmem>>, vector<1x16xi32>,
        %swap3A_157 = vector.shape_cast %swap3A_156 : vector<1x16xi32> to vector<16xi32>
        %swap3A_158 = vector.shape_cast %and3A_152 : vector<16xi32> to vector<1x16xi32>
        tpu.vector_store %arg7[%swap3A_154, %swap3A_155], %swap3A_158 {strides = array<i32>} : memref<3x80xi32, #tpu.memory_space<vmem>>, vector<1x16xi32>,
        %shift_right_logical3A_159 = arith.constant 16 : i32
        %shift_right_logical3A_160 = vector.broadcast %shift_right_logical3A_159 : i32 to vector<16xi32>
        %shift_right_logical3A_161 = arith.shrui %get3A_150, %shift_right_logical3A_160 : vector<16xi32>
        %swap3A_162 = arith.constant 1 : i32
        %swap3A_163 = arith.index_cast %swap3A_162 : i32 to index
        %swap3A_164 = arith.constant 48 : index
        %swap3A_165 = tpu.vector_load %arg8[%swap3A_163, %swap3A_164] {strides = array<i32>} : memref<3x80xi32, #tpu.memory_space<vmem>>, vector<1x16xi32>,
        %swap3A_166 = vector.shape_cast %swap3A_165 : vector<1x16xi32> to vector<16xi32>
        %swap3A_167 = vector.shape_cast %shift_right_logical3A_161 : vector<16xi32> to vector<1x16xi32>
        tpu.vector_store %arg8[%swap3A_163, %swap3A_164], %swap3A_167 {strides = array<i32>} : memref<3x80xi32, #tpu.memory_space<vmem>>, vector<1x16xi32>,
        %get3A_168 = arith.index_cast %add3A_50 : i32 to index
        %get3A_169 = arith.constant 64 : index
        %get3A_170 = tpu.vector_load %arg6[%get3A_168, %get3A_169] {strides = array<i32>} : memref<125x80xi32, #tpu.memory_space<vmem>>, vector<1x16xi32>,
        %get3A_171 = vector.shape_cast %get3A_170 : vector<1x16xi32> to vector<16xi32>
        %and3A_172 = vector.broadcast %scan3A : i32 to vector<16xi32>
        %and3A_173 = arith.andi %get3A_171, %and3A_172 : vector<16xi32>
        %swap3A_174 = arith.constant 1 : i32
        %swap3A_175 = arith.index_cast %swap3A_174 : i32 to index
        %swap3A_176 = arith.constant 64 : index
        %swap3A_177 = tpu.vector_load %arg7[%swap3A_175, %swap3A_176] {strides = array<i32>} : memref<3x80xi32, #tpu.memory_space<vmem>>, vector<1x16xi32>,
        %swap3A_178 = vector.shape_cast %swap3A_177 : vector<1x16xi32> to vector<16xi32>
        %swap3A_179 = vector.shape_cast %and3A_173 : vector<16xi32> to vector<1x16xi32>
        tpu.vector_store %arg7[%swap3A_175, %swap3A_176], %swap3A_179 {strides = array<i32>} : memref<3x80xi32, #tpu.memory_space<vmem>>, vector<1x16xi32>,
        %shift_right_logical3A_180 = arith.constant 16 : i32
        %shift_right_logical3A_181 = vector.broadcast %shift_right_logical3A_180 : i32 to vector<16xi32>
        %shift_right_logical3A_182 = arith.shrui %get3A_171, %shift_right_logical3A_181 : vector<16xi32>
        %swap3A_183 = arith.constant 1 : i32
        %swap3A_184 = arith.index_cast %swap3A_183 : i32 to index
        %swap3A_185 = arith.constant 64 : index
        %swap3A_186 = tpu.vector_load %arg8[%swap3A_184, %swap3A_185] {strides = array<i32>} : memref<3x80xi32, #tpu.memory_space<vmem>>, vector<1x16xi32>,
        %swap3A_187 = vector.shape_cast %swap3A_186 : vector<1x16xi32> to vector<16xi32>
        %swap3A_188 = vector.shape_cast %shift_right_logical3A_182 : vector<16xi32> to vector<1x16xi32>
        tpu.vector_store %arg8[%swap3A_184, %swap3A_185], %swap3A_188 {strides = array<i32>} : memref<3x80xi32, #tpu.memory_space<vmem>>, vector<1x16xi32>,
        %dma_start3A = arith.constant 1 : i32
        %dma_start3A_189 = arith.constant 1 : i32
        %dma_start3A_190 = arith.constant 0 : i32
        %dma_start3A_191 = arith.constant 0 : i32
        %dma_start3A_192 = tpu.memref_slice %arg9[%dma_start3A_189, %dma_start3A_190, %dma_start3A_191] : memref<3x80x128xf32, #tpu.memory_space<vmem>> -> memref<1x80x128xf32, #tpu.memory_space<vmem>>
        %dma_start3A_193 = tpu.memref_squeeze %dma_start3A_192 : memref<1x80x128xf32, #tpu.memory_space<vmem>> -> memref<80x128xf32, #tpu.memory_space<vmem>>
        %dma_start3A_194 = arith.constant 0 : i32
        %dma_start3A_195 = tpu.memref_slice %arg7[%dma_start3A, %dma_start3A_194] : memref<3x80xi32, #tpu.memory_space<vmem>> -> memref<1x80xi32, #tpu.memory_space<vmem>>
        %dma_start3A_196 = tpu.memref_squeeze %dma_start3A_195 : memref<1x80xi32, #tpu.memory_space<vmem>> -> memref<80xi32, #tpu.memory_space<vmem>>
        %dma_start3A_197 = arith.constant 0 : i32
        %dma_start3A_198 = arith.constant 0 : i32
        %dma_start3A_199 = tpu.memref_slice %arg2[%dma_start3A_197, %dma_start3A_198] : memref<10000x128xf32, #tpu.memory_space<hbm>> -> memref<10000x128xf32, #tpu.memory_space<hbm>>
        tpu.enqueue_indirect_dma source(%dma_start3A_199 : memref<10000x128xf32, #tpu.memory_space<hbm>>) target(%dma_start3A_193 : memref<80x128xf32, #tpu.memory_space<vmem>>) offsets(%dma_start3A_196 : memref<80xi32, #tpu.memory_space<vmem>>) semaphore(%arg12 : memref<!tpu.dma_semaphore, #tpu.memory_space<semaphore_mem>>)
      } else {
      }
      %mul3A_64 = arith.constant 3 : i32
      %mul3A_65 = arith.muli %add3A_20, %mul3A_64 : i32
      %add3A_66 = arith.constant 2 : i32
      %add3A_67 = arith.addi %mul3A_65, %add3A_66 : i32
      %sub3A_68 = arith.constant 3 : i32
      %sub3A_69 = arith.subi %add3A_67, %sub3A_68 : i32
      %mul3A_70 = arith.constant 3 : i32
      %mul3A_71 = arith.muli %add3A_20, %mul3A_70 : i32
      %add3A_72 = arith.constant 2 : i32
      %add3A_73 = arith.addi %mul3A_71, %add3A_72 : i32
      %ge3A_74 = arith.constant 0 : i32
      %ge3A_75 = arith.cmpi sge, %sub3A_69, %ge3A_74 : i32
      %lt3A_76 = arith.constant 125 : i32
      %lt3A_77 = arith.cmpi slt, %sub3A_69, %lt3A_76 : i32
      %and3A_78 = arith.andi %ge3A_75, %lt3A_77 : i1
      %convert_element_type3A_79 = arith.extui %and3A_78 : i1 to i32
      %cond3A_80 = arith.constant 0 : i32
      %cond3A_81 = arith.cmpi ne, %convert_element_type3A_79, %cond3A_80 : i32
      scf.if %cond3A_81 {
        %dma_wait3A = arith.constant 2 : i32
        %dma_wait3A_87 = arith.constant 2 : i32
        %dma_wait3A_88 = arith.constant 0 : i32
        %dma_wait3A_89 = arith.constant 0 : i32
        %dma_wait3A_90 = tpu.memref_slice %arg9[%dma_wait3A_87, %dma_wait3A_88, %dma_wait3A_89] : memref<3x80x128xf32, #tpu.memory_space<vmem>> -> memref<1x80x128xf32, #tpu.memory_space<vmem>>
        %dma_wait3A_91 = tpu.memref_squeeze %dma_wait3A_90 : memref<1x80x128xf32, #tpu.memory_space<vmem>> -> memref<80x128xf32, #tpu.memory_space<vmem>>
        %dma_wait3A_92 = arith.constant 0 : i32
        %dma_wait3A_93 = tpu.memref_slice %arg7[%dma_wait3A, %dma_wait3A_92] : memref<3x80xi32, #tpu.memory_space<vmem>> -> memref<1x80xi32, #tpu.memory_space<vmem>>
        %dma_wait3A_94 = tpu.memref_squeeze %dma_wait3A_93 : memref<1x80xi32, #tpu.memory_space<vmem>> -> memref<80xi32, #tpu.memory_space<vmem>>
        %dma_wait3A_95 = arith.constant 0 : i32
        %dma_wait3A_96 = arith.constant 0 : i32
        %dma_wait3A_97 = tpu.memref_slice %arg2[%dma_wait3A_95, %dma_wait3A_96] : memref<10000x128xf32, #tpu.memory_space<hbm>> -> memref<10000x128xf32, #tpu.memory_space<hbm>>
        tpu.wait_indirect_dma semaphore(%arg13 : memref<!tpu.dma_semaphore, #tpu.memory_space<semaphore_mem>>) src(%dma_wait3A_97 : memref<10000x128xf32, #tpu.memory_space<hbm>>) dst(%dma_wait3A_91 : memref<80x128xf32, #tpu.memory_space<vmem>>)
        %run_scoped3A = arith.constant 2 : i32
        %run_scoped3A_98 = arith.constant 2 : i32
        "tpu.region"() ({
          %run_scoped3A_99 = tpu.sem_alloc : memref<!tpu.dma_semaphore, #tpu.memory_space<semaphore_mem>>
          %dma_start3A = arith.constant 0 : i32
          %dma_start3A_100 = arith.constant 0 : i32
          %dma_start3A_101 = tpu.memref_slice %arg9[%run_scoped3A, %dma_start3A, %dma_start3A_100] : memref<3x80x128xf32, #tpu.memory_space<vmem>> -> memref<1x80x128xf32, #tpu.memory_space<vmem>>
          %dma_start3A_102 = tpu.memref_squeeze %dma_start3A_101 : memref<1x80x128xf32, #tpu.memory_space<vmem>> -> memref<80x128xf32, #tpu.memory_space<vmem>>
          %dma_start3A_103 = arith.constant 0 : i32
          %dma_start3A_104 = tpu.memref_slice %arg8[%run_scoped3A_98, %dma_start3A_103] : memref<3x80xi32, #tpu.memory_space<vmem>> -> memref<1x80xi32, #tpu.memory_space<vmem>>
          %dma_start3A_105 = tpu.memref_squeeze %dma_start3A_104 : memref<1x80xi32, #tpu.memory_space<vmem>> -> memref<80xi32, #tpu.memory_space<vmem>>
          %dma_start3A_106 = arith.constant 0 : i32
          %dma_start3A_107 = arith.constant 0 : i32
          %dma_start3A_108 = tpu.memref_slice %arg10[%dma_start3A_106, %dma_start3A_107] : memref<10000x128xf32, #tpu.memory_space<vmem_shared>> -> memref<10000x128xf32, #tpu.memory_space<vmem_shared>>
          tpu.enqueue_indirect_dma source(%dma_start3A_102 : memref<80x128xf32, #tpu.memory_space<vmem>>) target(%dma_start3A_108 : memref<10000x128xf32, #tpu.memory_space<vmem_shared>>) offsets(%dma_start3A_105 : memref<80xi32, #tpu.memory_space<vmem>>) semaphore(%run_scoped3A_99 : memref<!tpu.dma_semaphore, #tpu.memory_space<semaphore_mem>>) {add = true}
          %dma_wait3A_109 = arith.constant 0 : i32
          %dma_wait3A_110 = arith.constant 0 : i32
          %dma_wait3A_111 = tpu.memref_slice %arg9[%run_scoped3A, %dma_wait3A_109, %dma_wait3A_110] : memref<3x80x128xf32, #tpu.memory_space<vmem>> -> memref<1x80x128xf32, #tpu.memory_space<vmem>>
          %dma_wait3A_112 = tpu.memref_squeeze %dma_wait3A_111 : memref<1x80x128xf32, #tpu.memory_space<vmem>> -> memref<80x128xf32, #tpu.memory_space<vmem>>
          %dma_wait3A_113 = arith.constant 0 : i32
          %dma_wait3A_114 = tpu.memref_slice %arg8[%run_scoped3A_98, %dma_wait3A_113] : memref<3x80xi32, #tpu.memory_space<vmem>> -> memref<1x80xi32, #tpu.memory_space<vmem>>
          %dma_wait3A_115 = tpu.memref_squeeze %dma_wait3A_114 : memref<1x80xi32, #tpu.memory_space<vmem>> -> memref<80xi32, #tpu.memory_space<vmem>>
          %dma_wait3A_116 = arith.constant 0 : i32
          %dma_wait3A_117 = arith.constant 0 : i32
          %dma_wait3A_118 = tpu.memref_slice %arg10[%dma_wait3A_116, %dma_wait3A_117] : memref<10000x128xf32, #tpu.memory_space<vmem_shared>> -> memref<10000x128xf32, #tpu.memory_space<vmem_shared>>
          tpu.wait_indirect_dma semaphore(%run_scoped3A_99 : memref<!tpu.dma_semaphore, #tpu.memory_space<semaphore_mem>>) src(%dma_wait3A_112 : memref<80x128xf32, #tpu.memory_space<vmem>>) dst(%dma_wait3A_118 : memref<10000x128xf32, #tpu.memory_space<vmem_shared>>)
          tpu.yield
        }) : () -> ()
      } else {
      }
      %lt3A_82 = arith.constant 125 : i32
      %lt3A_83 = arith.cmpi slt, %add3A_73, %lt3A_82 : i32
      %convert_element_type3A_84 = arith.extui %lt3A_83 : i1 to i32
      %cond3A_85 = arith.constant 0 : i32
      %cond3A_86 = arith.cmpi ne, %convert_element_type3A_84, %cond3A_85 : i32
      scf.if %cond3A_86 {
        %get3A = arith.index_cast %add3A_73 : i32 to index
        %get3A_87 = arith.constant 0 : index
        %get3A_88 = tpu.vector_load %arg6[%get3A, %get3A_87] {strides = array<i32>} : memref<125x80xi32, #tpu.memory_space<vmem>>, vector<1x16xi32>,
        %get3A_89 = vector.shape_cast %get3A_88 : vector<1x16xi32> to vector<16xi32>
        %and3A_90 = vector.broadcast %scan3A : i32 to vector<16xi32>
        %and3A_91 = arith.andi %get3A_89, %and3A_90 : vector<16xi32>
        %swap3A = arith.constant 2 : i32
        %swap3A_92 = arith.index_cast %swap3A : i32 to index
        %swap3A_93 = arith.constant 0 : index
        %swap3A_94 = tpu.vector_load %arg7[%swap3A_92, %swap3A_93] {strides = array<i32>} : memref<3x80xi32, #tpu.memory_space<vmem>>, vector<1x16xi32>,
        %swap3A_95 = vector.shape_cast %swap3A_94 : vector<1x16xi32> to vector<16xi32>
        %swap3A_96 = vector.shape_cast %and3A_91 : vector<16xi32> to vector<1x16xi32>
        tpu.vector_store %arg7[%swap3A_92, %swap3A_93], %swap3A_96 {strides = array<i32>} : memref<3x80xi32, #tpu.memory_space<vmem>>, vector<1x16xi32>,
        %shift_right_logical3A = arith.constant 16 : i32
        %shift_right_logical3A_97 = vector.broadcast %shift_right_logical3A : i32 to vector<16xi32>
        %shift_right_logical3A_98 = arith.shrui %get3A_89, %shift_right_logical3A_97 : vector<16xi32>
        %swap3A_99 = arith.constant 2 : i32
        %swap3A_100 = arith.index_cast %swap3A_99 : i32 to index
        %swap3A_101 = arith.constant 0 : index
        %swap3A_102 = tpu.vector_load %arg8[%swap3A_100, %swap3A_101] {strides = array<i32>} : memref<3x80xi32, #tpu.memory_space<vmem>>, vector<1x16xi32>,
        %swap3A_103 = vector.shape_cast %swap3A_102 : vector<1x16xi32> to vector<16xi32>
        %swap3A_104 = vector.shape_cast %shift_right_logical3A_98 : vector<16xi32> to vector<1x16xi32>
        tpu.vector_store %arg8[%swap3A_100, %swap3A_101], %swap3A_104 {strides = array<i32>} : memref<3x80xi32, #tpu.memory_space<vmem>>, vector<1x16xi32>,
        %get3A_105 = arith.index_cast %add3A_73 : i32 to index
        %get3A_106 = arith.constant 16 : index
        %get3A_107 = tpu.vector_load %arg6[%get3A_105, %get3A_106] {strides = array<i32>} : memref<125x80xi32, #tpu.memory_space<vmem>>, vector<1x16xi32>,
        %get3A_108 = vector.shape_cast %get3A_107 : vector<1x16xi32> to vector<16xi32>
        %and3A_109 = vector.broadcast %scan3A : i32 to vector<16xi32>
        %and3A_110 = arith.andi %get3A_108, %and3A_109 : vector<16xi32>
        %swap3A_111 = arith.constant 2 : i32
        %swap3A_112 = arith.index_cast %swap3A_111 : i32 to index
        %swap3A_113 = arith.constant 16 : index
        %swap3A_114 = tpu.vector_load %arg7[%swap3A_112, %swap3A_113] {strides = array<i32>} : memref<3x80xi32, #tpu.memory_space<vmem>>, vector<1x16xi32>,
        %swap3A_115 = vector.shape_cast %swap3A_114 : vector<1x16xi32> to vector<16xi32>
        %swap3A_116 = vector.shape_cast %and3A_110 : vector<16xi32> to vector<1x16xi32>
        tpu.vector_store %arg7[%swap3A_112, %swap3A_113], %swap3A_116 {strides = array<i32>} : memref<3x80xi32, #tpu.memory_space<vmem>>, vector<1x16xi32>,
        %shift_right_logical3A_117 = arith.constant 16 : i32
        %shift_right_logical3A_118 = vector.broadcast %shift_right_logical3A_117 : i32 to vector<16xi32>
        %shift_right_logical3A_119 = arith.shrui %get3A_108, %shift_right_logical3A_118 : vector<16xi32>
        %swap3A_120 = arith.constant 2 : i32
        %swap3A_121 = arith.index_cast %swap3A_120 : i32 to index
        %swap3A_122 = arith.constant 16 : index
        %swap3A_123 = tpu.vector_load %arg8[%swap3A_121, %swap3A_122] {strides = array<i32>} : memref<3x80xi32, #tpu.memory_space<vmem>>, vector<1x16xi32>,
        %swap3A_124 = vector.shape_cast %swap3A_123 : vector<1x16xi32> to vector<16xi32>
        %swap3A_125 = vector.shape_cast %shift_right_logical3A_119 : vector<16xi32> to vector<1x16xi32>
        tpu.vector_store %arg8[%swap3A_121, %swap3A_122], %swap3A_125 {strides = array<i32>} : memref<3x80xi32, #tpu.memory_space<vmem>>, vector<1x16xi32>,
        %get3A_126 = arith.index_cast %add3A_73 : i32 to index
        %get3A_127 = arith.constant 32 : index
        %get3A_128 = tpu.vector_load %arg6[%get3A_126, %get3A_127] {strides = array<i32>} : memref<125x80xi32, #tpu.memory_space<vmem>>, vector<1x16xi32>,
        %get3A_129 = vector.shape_cast %get3A_128 : vector<1x16xi32> to vector<16xi32>
        %and3A_130 = vector.broadcast %scan3A : i32 to vector<16xi32>
        %and3A_131 = arith.andi %get3A_129, %and3A_130 : vector<16xi32>
        %swap3A_132 = arith.constant 2 : i32
        %swap3A_133 = arith.index_cast %swap3A_132 : i32 to index
        %swap3A_134 = arith.constant 32 : index
        %swap3A_135 = tpu.vector_load %arg7[%swap3A_133, %swap3A_134] {strides = array<i32>} : memref<3x80xi32, #tpu.memory_space<vmem>>, vector<1x16xi32>,
        %swap3A_136 = vector.shape_cast %swap3A_135 : vector<1x16xi32> to vector<16xi32>
        %swap3A_137 = vector.shape_cast %and3A_131 : vector<16xi32> to vector<1x16xi32>
        tpu.vector_store %arg7[%swap3A_133, %swap3A_134], %swap3A_137 {strides = array<i32>} : memref<3x80xi32, #tpu.memory_space<vmem>>, vector<1x16xi32>,
        %shift_right_logical3A_138 = arith.constant 16 : i32
        %shift_right_logical3A_139 = vector.broadcast %shift_right_logical3A_138 : i32 to vector<16xi32>
        %shift_right_logical3A_140 = arith.shrui %get3A_129, %shift_right_logical3A_139 : vector<16xi32>
        %swap3A_141 = arith.constant 2 : i32
        %swap3A_142 = arith.index_cast %swap3A_141 : i32 to index
        %swap3A_143 = arith.constant 32 : index
        %swap3A_144 = tpu.vector_load %arg8[%swap3A_142, %swap3A_143] {strides = array<i32>} : memref<3x80xi32, #tpu.memory_space<vmem>>, vector<1x16xi32>,
        %swap3A_145 = vector.shape_cast %swap3A_144 : vector<1x16xi32> to vector<16xi32>
        %swap3A_146 = vector.shape_cast %shift_right_logical3A_140 : vector<16xi32> to vector<1x16xi32>
        tpu.vector_store %arg8[%swap3A_142, %swap3A_143], %swap3A_146 {strides = array<i32>} : memref<3x80xi32, #tpu.memory_space<vmem>>, vector<1x16xi32>,
        %get3A_147 = arith.index_cast %add3A_73 : i32 to index
        %get3A_148 = arith.constant 48 : index
        %get3A_149 = tpu.vector_load %arg6[%get3A_147, %get3A_148] {strides = array<i32>} : memref<125x80xi32, #tpu.memory_space<vmem>>, vector<1x16xi32>,
        %get3A_150 = vector.shape_cast %get3A_149 : vector<1x16xi32> to vector<16xi32>
        %and3A_151 = vector.broadcast %scan3A : i32 to vector<16xi32>
        %and3A_152 = arith.andi %get3A_150, %and3A_151 : vector<16xi32>
        %swap3A_153 = arith.constant 2 : i32
        %swap3A_154 = arith.index_cast %swap3A_153 : i32 to index
        %swap3A_155 = arith.constant 48 : index
        %swap3A_156 = tpu.vector_load %arg7[%swap3A_154, %swap3A_155] {strides = array<i32>} : memref<3x80xi32, #tpu.memory_space<vmem>>, vector<1x16xi32>,
        %swap3A_157 = vector.shape_cast %swap3A_156 : vector<1x16xi32> to vector<16xi32>
        %swap3A_158 = vector.shape_cast %and3A_152 : vector<16xi32> to vector<1x16xi32>
        tpu.vector_store %arg7[%swap3A_154, %swap3A_155], %swap3A_158 {strides = array<i32>} : memref<3x80xi32, #tpu.memory_space<vmem>>, vector<1x16xi32>,
        %shift_right_logical3A_159 = arith.constant 16 : i32
        %shift_right_logical3A_160 = vector.broadcast %shift_right_logical3A_159 : i32 to vector<16xi32>
        %shift_right_logical3A_161 = arith.shrui %get3A_150, %shift_right_logical3A_160 : vector<16xi32>
        %swap3A_162 = arith.constant 2 : i32
        %swap3A_163 = arith.index_cast %swap3A_162 : i32 to index
        %swap3A_164 = arith.constant 48 : index
        %swap3A_165 = tpu.vector_load %arg8[%swap3A_163, %swap3A_164] {strides = array<i32>} : memref<3x80xi32, #tpu.memory_space<vmem>>, vector<1x16xi32>,
        %swap3A_166 = vector.shape_cast %swap3A_165 : vector<1x16xi32> to vector<16xi32>
        %swap3A_167 = vector.shape_cast %shift_right_logical3A_161 : vector<16xi32> to vector<1x16xi32>
        tpu.vector_store %arg8[%swap3A_163, %swap3A_164], %swap3A_167 {strides = array<i32>} : memref<3x80xi32, #tpu.memory_space<vmem>>, vector<1x16xi32>,
        %get3A_168 = arith.index_cast %add3A_73 : i32 to index
        %get3A_169 = arith.constant 64 : index
        %get3A_170 = tpu.vector_load %arg6[%get3A_168, %get3A_169] {strides = array<i32>} : memref<125x80xi32, #tpu.memory_space<vmem>>, vector<1x16xi32>,
        %get3A_171 = vector.shape_cast %get3A_170 : vector<1x16xi32> to vector<16xi32>
        %and3A_172 = vector.broadcast %scan3A : i32 to vector<16xi32>
        %and3A_173 = arith.andi %get3A_171, %and3A_172 : vector<16xi32>
        %swap3A_174 = arith.constant 2 : i32
        %swap3A_175 = arith.index_cast %swap3A_174 : i32 to index
        %swap3A_176 = arith.constant 64 : index
        %swap3A_177 = tpu.vector_load %arg7[%swap3A_175, %swap3A_176] {strides = array<i32>} : memref<3x80xi32, #tpu.memory_space<vmem>>, vector<1x16xi32>,
        %swap3A_178 = vector.shape_cast %swap3A_177 : vector<1x16xi32> to vector<16xi32>
        %swap3A_179 = vector.shape_cast %and3A_173 : vector<16xi32> to vector<1x16xi32>
        tpu.vector_store %arg7[%swap3A_175, %swap3A_176], %swap3A_179 {strides = array<i32>} : memref<3x80xi32, #tpu.memory_space<vmem>>, vector<1x16xi32>,
        %shift_right_logical3A_180 = arith.constant 16 : i32
        %shift_right_logical3A_181 = vector.broadcast %shift_right_logical3A_180 : i32 to vector<16xi32>
        %shift_right_logical3A_182 = arith.shrui %get3A_171, %shift_right_logical3A_181 : vector<16xi32>
        %swap3A_183 = arith.constant 2 : i32
        %swap3A_184 = arith.index_cast %swap3A_183 : i32 to index
        %swap3A_185 = arith.constant 64 : index
        %swap3A_186 = tpu.vector_load %arg8[%swap3A_184, %swap3A_185] {strides = array<i32>} : memref<3x80xi32, #tpu.memory_space<vmem>>, vector<1x16xi32>,
        %swap3A_187 = vector.shape_cast %swap3A_186 : vector<1x16xi32> to vector<16xi32>
        %swap3A_188 = vector.shape_cast %shift_right_logical3A_182 : vector<16xi32> to vector<1x16xi32>
        tpu.vector_store %arg8[%swap3A_184, %swap3A_185], %swap3A_188 {strides = array<i32>} : memref<3x80xi32, #tpu.memory_space<vmem>>, vector<1x16xi32>,
        %dma_start3A = arith.constant 2 : i32
        %dma_start3A_189 = arith.constant 2 : i32
        %dma_start3A_190 = arith.constant 0 : i32
        %dma_start3A_191 = arith.constant 0 : i32
        %dma_start3A_192 = tpu.memref_slice %arg9[%dma_start3A_189, %dma_start3A_190, %dma_start3A_191] : memref<3x80x128xf32, #tpu.memory_space<vmem>> -> memref<1x80x128xf32, #tpu.memory_space<vmem>>
        %dma_start3A_193 = tpu.memref_squeeze %dma_start3A_192 : memref<1x80x128xf32, #tpu.memory_space<vmem>> -> memref<80x128xf32, #tpu.memory_space<vmem>>
        %dma_start3A_194 = arith.constant 0 : i32
        %dma_start3A_195 = tpu.memref_slice %arg7[%dma_start3A, %dma_start3A_194] : memref<3x80xi32, #tpu.memory_space<vmem>> -> memref<1x80xi32, #tpu.memory_space<vmem>>
        %dma_start3A_196 = tpu.memref_squeeze %dma_start3A_195 : memref<1x80xi32, #tpu.memory_space<vmem>> -> memref<80xi32, #tpu.memory_space<vmem>>
        %dma_start3A_197 = arith.constant 0 : i32
        %dma_start3A_198 = arith.constant 0 : i32
        %dma_start3A_199 = tpu.memref_slice %arg2[%dma_start3A_197, %dma_start3A_198] : memref<10000x128xf32, #tpu.memory_space<hbm>> -> memref<10000x128xf32, #tpu.memory_space<hbm>>
        tpu.enqueue_indirect_dma source(%dma_start3A_199 : memref<10000x128xf32, #tpu.memory_space<hbm>>) target(%dma_start3A_193 : memref<80x128xf32, #tpu.memory_space<vmem>>) offsets(%dma_start3A_196 : memref<80xi32, #tpu.memory_space<vmem>>) semaphore(%arg13 : memref<!tpu.dma_semaphore, #tpu.memory_space<semaphore_mem>>)
      } else {
      }
    }
    %scan3A_9 = arith.constant 43 : i32
    %barrier3A_10 = arith.constant 0 : index
    tpu.barrier barrier_id(%barrier3A_10)
    %lt3A_11 = arith.constant 10 : i32
    %lt3A_12 = arith.cmpi slt, %arg1, %lt3A_11 : i32
    %convert_element_type3A_13 = arith.extui %lt3A_12 : i1 to i32
    %cond3A_14 = arith.constant 0 : i32
    %cond3A_15 = arith.cmpi ne, %convert_element_type3A_13, %cond3A_14 : i32
    scf.if %cond3A_15 {
      "tpu.region"() ({
        %run_scoped3A = tpu.sem_alloc : memref<!tpu.dma_semaphore, #tpu.memory_space<semaphore_mem>>
        %dma_start3A = arith.constant 0 : i32
        %dma_start3A_16 = tpu.memref_slice %arg5[%arg0, %mul3A_2, %dma_start3A] : memref<2x10000x128xf32, #tpu.memory_space<hbm>> -> memref<1x1000x128xf32, #tpu.memory_space<hbm>>
        %dma_start3A_17 = tpu.memref_squeeze %dma_start3A_16 : memref<1x1000x128xf32, #tpu.memory_space<hbm>> -> memref<1000x128xf32, #tpu.memory_space<hbm>>
        %dma_start3A_18 = arith.constant 0 : i32
        %dma_start3A_19 = tpu.memref_slice %arg10[%mul3A_2, %dma_start3A_18] : memref<10000x128xf32, #tpu.memory_space<vmem_shared>> -> memref<1000x128xf32, #tpu.memory_space<vmem_shared>>
        tpu.enqueue_dma source(%dma_start3A_19 : memref<1000x128xf32, #tpu.memory_space<vmem_shared>>) target(%dma_start3A_17 : memref<1000x128xf32, #tpu.memory_space<hbm>>) target_semaphore(%run_scoped3A : memref<!tpu.dma_semaphore, #tpu.memory_space<semaphore_mem>>)
        %dma_wait3A = arith.constant 0 : i32
        %dma_wait3A_20 = tpu.memref_slice %arg5[%arg0, %mul3A_2, %dma_wait3A] : memref<2x10000x128xf32, #tpu.memory_space<hbm>> -> memref<1x1000x128xf32, #tpu.memory_space<hbm>>
        %dma_wait3A_21 = tpu.memref_squeeze %dma_wait3A_20 : memref<1x1000x128xf32, #tpu.memory_space<hbm>> -> memref<1000x128xf32, #tpu.memory_space<hbm>>
        %dma_wait3A_22 = arith.constant 0 : i32
        %dma_wait3A_23 = tpu.memref_slice %arg10[%mul3A_2, %dma_wait3A_22] : memref<10000x128xf32, #tpu.memory_space<vmem_shared>> -> memref<1000x128xf32, #tpu.memory_space<vmem_shared>>
        tpu.wait_dma2 semaphore(%run_scoped3A : memref<!tpu.dma_semaphore, #tpu.memory_space<semaphore_mem>>) src(%dma_wait3A_23 : memref<1000x128xf32, #tpu.memory_space<vmem_shared>>) dst(%dma_wait3A_21 : memref<1000x128xf32, #tpu.memory_space<hbm>>)
        tpu.yield
      }) : () -> ()
    } else {
    }
    return
  }
}

#map = affine_map<(d0, d1) -> (0, 0)>
#map1 = affine_map<(d0, d1) -> (0, 0, 0)>
module attributes {stable_mosaic.version = 14 : i64} {
  func.func @body(%arg0: i32, %arg1: i32, %arg2: memref<10000x128xf32, #tpu.memory_space<hbm>>, %arg3: memref<32x125x80xi32, #tpu.memory_space<hbm>>, %arg4: memref<10000x128xf32, #tpu.memory_space<hbm>>, %arg5: memref<2x10000x128xf32, #tpu.memory_space<hbm>>, %arg6: memref<125x80xi32, #tpu.memory_space<vmem>>, %arg7: memref<3x80xi32, #tpu.memory_space<vmem>>, %arg8: memref<3x80xi32, #tpu.memory_space<vmem>>, %arg9: memref<3x80x128xf32, #tpu.memory_space<vmem>>, %arg10: memref<10000x128xf32, #tpu.memory_space<vmem_shared>>, %arg11: memref<!tpu.dma_semaphore, #tpu.memory_space<semaphore_mem>>, %arg12: memref<!tpu.dma_semaphore, #tpu.memory_space<semaphore_mem>>, %arg13: memref<!tpu.dma_semaphore, #tpu.memory_space<semaphore_mem>>) attributes {dimension_semantics = [#tpu.dimension_semantics<core_parallel>, #tpu.dimension_semantics<subcore_parallel>], iteration_bounds = array<i64: 2, 16>, scalar_prefetch = 0 : i64, scratch_operands = 8 : i64, tpu.core_type = #tpu.core_type<sc_vector_subcore>, window_params = [{transform_indices = #map}, {transform_indices = #map1}, {transform_indices = #map}, {transform_indices = #map1}]} {
    %mul3A = arith.constant 16 : i32
    %mul3A_0 = arith.muli %arg0, %mul3A : i32
    %add3A = arith.addi %mul3A_0, %arg1 : i32
    %mul3A_1 = arith.constant 1000 : i32
    %mul3A_2 = arith.muli %arg1, %mul3A_1 : i32
    %lt3A = arith.constant 10 : i32
    %lt3A_3 = arith.cmpi slt, %arg1, %lt3A : i32
    %convert_element_type3A = arith.extui %lt3A_3 : i1 to i32
    %cond3A = arith.constant 0 : i32
    %cond3A_4 = arith.cmpi ne, %convert_element_type3A, %cond3A : i32
    scf.if %cond3A_4 {
      "tpu.region"() ({
        %run_scoped3A = tpu.sem_alloc : memref<!tpu.dma_semaphore, #tpu.memory_space<semaphore_mem>>
        %dma_start3A = arith.constant 0 : i32
        %dma_start3A_16 = tpu.memref_slice %arg10[%mul3A_2, %dma_start3A] : memref<10000x128xf32, #tpu.memory_space<vmem_shared>> -> memref<1000x128xf32, #tpu.memory_space<vmem_shared>>
        %dma_start3A_17 = arith.constant 0 : i32
        %dma_start3A_18 = tpu.memref_slice %arg4[%mul3A_2, %dma_start3A_17] : memref<10000x128xf32, #tpu.memory_space<hbm>> -> memref<1000x128xf32, #tpu.memory_space<hbm>>
        tpu.enqueue_dma source(%dma_start3A_18 : memref<1000x128xf32, #tpu.memory_space<hbm>>) target(%dma_start3A_16 : memref<1000x128xf32, #tpu.memory_space<vmem_shared>>) target_semaphore(%run_scoped3A : memref<!tpu.dma_semaphore, #tpu.memory_space<semaphore_mem>>)
        %dma_wait3A = arith.constant 0 : i32
        %dma_wait3A_19 = tpu.memref_slice %arg10[%mul3A_2, %dma_wait3A] : memref<10000x128xf32, #tpu.memory_space<vmem_shared>> -> memref<1000x128xf32, #tpu.memory_space<vmem_shared>>
        %dma_wait3A_20 = arith.constant 0 : i32
        %dma_wait3A_21 = tpu.memref_slice %arg4[%mul3A_2, %dma_wait3A_20] : memref<10000x128xf32, #tpu.memory_space<hbm>> -> memref<1000x128xf32, #tpu.memory_space<hbm>>
        tpu.wait_dma2 semaphore(%run_scoped3A : memref<!tpu.dma_semaphore, #tpu.memory_space<semaphore_mem>>) src(%dma_wait3A_21 : memref<1000x128xf32, #tpu.memory_space<hbm>>) dst(%dma_wait3A_19 : memref<1000x128xf32, #tpu.memory_space<vmem_shared>>)
        tpu.yield
      }) : () -> ()
    } else {
    }
    "tpu.region"() ({
      %run_scoped3A = tpu.sem_alloc : memref<!tpu.dma_semaphore, #tpu.memory_space<semaphore_mem>>
      %dma_start3A = arith.constant 0 : i32
      %dma_start3A_16 = arith.constant 0 : i32
      %dma_start3A_17 = tpu.memref_slice %arg3[%add3A, %dma_start3A, %dma_start3A_16] : memref<32x125x80xi32, #tpu.memory_space<hbm>> -> memref<1x125x80xi32, #tpu.memory_space<hbm>>
      %dma_start3A_18 = tpu.memref_squeeze %dma_start3A_17 : memref<1x125x80xi32, #tpu.memory_space<hbm>> -> memref<125x80xi32, #tpu.memory_space<hbm>>
      %dma_start3A_19 = arith.constant 0 : i32
      %dma_start3A_20 = arith.constant 0 : i32
      %dma_start3A_21 = tpu.memref_slice %arg3[%add3A, %dma_start3A_19, %dma_start3A_20] : memref<32x125x80xi32, #tpu.memory_space<hbm>> -> memref<1x125x80xi32, #tpu.memory_space<hbm>>
      %dma_start3A_22 = tpu.memref_squeeze %dma_start3A_21 : memref<1x125x80xi32, #tpu.memory_space<hbm>> -> memref<125x80xi32, #tpu.memory_space<hbm>>
      tpu.enqueue_dma source(%dma_start3A_22 : memref<125x80xi32, #tpu.memory_space<hbm>>) target(%arg6 : memref<125x80xi32, #tpu.memory_space<vmem>>) target_semaphore(%run_scoped3A : memref<!tpu.dma_semaphore, #tpu.memory_space<semaphore_mem>>)
      %dma_wait3A = arith.constant 0 : i32
      %dma_wait3A_23 = arith.constant 0 : i32
      %dma_wait3A_24 = tpu.memref_slice %arg3[%add3A, %dma_wait3A, %dma_wait3A_23] : memref<32x125x80xi32, #tpu.memory_space<hbm>> -> memref<1x125x80xi32, #tpu.memory_space<hbm>>
      %dma_wait3A_25 = tpu.memref_squeeze %dma_wait3A_24 : memref<1x125x80xi32, #tpu.memory_space<hbm>> -> memref<125x80xi32, #tpu.memory_space<hbm>>
      %dma_wait3A_26 = arith.constant 0 : i32
      %dma_wait3A_27 = arith.constant 0 : i32
      %dma_wait3A_28 = tpu.memref_slice %arg3[%add3A, %dma_wait3A_26, %dma_wait3A_27] : memref<32x125x80xi32, #tpu.memory_space<hbm>> -> memref<1x125x80xi32, #tpu.memory_space<hbm>>
      %dma_wait3A_29 = tpu.memref_squeeze %dma_wait3A_28 : memref<1x125x80xi32, #tpu.memory_space<hbm>> -> memref<125x80xi32, #tpu.memory_space<hbm>>
      tpu.wait_dma2 semaphore(%run_scoped3A : memref<!tpu.dma_semaphore, #tpu.memory_space<semaphore_mem>>) src(%dma_wait3A_29 : memref<125x80xi32, #tpu.memory_space<hbm>>) dst(%arg6 : memref<125x80xi32, #tpu.memory_space<vmem>>)
      tpu.yield
    }) : () -> ()
    %barrier3A = arith.constant 0 : index
    tpu.barrier barrier_id(%barrier3A)
    %scan3A = arith.constant 65535 : i32
    %scan3A_5 = arith.constant 0 : i32
    %scan3A_6 = arith.constant 43 : i32
    %scan3A_7 = arith.addi %scan3A_5, %scan3A_6 : i32
    %scan3A_8 = arith.constant 1 : i32
    scf.for %scan3A_16 = %scan3A_5 to %scan3A_7 step %scan3A_8  : i32 {
      %mul3A_17 = arith.constant 1 : i32
      %mul3A_18 = arith.muli %scan3A_16, %mul3A_17 : i32
      %add3A_19 = arith.constant 0 : i32
      %add3A_20 = arith.addi %add3A_19, %mul3A_18 : i32
      %mul3A_21 = arith.constant 3 : i32
      %mul3A_22 = arith.muli %add3A_20, %mul3A_21 : i32
      %add3A_23 = arith.constant 0 : i32
      %add3A_24 = arith.addi %mul3A_22, %add3A_23 : i32
      %sub3A = arith.constant 3 : i32
      %sub3A_25 = arith.subi %add3A_24, %sub3A : i32
      %mul3A_26 = arith.constant 3 : i32
      %mul3A_27 = arith.muli %add3A_20, %mul3A_26 : i32
      %add3A_28 = arith.constant 0 : i32
      %add3A_29 = arith.addi %mul3A_27, %add3A_28 : i32
      %ge3A = arith.constant 0 : i32
      %ge3A_30 = arith.cmpi sge, %sub3A_25, %ge3A : i32
      %lt3A_31 = arith.constant 125 : i32
      %lt3A_32 = arith.cmpi slt, %sub3A_25, %lt3A_31 : i32
      %and3A = arith.andi %ge3A_30, %lt3A_32 : i1
      %convert_element_type3A_33 = arith.extui %and3A : i1 to i32
      %cond3A_34 = arith.constant 0 : i32
      %cond3A_35 = arith.cmpi ne, %convert_element_type3A_33, %cond3A_34 : i32
      scf.if %cond3A_35 {
        %dma_wait3A = arith.constant 0 : i32
        %dma_wait3A_87 = arith.constant 0 : i32
        %dma_wait3A_88 = arith.constant 0 : i32
        %dma_wait3A_89 = arith.constant 0 : i32
        %dma_wait3A_90 = tpu.memref_slice %arg9[%dma_wait3A_87, %dma_wait3A_88, %dma_wait3A_89] : memref<3x80x128xf32, #tpu.memory_space<vmem>> -> memref<1x80x128xf32, #tpu.memory_space<vmem>>
        %dma_wait3A_91 = tpu.memref_squeeze %dma_wait3A_90 : memref<1x80x128xf32, #tpu.memory_space<vmem>> -> memref<80x128xf32, #tpu.memory_space<vmem>>
        %dma_wait3A_92 = arith.constant 0 : i32
        %dma_wait3A_93 = tpu.memref_slice %arg7[%dma_wait3A, %dma_wait3A_92] : memref<3x80xi32, #tpu.memory_space<vmem>> -> memref<1x80xi32, #tpu.memory_space<vmem>>
        %dma_wait3A_94 = tpu.memref_squeeze %dma_wait3A_93 : memref<1x80xi32, #tpu.memory_space<vmem>> -> memref<80xi32, #tpu.memory_space<vmem>>
        %dma_wait3A_95 = arith.constant 0 : i32
        %dma_wait3A_96 = arith.constant 0 : i32
        %dma_wait3A_97 = tpu.memref_slice %arg2[%dma_wait3A_95, %dma_wait3A_96] : memref<10000x128xf32, #tpu.memory_space<hbm>> -> memref<10000x128xf32, #tpu.memory_space<hbm>>
        tpu.wait_indirect_dma semaphore(%arg11 : memref<!tpu.dma_semaphore, #tpu.memory_space<semaphore_mem>>) src(%dma_wait3A_97 : memref<10000x128xf32, #tpu.memory_space<hbm>>) dst(%dma_wait3A_91 : memref<80x128xf32, #tpu.memory_space<vmem>>)
        %run_scoped3A = arith.constant 0 : i32
        %run_scoped3A_98 = arith.constant 0 : i32
        "tpu.region"() ({
          %run_scoped3A_99 = tpu.sem_alloc : memref<!tpu.dma_semaphore, #tpu.memory_space<semaphore_mem>>
          %dma_start3A = arith.constant 0 : i32
          %dma_start3A_100 = arith.constant 0 : i32
          %dma_start3A_101 = tpu.memref_slice %arg9[%run_scoped3A, %dma_start3A, %dma_start3A_100] : memref<3x80x128xf32, #tpu.memory_space<vmem>> -> memref<1x80x128xf32, #tpu.memory_space<vmem>>
          %dma_start3A_102 = tpu.memref_squeeze %dma_start3A_101 : memref<1x80x128xf32, #tpu.memory_space<vmem>> -> memref<80x128xf32, #tpu.memory_space<vmem>>
          %dma_start3A_103 = arith.constant 0 : i32
          %dma_start3A_104 = tpu.memref_slice %arg8[%run_scoped3A_98, %dma_start3A_103] : memref<3x80xi32, #tpu.memory_space<vmem>> -> memref<1x80xi32, #tpu.memory_space<vmem>>
          %dma_start3A_105 = tpu.memref_squeeze %dma_start3A_104 : memref<1x80xi32, #tpu.memory_space<vmem>> -> memref<80xi32, #tpu.memory_space<vmem>>
          %dma_start3A_106 = arith.constant 0 : i32
          %dma_start3A_107 = arith.constant 0 : i32
          %dma_start3A_108 = tpu.memref_slice %arg10[%dma_start3A_106, %dma_start3A_107] : memref<10000x128xf32, #tpu.memory_space<vmem_shared>> -> memref<10000x128xf32, #tpu.memory_space<vmem_shared>>
          tpu.enqueue_indirect_dma source(%dma_start3A_102 : memref<80x128xf32, #tpu.memory_space<vmem>>) target(%dma_start3A_108 : memref<10000x128xf32, #tpu.memory_space<vmem_shared>>) offsets(%dma_start3A_105 : memref<80xi32, #tpu.memory_space<vmem>>) semaphore(%run_scoped3A_99 : memref<!tpu.dma_semaphore, #tpu.memory_space<semaphore_mem>>) {add = true}
          %dma_wait3A_109 = arith.constant 0 : i32
          %dma_wait3A_110 = arith.constant 0 : i32
          %dma_wait3A_111 = tpu.memref_slice %arg9[%run_scoped3A, %dma_wait3A_109, %dma_wait3A_110] : memref<3x80x128xf32, #tpu.memory_space<vmem>> -> memref<1x80x128xf32, #tpu.memory_space<vmem>>
          %dma_wait3A_112 = tpu.memref_squeeze %dma_wait3A_111 : memref<1x80x128xf32, #tpu.memory_space<vmem>> -> memref<80x128xf32, #tpu.memory_space<vmem>>
          %dma_wait3A_113 = arith.constant 0 : i32
          %dma_wait3A_114 = tpu.memref_slice %arg8[%run_scoped3A_98, %dma_wait3A_113] : memref<3x80xi32, #tpu.memory_space<vmem>> -> memref<1x80xi32, #tpu.memory_space<vmem>>
          %dma_wait3A_115 = tpu.memref_squeeze %dma_wait3A_114 : memref<1x80xi32, #tpu.memory_space<vmem>> -> memref<80xi32, #tpu.memory_space<vmem>>
          %dma_wait3A_116 = arith.constant 0 : i32
          %dma_wait3A_117 = arith.constant 0 : i32
          %dma_wait3A_118 = tpu.memref_slice %arg10[%dma_wait3A_116, %dma_wait3A_117] : memref<10000x128xf32, #tpu.memory_space<vmem_shared>> -> memref<10000x128xf32, #tpu.memory_space<vmem_shared>>
          tpu.wait_indirect_dma semaphore(%run_scoped3A_99 : memref<!tpu.dma_semaphore, #tpu.memory_space<semaphore_mem>>) src(%dma_wait3A_112 : memref<80x128xf32, #tpu.memory_space<vmem>>) dst(%dma_wait3A_118 : memref<10000x128xf32, #tpu.memory_space<vmem_shared>>)
          tpu.yield
        }) : () -> ()
      } else {
      }
      %lt3A_36 = arith.constant 125 : i32
      %lt3A_37 = arith.cmpi slt, %add3A_29, %lt3A_36 : i32
      %convert_element_type3A_38 = arith.extui %lt3A_37 : i1 to i32
      %cond3A_39 = arith.constant 0 : i32
      %cond3A_40 = arith.cmpi ne, %convert_element_type3A_38, %cond3A_39 : i32
      scf.if %cond3A_40 {
        %get3A = arith.index_cast %add3A_29 : i32 to index
        %get3A_87 = arith.constant 0 : index
        %get3A_88 = tpu.vector_load %arg6[%get3A, %get3A_87] {strides = array<i32>} : memref<125x80xi32, #tpu.memory_space<vmem>>, vector<1x16xi32>,
        %get3A_89 = vector.shape_cast %get3A_88 : vector<1x16xi32> to vector<16xi32>
        %and3A_90 = vector.broadcast %scan3A : i32 to vector<16xi32>
        %and3A_91 = arith.andi %get3A_89, %and3A_90 : vector<16xi32>
        %swap3A = arith.constant 0 : i32
        %swap3A_92 = arith.index_cast %swap3A : i32 to index
        %swap3A_93 = arith.constant 0 : index
        %swap3A_94 = tpu.vector_load %arg7[%swap3A_92, %swap3A_93] {strides = array<i32>} : memref<3x80xi32, #tpu.memory_space<vmem>>, vector<1x16xi32>,
        %swap3A_95 = vector.shape_cast %swap3A_94 : vector<1x16xi32> to vector<16xi32>
        %swap3A_96 = vector.shape_cast %and3A_91 : vector<16xi32> to vector<1x16xi32>
        tpu.vector_store %arg7[%swap3A_92, %swap3A_93], %swap3A_96 {strides = array<i32>} : memref<3x80xi32, #tpu.memory_space<vmem>>, vector<1x16xi32>,
        %shift_right_logical3A = arith.constant 16 : i32
        %shift_right_logical3A_97 = vector.broadcast %shift_right_logical3A : i32 to vector<16xi32>
        %shift_right_logical3A_98 = arith.shrui %get3A_89, %shift_right_logical3A_97 : vector<16xi32>
        %swap3A_99 = arith.constant 0 : i32
        %swap3A_100 = arith.index_cast %swap3A_99 : i32 to index
        %swap3A_101 = arith.constant 0 : index
        %swap3A_102 = tpu.vector_load %arg8[%swap3A_100, %swap3A_101] {strides = array<i32>} : memref<3x80xi32, #tpu.memory_space<vmem>>, vector<1x16xi32>,
        %swap3A_103 = vector.shape_cast %swap3A_102 : vector<1x16xi32> to vector<16xi32>
        %swap3A_104 = vector.shape_cast %shift_right_logical3A_98 : vector<16xi32> to vector<1x16xi32>
        tpu.vector_store %arg8[%swap3A_100, %swap3A_101], %swap3A_104 {strides = array<i32>} : memref<3x80xi32, #tpu.memory_space<vmem>>, vector<1x16xi32>,
        %get3A_105 = arith.index_cast %add3A_29 : i32 to index
        %get3A_106 = arith.constant 16 : index
        %get3A_107 = tpu.vector_load %arg6[%get3A_105, %get3A_106] {strides = array<i32>} : memref<125x80xi32, #tpu.memory_space<vmem>>, vector<1x16xi32>,
        %get3A_108 = vector.shape_cast %get3A_107 : vector<1x16xi32> to vector<16xi32>
        %and3A_109 = vector.broadcast %scan3A : i32 to vector<16xi32>
        %and3A_110 = arith.andi %get3A_108, %and3A_109 : vector<16xi32>
        %swap3A_111 = arith.constant 0 : i32
        %swap3A_112 = arith.index_cast %swap3A_111 : i32 to index
        %swap3A_113 = arith.constant 16 : index
        %swap3A_114 = tpu.vector_load %arg7[%swap3A_112, %swap3A_113] {strides = array<i32>} : memref<3x80xi32, #tpu.memory_space<vmem>>, vector<1x16xi32>,
        %swap3A_115 = vector.shape_cast %swap3A_114 : vector<1x16xi32> to vector<16xi32>
        %swap3A_116 = vector.shape_cast %and3A_110 : vector<16xi32> to vector<1x16xi32>
        tpu.vector_store %arg7[%swap3A_112, %swap3A_113], %swap3A_116 {strides = array<i32>} : memref<3x80xi32, #tpu.memory_space<vmem>>, vector<1x16xi32>,
        %shift_right_logical3A_117 = arith.constant 16 : i32
        %shift_right_logical3A_118 = vector.broadcast %shift_right_logical3A_117 : i32 to vector<16xi32>
        %shift_right_logical3A_119 = arith.shrui %get3A_108, %shift_right_logical3A_118 : vector<16xi32>
        %swap3A_120 = arith.constant 0 : i32
        %swap3A_121 = arith.index_cast %swap3A_120 : i32 to index
        %swap3A_122 = arith.constant 16 : index
        %swap3A_123 = tpu.vector_load %arg8[%swap3A_121, %swap3A_122] {strides = array<i32>} : memref<3x80xi32, #tpu.memory_space<vmem>>, vector<1x16xi32>,
        %swap3A_124 = vector.shape_cast %swap3A_123 : vector<1x16xi32> to vector<16xi32>
        %swap3A_125 = vector.shape_cast %shift_right_logical3A_119 : vector<16xi32> to vector<1x16xi32>
        tpu.vector_store %arg8[%swap3A_121, %swap3A_122], %swap3A_125 {strides = array<i32>} : memref<3x80xi32, #tpu.memory_space<vmem>>, vector<1x16xi32>,
        %get3A_126 = arith.index_cast %add3A_29 : i32 to index
        %get3A_127 = arith.constant 32 : index
        %get3A_128 = tpu.vector_load %arg6[%get3A_126, %get3A_127] {strides = array<i32>} : memref<125x80xi32, #tpu.memory_space<vmem>>, vector<1x16xi32>,
        %get3A_129 = vector.shape_cast %get3A_128 : vector<1x16xi32> to vector<16xi32>
        %and3A_130 = vector.broadcast %scan3A : i32 to vector<16xi32>
        %and3A_131 = arith.andi %get3A_129, %and3A_130 : vector<16xi32>
        %swap3A_132 = arith.constant 0 : i32
        %swap3A_133 = arith.index_cast %swap3A_132 : i32 to index
        %swap3A_134 = arith.constant 32 : index
        %swap3A_135 = tpu.vector_load %arg7[%swap3A_133, %swap3A_134] {strides = array<i32>} : memref<3x80xi32, #tpu.memory_space<vmem>>, vector<1x16xi32>,
        %swap3A_136 = vector.shape_cast %swap3A_135 : vector<1x16xi32> to vector<16xi32>
        %swap3A_137 = vector.shape_cast %and3A_131 : vector<16xi32> to vector<1x16xi32>
        tpu.vector_store %arg7[%swap3A_133, %swap3A_134], %swap3A_137 {strides = array<i32>} : memref<3x80xi32, #tpu.memory_space<vmem>>, vector<1x16xi32>,
        %shift_right_logical3A_138 = arith.constant 16 : i32
        %shift_right_logical3A_139 = vector.broadcast %shift_right_logical3A_138 : i32 to vector<16xi32>
        %shift_right_logical3A_140 = arith.shrui %get3A_129, %shift_right_logical3A_139 : vector<16xi32>
        %swap3A_141 = arith.constant 0 : i32
        %swap3A_142 = arith.index_cast %swap3A_141 : i32 to index
        %swap3A_143 = arith.constant 32 : index
        %swap3A_144 = tpu.vector_load %arg8[%swap3A_142, %swap3A_143] {strides = array<i32>} : memref<3x80xi32, #tpu.memory_space<vmem>>, vector<1x16xi32>,
        %swap3A_145 = vector.shape_cast %swap3A_144 : vector<1x16xi32> to vector<16xi32>
        %swap3A_146 = vector.shape_cast %shift_right_logical3A_140 : vector<16xi32> to vector<1x16xi32>
        tpu.vector_store %arg8[%swap3A_142, %swap3A_143], %swap3A_146 {strides = array<i32>} : memref<3x80xi32, #tpu.memory_space<vmem>>, vector<1x16xi32>,
        %get3A_147 = arith.index_cast %add3A_29 : i32 to index
        %get3A_148 = arith.constant 48 : index
        %get3A_149 = tpu.vector_load %arg6[%get3A_147, %get3A_148] {strides = array<i32>} : memref<125x80xi32, #tpu.memory_space<vmem>>, vector<1x16xi32>,
        %get3A_150 = vector.shape_cast %get3A_149 : vector<1x16xi32> to vector<16xi32>
        %and3A_151 = vector.broadcast %scan3A : i32 to vector<16xi32>
        %and3A_152 = arith.andi %get3A_150, %and3A_151 : vector<16xi32>
        %swap3A_153 = arith.constant 0 : i32
        %swap3A_154 = arith.index_cast %swap3A_153 : i32 to index
        %swap3A_155 = arith.constant 48 : index
        %swap3A_156 = tpu.vector_load %arg7[%swap3A_154, %swap3A_155] {strides = array<i32>} : memref<3x80xi32, #tpu.memory_space<vmem>>, vector<1x16xi32>,
        %swap3A_157 = vector.shape_cast %swap3A_156 : vector<1x16xi32> to vector<16xi32>
        %swap3A_158 = vector.shape_cast %and3A_152 : vector<16xi32> to vector<1x16xi32>
        tpu.vector_store %arg7[%swap3A_154, %swap3A_155], %swap3A_158 {strides = array<i32>} : memref<3x80xi32, #tpu.memory_space<vmem>>, vector<1x16xi32>,
        %shift_right_logical3A_159 = arith.constant 16 : i32
        %shift_right_logical3A_160 = vector.broadcast %shift_right_logical3A_159 : i32 to vector<16xi32>
        %shift_right_logical3A_161 = arith.shrui %get3A_150, %shift_right_logical3A_160 : vector<16xi32>
        %swap3A_162 = arith.constant 0 : i32
        %swap3A_163 = arith.index_cast %swap3A_162 : i32 to index
        %swap3A_164 = arith.constant 48 : index
        %swap3A_165 = tpu.vector_load %arg8[%swap3A_163, %swap3A_164] {strides = array<i32>} : memref<3x80xi32, #tpu.memory_space<vmem>>, vector<1x16xi32>,
        %swap3A_166 = vector.shape_cast %swap3A_165 : vector<1x16xi32> to vector<16xi32>
        %swap3A_167 = vector.shape_cast %shift_right_logical3A_161 : vector<16xi32> to vector<1x16xi32>
        tpu.vector_store %arg8[%swap3A_163, %swap3A_164], %swap3A_167 {strides = array<i32>} : memref<3x80xi32, #tpu.memory_space<vmem>>, vector<1x16xi32>,
        %get3A_168 = arith.index_cast %add3A_29 : i32 to index
        %get3A_169 = arith.constant 64 : index
        %get3A_170 = tpu.vector_load %arg6[%get3A_168, %get3A_169] {strides = array<i32>} : memref<125x80xi32, #tpu.memory_space<vmem>>, vector<1x16xi32>,
        %get3A_171 = vector.shape_cast %get3A_170 : vector<1x16xi32> to vector<16xi32>
        %and3A_172 = vector.broadcast %scan3A : i32 to vector<16xi32>
        %and3A_173 = arith.andi %get3A_171, %and3A_172 : vector<16xi32>
        %swap3A_174 = arith.constant 0 : i32
        %swap3A_175 = arith.index_cast %swap3A_174 : i32 to index
        %swap3A_176 = arith.constant 64 : index
        %swap3A_177 = tpu.vector_load %arg7[%swap3A_175, %swap3A_176] {strides = array<i32>} : memref<3x80xi32, #tpu.memory_space<vmem>>, vector<1x16xi32>,
        %swap3A_178 = vector.shape_cast %swap3A_177 : vector<1x16xi32> to vector<16xi32>
        %swap3A_179 = vector.shape_cast %and3A_173 : vector<16xi32> to vector<1x16xi32>
        tpu.vector_store %arg7[%swap3A_175, %swap3A_176], %swap3A_179 {strides = array<i32>} : memref<3x80xi32, #tpu.memory_space<vmem>>, vector<1x16xi32>,
        %shift_right_logical3A_180 = arith.constant 16 : i32
        %shift_right_logical3A_181 = vector.broadcast %shift_right_logical3A_180 : i32 to vector<16xi32>
        %shift_right_logical3A_182 = arith.shrui %get3A_171, %shift_right_logical3A_181 : vector<16xi32>
        %swap3A_183 = arith.constant 0 : i32
        %swap3A_184 = arith.index_cast %swap3A_183 : i32 to index
        %swap3A_185 = arith.constant 64 : index
        %swap3A_186 = tpu.vector_load %arg8[%swap3A_184, %swap3A_185] {strides = array<i32>} : memref<3x80xi32, #tpu.memory_space<vmem>>, vector<1x16xi32>,
        %swap3A_187 = vector.shape_cast %swap3A_186 : vector<1x16xi32> to vector<16xi32>
        %swap3A_188 = vector.shape_cast %shift_right_logical3A_182 : vector<16xi32> to vector<1x16xi32>
        tpu.vector_store %arg8[%swap3A_184, %swap3A_185], %swap3A_188 {strides = array<i32>} : memref<3x80xi32, #tpu.memory_space<vmem>>, vector<1x16xi32>,
        %dma_start3A = arith.constant 0 : i32
        %dma_start3A_189 = arith.constant 0 : i32
        %dma_start3A_190 = arith.constant 0 : i32
        %dma_start3A_191 = arith.constant 0 : i32
        %dma_start3A_192 = tpu.memref_slice %arg9[%dma_start3A_189, %dma_start3A_190, %dma_start3A_191] : memref<3x80x128xf32, #tpu.memory_space<vmem>> -> memref<1x80x128xf32, #tpu.memory_space<vmem>>
        %dma_start3A_193 = tpu.memref_squeeze %dma_start3A_192 : memref<1x80x128xf32, #tpu.memory_space<vmem>> -> memref<80x128xf32, #tpu.memory_space<vmem>>
        %dma_start3A_194 = arith.constant 0 : i32
        %dma_start3A_195 = tpu.memref_slice %arg7[%dma_start3A, %dma_start3A_194] : memref<3x80xi32, #tpu.memory_space<vmem>> -> memref<1x80xi32, #tpu.memory_space<vmem>>
        %dma_start3A_196 = tpu.memref_squeeze %dma_start3A_195 : memref<1x80xi32, #tpu.memory_space<vmem>> -> memref<80xi32, #tpu.memory_space<vmem>>
        %dma_start3A_197 = arith.constant 0 : i32
        %dma_start3A_198 = arith.constant 0 : i32
        %dma_start3A_199 = tpu.memref_slice %arg2[%dma_start3A_197, %dma_start3A_198] : memref<10000x128xf32, #tpu.memory_space<hbm>> -> memref<10000x128xf32, #tpu.memory_space<hbm>>
        tpu.enqueue_indirect_dma source(%dma_start3A_199 : memref<10000x128xf32, #tpu.memory_space<hbm>>) target(%dma_start3A_193 : memref<80x128xf32, #tpu.memory_space<vmem>>) offsets(%dma_start3A_196 : memref<80xi32, #tpu.memory_space<vmem>>) semaphore(%arg11 : memref<!tpu.dma_semaphore, #tpu.memory_space<semaphore_mem>>)
      } else {
      }
      %mul3A_41 = arith.constant 3 : i32
      %mul3A_42 = arith.muli %add3A_20, %mul3A_41 : i32
      %add3A_43 = arith.constant 1 : i32
      %add3A_44 = arith.addi %mul3A_42, %add3A_43 : i32
      %sub3A_45 = arith.constant 3 : i32
      %sub3A_46 = arith.subi %add3A_44, %sub3A_45 : i32
      %mul3A_47 = arith.constant 3 : i32
      %mul3A_48 = arith.muli %add3A_20, %mul3A_47 : i32
      %add3A_49 = arith.constant 1 : i32
      %add3A_50 = arith.addi %mul3A_48, %add3A_49 : i32
      %ge3A_51 = arith.constant 0 : i32
      %ge3A_52 = arith.cmpi sge, %sub3A_46, %ge3A_51 : i32
      %lt3A_53 = arith.constant 125 : i32
      %lt3A_54 = arith.cmpi slt, %sub3A_46, %lt3A_53 : i32
      %and3A_55 = arith.andi %ge3A_52, %lt3A_54 : i1
      %convert_element_type3A_56 = arith.extui %and3A_55 : i1 to i32
      %cond3A_57 = arith.constant 0 : i32
      %cond3A_58 = arith.cmpi ne, %convert_element_type3A_56, %cond3A_57 : i32
      scf.if %cond3A_58 {
        %dma_wait3A = arith.constant 1 : i32
        %dma_wait3A_87 = arith.constant 1 : i32
        %dma_wait3A_88 = arith.constant 0 : i32
        %dma_wait3A_89 = arith.constant 0 : i32
        %dma_wait3A_90 = tpu.memref_slice %arg9[%dma_wait3A_87, %dma_wait3A_88, %dma_wait3A_89] : memref<3x80x128xf32, #tpu.memory_space<vmem>> -> memref<1x80x128xf32, #tpu.memory_space<vmem>>
        %dma_wait3A_91 = tpu.memref_squeeze %dma_wait3A_90 : memref<1x80x128xf32, #tpu.memory_space<vmem>> -> memref<80x128xf32, #tpu.memory_space<vmem>>
        %dma_wait3A_92 = arith.constant 0 : i32
        %dma_wait3A_93 = tpu.memref_slice %arg7[%dma_wait3A, %dma_wait3A_92] : memref<3x80xi32, #tpu.memory_space<vmem>> -> memref<1x80xi32, #tpu.memory_space<vmem>>
        %dma_wait3A_94 = tpu.memref_squeeze %dma_wait3A_93 : memref<1x80xi32, #tpu.memory_space<vmem>> -> memref<80xi32, #tpu.memory_space<vmem>>
        %dma_wait3A_95 = arith.constant 0 : i32
        %dma_wait3A_96 = arith.constant 0 : i32
        %dma_wait3A_97 = tpu.memref_slice %arg2[%dma_wait3A_95, %dma_wait3A_96] : memref<10000x128xf32, #tpu.memory_space<hbm>> -> memref<10000x128xf32, #tpu.memory_space<hbm>>
        tpu.wait_indirect_dma semaphore(%arg12 : memref<!tpu.dma_semaphore, #tpu.memory_space<semaphore_mem>>) src(%dma_wait3A_97 : memref<10000x128xf32, #tpu.memory_space<hbm>>) dst(%dma_wait3A_91 : memref<80x128xf32, #tpu.memory_space<vmem>>)
        %run_scoped3A = arith.constant 1 : i32
        %run_scoped3A_98 = arith.constant 1 : i32
        "tpu.region"() ({
          %run_scoped3A_99 = tpu.sem_alloc : memref<!tpu.dma_semaphore, #tpu.memory_space<semaphore_mem>>
          %dma_start3A = arith.constant 0 : i32
          %dma_start3A_100 = arith.constant 0 : i32
          %dma_start3A_101 = tpu.memref_slice %arg9[%run_scoped3A, %dma_start3A, %dma_start3A_100] : memref<3x80x128xf32, #tpu.memory_space<vmem>> -> memref<1x80x128xf32, #tpu.memory_space<vmem>>
          %dma_start3A_102 = tpu.memref_squeeze %dma_start3A_101 : memref<1x80x128xf32, #tpu.memory_space<vmem>> -> memref<80x128xf32, #tpu.memory_space<vmem>>
          %dma_start3A_103 = arith.constant 0 : i32
          %dma_start3A_104 = tpu.memref_slice %arg8[%run_scoped3A_98, %dma_start3A_103] : memref<3x80xi32, #tpu.memory_space<vmem>> -> memref<1x80xi32, #tpu.memory_space<vmem>>
          %dma_start3A_105 = tpu.memref_squeeze %dma_start3A_104 : memref<1x80xi32, #tpu.memory_space<vmem>> -> memref<80xi32, #tpu.memory_space<vmem>>
          %dma_start3A_106 = arith.constant 0 : i32
          %dma_start3A_107 = arith.constant 0 : i32
          %dma_start3A_108 = tpu.memref_slice %arg10[%dma_start3A_106, %dma_start3A_107] : memref<10000x128xf32, #tpu.memory_space<vmem_shared>> -> memref<10000x128xf32, #tpu.memory_space<vmem_shared>>
          tpu.enqueue_indirect_dma source(%dma_start3A_102 : memref<80x128xf32, #tpu.memory_space<vmem>>) target(%dma_start3A_108 : memref<10000x128xf32, #tpu.memory_space<vmem_shared>>) offsets(%dma_start3A_105 : memref<80xi32, #tpu.memory_space<vmem>>) semaphore(%run_scoped3A_99 : memref<!tpu.dma_semaphore, #tpu.memory_space<semaphore_mem>>) {add = true}
          %dma_wait3A_109 = arith.constant 0 : i32
          %dma_wait3A_110 = arith.constant 0 : i32
          %dma_wait3A_111 = tpu.memref_slice %arg9[%run_scoped3A, %dma_wait3A_109, %dma_wait3A_110] : memref<3x80x128xf32, #tpu.memory_space<vmem>> -> memref<1x80x128xf32, #tpu.memory_space<vmem>>
          %dma_wait3A_112 = tpu.memref_squeeze %dma_wait3A_111 : memref<1x80x128xf32, #tpu.memory_space<vmem>> -> memref<80x128xf32, #tpu.memory_space<vmem>>
          %dma_wait3A_113 = arith.constant 0 : i32
          %dma_wait3A_114 = tpu.memref_slice %arg8[%run_scoped3A_98, %dma_wait3A_113] : memref<3x80xi32, #tpu.memory_space<vmem>> -> memref<1x80xi32, #tpu.memory_space<vmem>>
          %dma_wait3A_115 = tpu.memref_squeeze %dma_wait3A_114 : memref<1x80xi32, #tpu.memory_space<vmem>> -> memref<80xi32, #tpu.memory_space<vmem>>
          %dma_wait3A_116 = arith.constant 0 : i32
          %dma_wait3A_117 = arith.constant 0 : i32
          %dma_wait3A_118 = tpu.memref_slice %arg10[%dma_wait3A_116, %dma_wait3A_117] : memref<10000x128xf32, #tpu.memory_space<vmem_shared>> -> memref<10000x128xf32, #tpu.memory_space<vmem_shared>>
          tpu.wait_indirect_dma semaphore(%run_scoped3A_99 : memref<!tpu.dma_semaphore, #tpu.memory_space<semaphore_mem>>) src(%dma_wait3A_112 : memref<80x128xf32, #tpu.memory_space<vmem>>) dst(%dma_wait3A_118 : memref<10000x128xf32, #tpu.memory_space<vmem_shared>>)
          tpu.yield
        }) : () -> ()
      } else {
      }
      %lt3A_59 = arith.constant 125 : i32
      %lt3A_60 = arith.cmpi slt, %add3A_50, %lt3A_59 : i32
      %convert_element_type3A_61 = arith.extui %lt3A_60 : i1 to i32
      %cond3A_62 = arith.constant 0 : i32
      %cond3A_63 = arith.cmpi ne, %convert_element_type3A_61, %cond3A_62 : i32
      scf.if %cond3A_63 {
        %get3A = arith.index_cast %add3A_50 : i32 to index
        %get3A_87 = arith.constant 0 : index
        %get3A_88 = tpu.vector_load %arg6[%get3A, %get3A_87] {strides = array<i32>} : memref<125x80xi32, #tpu.memory_space<vmem>>, vector<1x16xi32>,
        %get3A_89 = vector.shape_cast %get3A_88 : vector<1x16xi32> to vector<16xi32>
        %and3A_90 = vector.broadcast %scan3A : i32 to vector<16xi32>
        %and3A_91 = arith.andi %get3A_89, %and3A_90 : vector<16xi32>
        %swap3A = arith.constant 1 : i32
        %swap3A_92 = arith.index_cast %swap3A : i32 to index
        %swap3A_93 = arith.constant 0 : index
        %swap3A_94 = tpu.vector_load %arg7[%swap3A_92, %swap3A_93] {strides = array<i32>} : memref<3x80xi32, #tpu.memory_space<vmem>>, vector<1x16xi32>,
        %swap3A_95 = vector.shape_cast %swap3A_94 : vector<1x16xi32> to vector<16xi32>
        %swap3A_96 = vector.shape_cast %and3A_91 : vector<16xi32> to vector<1x16xi32>
        tpu.vector_store %arg7[%swap3A_92, %swap3A_93], %swap3A_96 {strides = array<i32>} : memref<3x80xi32, #tpu.memory_space<vmem>>, vector<1x16xi32>,
        %shift_right_logical3A = arith.constant 16 : i32
        %shift_right_logical3A_97 = vector.broadcast %shift_right_logical3A : i32 to vector<16xi32>
        %shift_right_logical3A_98 = arith.shrui %get3A_89, %shift_right_logical3A_97 : vector<16xi32>
        %swap3A_99 = arith.constant 1 : i32
        %swap3A_100 = arith.index_cast %swap3A_99 : i32 to index
        %swap3A_101 = arith.constant 0 : index
        %swap3A_102 = tpu.vector_load %arg8[%swap3A_100, %swap3A_101] {strides = array<i32>} : memref<3x80xi32, #tpu.memory_space<vmem>>, vector<1x16xi32>,
        %swap3A_103 = vector.shape_cast %swap3A_102 : vector<1x16xi32> to vector<16xi32>
        %swap3A_104 = vector.shape_cast %shift_right_logical3A_98 : vector<16xi32> to vector<1x16xi32>
        tpu.vector_store %arg8[%swap3A_100, %swap3A_101], %swap3A_104 {strides = array<i32>} : memref<3x80xi32, #tpu.memory_space<vmem>>, vector<1x16xi32>,
        %get3A_105 = arith.index_cast %add3A_50 : i32 to index
        %get3A_106 = arith.constant 16 : index
        %get3A_107 = tpu.vector_load %arg6[%get3A_105, %get3A_106] {strides = array<i32>} : memref<125x80xi32, #tpu.memory_space<vmem>>, vector<1x16xi32>,
        %get3A_108 = vector.shape_cast %get3A_107 : vector<1x16xi32> to vector<16xi32>
        %and3A_109 = vector.broadcast %scan3A : i32 to vector<16xi32>
        %and3A_110 = arith.andi %get3A_108, %and3A_109 : vector<16xi32>
        %swap3A_111 = arith.constant 1 : i32
        %swap3A_112 = arith.index_cast %swap3A_111 : i32 to index
        %swap3A_113 = arith.constant 16 : index
        %swap3A_114 = tpu.vector_load %arg7[%swap3A_112, %swap3A_113] {strides = array<i32>} : memref<3x80xi32, #tpu.memory_space<vmem>>, vector<1x16xi32>,
        %swap3A_115 = vector.shape_cast %swap3A_114 : vector<1x16xi32> to vector<16xi32>
        %swap3A_116 = vector.shape_cast %and3A_110 : vector<16xi32> to vector<1x16xi32>
        tpu.vector_store %arg7[%swap3A_112, %swap3A_113], %swap3A_116 {strides = array<i32>} : memref<3x80xi32, #tpu.memory_space<vmem>>, vector<1x16xi32>,
        %shift_right_logical3A_117 = arith.constant 16 : i32
        %shift_right_logical3A_118 = vector.broadcast %shift_right_logical3A_117 : i32 to vector<16xi32>
        %shift_right_logical3A_119 = arith.shrui %get3A_108, %shift_right_logical3A_118 : vector<16xi32>
        %swap3A_120 = arith.constant 1 : i32
        %swap3A_121 = arith.index_cast %swap3A_120 : i32 to index
        %swap3A_122 = arith.constant 16 : index
        %swap3A_123 = tpu.vector_load %arg8[%swap3A_121, %swap3A_122] {strides = array<i32>} : memref<3x80xi32, #tpu.memory_space<vmem>>, vector<1x16xi32>,
        %swap3A_124 = vector.shape_cast %swap3A_123 : vector<1x16xi32> to vector<16xi32>
        %swap3A_125 = vector.shape_cast %shift_right_logical3A_119 : vector<16xi32> to vector<1x16xi32>
        tpu.vector_store %arg8[%swap3A_121, %swap3A_122], %swap3A_125 {strides = array<i32>} : memref<3x80xi32, #tpu.memory_space<vmem>>, vector<1x16xi32>,
        %get3A_126 = arith.index_cast %add3A_50 : i32 to index
        %get3A_127 = arith.constant 32 : index
        %get3A_128 = tpu.vector_load %arg6[%get3A_126, %get3A_127] {strides = array<i32>} : memref<125x80xi32, #tpu.memory_space<vmem>>, vector<1x16xi32>,
        %get3A_129 = vector.shape_cast %get3A_128 : vector<1x16xi32> to vector<16xi32>
        %and3A_130 = vector.broadcast %scan3A : i32 to vector<16xi32>
        %and3A_131 = arith.andi %get3A_129, %and3A_130 : vector<16xi32>
        %swap3A_132 = arith.constant 1 : i32
        %swap3A_133 = arith.index_cast %swap3A_132 : i32 to index
        %swap3A_134 = arith.constant 32 : index
        %swap3A_135 = tpu.vector_load %arg7[%swap3A_133, %swap3A_134] {strides = array<i32>} : memref<3x80xi32, #tpu.memory_space<vmem>>, vector<1x16xi32>,
        %swap3A_136 = vector.shape_cast %swap3A_135 : vector<1x16xi32> to vector<16xi32>
        %swap3A_137 = vector.shape_cast %and3A_131 : vector<16xi32> to vector<1x16xi32>
        tpu.vector_store %arg7[%swap3A_133, %swap3A_134], %swap3A_137 {strides = array<i32>} : memref<3x80xi32, #tpu.memory_space<vmem>>, vector<1x16xi32>,
        %shift_right_logical3A_138 = arith.constant 16 : i32
        %shift_right_logical3A_139 = vector.broadcast %shift_right_logical3A_138 : i32 to vector<16xi32>
        %shift_right_logical3A_140 = arith.shrui %get3A_129, %shift_right_logical3A_139 : vector<16xi32>
        %swap3A_141 = arith.constant 1 : i32
        %swap3A_142 = arith.index_cast %swap3A_141 : i32 to index
        %swap3A_143 = arith.constant 32 : index
        %swap3A_144 = tpu.vector_load %arg8[%swap3A_142, %swap3A_143] {strides = array<i32>} : memref<3x80xi32, #tpu.memory_space<vmem>>, vector<1x16xi32>,
        %swap3A_145 = vector.shape_cast %swap3A_144 : vector<1x16xi32> to vector<16xi32>
        %swap3A_146 = vector.shape_cast %shift_right_logical3A_140 : vector<16xi32> to vector<1x16xi32>
        tpu.vector_store %arg8[%swap3A_142, %swap3A_143], %swap3A_146 {strides = array<i32>} : memref<3x80xi32, #tpu.memory_space<vmem>>, vector<1x16xi32>,
        %get3A_147 = arith.index_cast %add3A_50 : i32 to index
        %get3A_148 = arith.constant 48 : index
        %get3A_149 = tpu.vector_load %arg6[%get3A_147, %get3A_148] {strides = array<i32>} : memref<125x80xi32, #tpu.memory_space<vmem>>, vector<1x16xi32>,
        %get3A_150 = vector.shape_cast %get3A_149 : vector<1x16xi32> to vector<16xi32>
        %and3A_151 = vector.broadcast %scan3A : i32 to vector<16xi32>
        %and3A_152 = arith.andi %get3A_150, %and3A_151 : vector<16xi32>
        %swap3A_153 = arith.constant 1 : i32
        %swap3A_154 = arith.index_cast %swap3A_153 : i32 to index
        %swap3A_155 = arith.constant 48 : index
        %swap3A_156 = tpu.vector_load %arg7[%swap3A_154, %swap3A_155] {strides = array<i32>} : memref<3x80xi32, #tpu.memory_space<vmem>>, vector<1x16xi32>,
        %swap3A_157 = vector.shape_cast %swap3A_156 : vector<1x16xi32> to vector<16xi32>
        %swap3A_158 = vector.shape_cast %and3A_152 : vector<16xi32> to vector<1x16xi32>
        tpu.vector_store %arg7[%swap3A_154, %swap3A_155], %swap3A_158 {strides = array<i32>} : memref<3x80xi32, #tpu.memory_space<vmem>>, vector<1x16xi32>,
        %shift_right_logical3A_159 = arith.constant 16 : i32
        %shift_right_logical3A_160 = vector.broadcast %shift_right_logical3A_159 : i32 to vector<16xi32>
        %shift_right_logical3A_161 = arith.shrui %get3A_150, %shift_right_logical3A_160 : vector<16xi32>
        %swap3A_162 = arith.constant 1 : i32
        %swap3A_163 = arith.index_cast %swap3A_162 : i32 to index
        %swap3A_164 = arith.constant 48 : index
        %swap3A_165 = tpu.vector_load %arg8[%swap3A_163, %swap3A_164] {strides = array<i32>} : memref<3x80xi32, #tpu.memory_space<vmem>>, vector<1x16xi32>,
        %swap3A_166 = vector.shape_cast %swap3A_165 : vector<1x16xi32> to vector<16xi32>
        %swap3A_167 = vector.shape_cast %shift_right_logical3A_161 : vector<16xi32> to vector<1x16xi32>
        tpu.vector_store %arg8[%swap3A_163, %swap3A_164], %swap3A_167 {strides = array<i32>} : memref<3x80xi32, #tpu.memory_space<vmem>>, vector<1x16xi32>,
        %get3A_168 = arith.index_cast %add3A_50 : i32 to index
        %get3A_169 = arith.constant 64 : index
        %get3A_170 = tpu.vector_load %arg6[%get3A_168, %get3A_169] {strides = array<i32>} : memref<125x80xi32, #tpu.memory_space<vmem>>, vector<1x16xi32>,
        %get3A_171 = vector.shape_cast %get3A_170 : vector<1x16xi32> to vector<16xi32>
        %and3A_172 = vector.broadcast %scan3A : i32 to vector<16xi32>
        %and3A_173 = arith.andi %get3A_171, %and3A_172 : vector<16xi32>
        %swap3A_174 = arith.constant 1 : i32
        %swap3A_175 = arith.index_cast %swap3A_174 : i32 to index
        %swap3A_176 = arith.constant 64 : index
        %swap3A_177 = tpu.vector_load %arg7[%swap3A_175, %swap3A_176] {strides = array<i32>} : memref<3x80xi32, #tpu.memory_space<vmem>>, vector<1x16xi32>,
        %swap3A_178 = vector.shape_cast %swap3A_177 : vector<1x16xi32> to vector<16xi32>
        %swap3A_179 = vector.shape_cast %and3A_173 : vector<16xi32> to vector<1x16xi32>
        tpu.vector_store %arg7[%swap3A_175, %swap3A_176], %swap3A_179 {strides = array<i32>} : memref<3x80xi32, #tpu.memory_space<vmem>>, vector<1x16xi32>,
        %shift_right_logical3A_180 = arith.constant 16 : i32
        %shift_right_logical3A_181 = vector.broadcast %shift_right_logical3A_180 : i32 to vector<16xi32>
        %shift_right_logical3A_182 = arith.shrui %get3A_171, %shift_right_logical3A_181 : vector<16xi32>
        %swap3A_183 = arith.constant 1 : i32
        %swap3A_184 = arith.index_cast %swap3A_183 : i32 to index
        %swap3A_185 = arith.constant 64 : index
        %swap3A_186 = tpu.vector_load %arg8[%swap3A_184, %swap3A_185] {strides = array<i32>} : memref<3x80xi32, #tpu.memory_space<vmem>>, vector<1x16xi32>,
        %swap3A_187 = vector.shape_cast %swap3A_186 : vector<1x16xi32> to vector<16xi32>
        %swap3A_188 = vector.shape_cast %shift_right_logical3A_182 : vector<16xi32> to vector<1x16xi32>
        tpu.vector_store %arg8[%swap3A_184, %swap3A_185], %swap3A_188 {strides = array<i32>} : memref<3x80xi32, #tpu.memory_space<vmem>>, vector<1x16xi32>,
        %dma_start3A = arith.constant 1 : i32
        %dma_start3A_189 = arith.constant 1 : i32
        %dma_start3A_190 = arith.constant 0 : i32
        %dma_start3A_191 = arith.constant 0 : i32
        %dma_start3A_192 = tpu.memref_slice %arg9[%dma_start3A_189, %dma_start3A_190, %dma_start3A_191] : memref<3x80x128xf32, #tpu.memory_space<vmem>> -> memref<1x80x128xf32, #tpu.memory_space<vmem>>
        %dma_start3A_193 = tpu.memref_squeeze %dma_start3A_192 : memref<1x80x128xf32, #tpu.memory_space<vmem>> -> memref<80x128xf32, #tpu.memory_space<vmem>>
        %dma_start3A_194 = arith.constant 0 : i32
        %dma_start3A_195 = tpu.memref_slice %arg7[%dma_start3A, %dma_start3A_194] : memref<3x80xi32, #tpu.memory_space<vmem>> -> memref<1x80xi32, #tpu.memory_space<vmem>>
        %dma_start3A_196 = tpu.memref_squeeze %dma_start3A_195 : memref<1x80xi32, #tpu.memory_space<vmem>> -> memref<80xi32, #tpu.memory_space<vmem>>
        %dma_start3A_197 = arith.constant 0 : i32
        %dma_start3A_198 = arith.constant 0 : i32
        %dma_start3A_199 = tpu.memref_slice %arg2[%dma_start3A_197, %dma_start3A_198] : memref<10000x128xf32, #tpu.memory_space<hbm>> -> memref<10000x128xf32, #tpu.memory_space<hbm>>
        tpu.enqueue_indirect_dma source(%dma_start3A_199 : memref<10000x128xf32, #tpu.memory_space<hbm>>) target(%dma_start3A_193 : memref<80x128xf32, #tpu.memory_space<vmem>>) offsets(%dma_start3A_196 : memref<80xi32, #tpu.memory_space<vmem>>) semaphore(%arg12 : memref<!tpu.dma_semaphore, #tpu.memory_space<semaphore_mem>>)
      } else {
      }
      %mul3A_64 = arith.constant 3 : i32
      %mul3A_65 = arith.muli %add3A_20, %mul3A_64 : i32
      %add3A_66 = arith.constant 2 : i32
      %add3A_67 = arith.addi %mul3A_65, %add3A_66 : i32
      %sub3A_68 = arith.constant 3 : i32
      %sub3A_69 = arith.subi %add3A_67, %sub3A_68 : i32
      %mul3A_70 = arith.constant 3 : i32
      %mul3A_71 = arith.muli %add3A_20, %mul3A_70 : i32
      %add3A_72 = arith.constant 2 : i32
      %add3A_73 = arith.addi %mul3A_71, %add3A_72 : i32
      %ge3A_74 = arith.constant 0 : i32
      %ge3A_75 = arith.cmpi sge, %sub3A_69, %ge3A_74 : i32
      %lt3A_76 = arith.constant 125 : i32
      %lt3A_77 = arith.cmpi slt, %sub3A_69, %lt3A_76 : i32
      %and3A_78 = arith.andi %ge3A_75, %lt3A_77 : i1
      %convert_element_type3A_79 = arith.extui %and3A_78 : i1 to i32
      %cond3A_80 = arith.constant 0 : i32
      %cond3A_81 = arith.cmpi ne, %convert_element_type3A_79, %cond3A_80 : i32
      scf.if %cond3A_81 {
        %dma_wait3A = arith.constant 2 : i32
        %dma_wait3A_87 = arith.constant 2 : i32
        %dma_wait3A_88 = arith.constant 0 : i32
        %dma_wait3A_89 = arith.constant 0 : i32
        %dma_wait3A_90 = tpu.memref_slice %arg9[%dma_wait3A_87, %dma_wait3A_88, %dma_wait3A_89] : memref<3x80x128xf32, #tpu.memory_space<vmem>> -> memref<1x80x128xf32, #tpu.memory_space<vmem>>
        %dma_wait3A_91 = tpu.memref_squeeze %dma_wait3A_90 : memref<1x80x128xf32, #tpu.memory_space<vmem>> -> memref<80x128xf32, #tpu.memory_space<vmem>>
        %dma_wait3A_92 = arith.constant 0 : i32
        %dma_wait3A_93 = tpu.memref_slice %arg7[%dma_wait3A, %dma_wait3A_92] : memref<3x80xi32, #tpu.memory_space<vmem>> -> memref<1x80xi32, #tpu.memory_space<vmem>>
        %dma_wait3A_94 = tpu.memref_squeeze %dma_wait3A_93 : memref<1x80xi32, #tpu.memory_space<vmem>> -> memref<80xi32, #tpu.memory_space<vmem>>
        %dma_wait3A_95 = arith.constant 0 : i32
        %dma_wait3A_96 = arith.constant 0 : i32
        %dma_wait3A_97 = tpu.memref_slice %arg2[%dma_wait3A_95, %dma_wait3A_96] : memref<10000x128xf32, #tpu.memory_space<hbm>> -> memref<10000x128xf32, #tpu.memory_space<hbm>>
        tpu.wait_indirect_dma semaphore(%arg13 : memref<!tpu.dma_semaphore, #tpu.memory_space<semaphore_mem>>) src(%dma_wait3A_97 : memref<10000x128xf32, #tpu.memory_space<hbm>>) dst(%dma_wait3A_91 : memref<80x128xf32, #tpu.memory_space<vmem>>)
        %run_scoped3A = arith.constant 2 : i32
        %run_scoped3A_98 = arith.constant 2 : i32
        "tpu.region"() ({
          %run_scoped3A_99 = tpu.sem_alloc : memref<!tpu.dma_semaphore, #tpu.memory_space<semaphore_mem>>
          %dma_start3A = arith.constant 0 : i32
          %dma_start3A_100 = arith.constant 0 : i32
          %dma_start3A_101 = tpu.memref_slice %arg9[%run_scoped3A, %dma_start3A, %dma_start3A_100] : memref<3x80x128xf32, #tpu.memory_space<vmem>> -> memref<1x80x128xf32, #tpu.memory_space<vmem>>
          %dma_start3A_102 = tpu.memref_squeeze %dma_start3A_101 : memref<1x80x128xf32, #tpu.memory_space<vmem>> -> memref<80x128xf32, #tpu.memory_space<vmem>>
          %dma_start3A_103 = arith.constant 0 : i32
          %dma_start3A_104 = tpu.memref_slice %arg8[%run_scoped3A_98, %dma_start3A_103] : memref<3x80xi32, #tpu.memory_space<vmem>> -> memref<1x80xi32, #tpu.memory_space<vmem>>
          %dma_start3A_105 = tpu.memref_squeeze %dma_start3A_104 : memref<1x80xi32, #tpu.memory_space<vmem>> -> memref<80xi32, #tpu.memory_space<vmem>>
          %dma_start3A_106 = arith.constant 0 : i32
          %dma_start3A_107 = arith.constant 0 : i32
          %dma_start3A_108 = tpu.memref_slice %arg10[%dma_start3A_106, %dma_start3A_107] : memref<10000x128xf32, #tpu.memory_space<vmem_shared>> -> memref<10000x128xf32, #tpu.memory_space<vmem_shared>>
          tpu.enqueue_indirect_dma source(%dma_start3A_102 : memref<80x128xf32, #tpu.memory_space<vmem>>) target(%dma_start3A_108 : memref<10000x128xf32, #tpu.memory_space<vmem_shared>>) offsets(%dma_start3A_105 : memref<80xi32, #tpu.memory_space<vmem>>) semaphore(%run_scoped3A_99 : memref<!tpu.dma_semaphore, #tpu.memory_space<semaphore_mem>>) {add = true}
          %dma_wait3A_109 = arith.constant 0 : i32
          %dma_wait3A_110 = arith.constant 0 : i32
          %dma_wait3A_111 = tpu.memref_slice %arg9[%run_scoped3A, %dma_wait3A_109, %dma_wait3A_110] : memref<3x80x128xf32, #tpu.memory_space<vmem>> -> memref<1x80x128xf32, #tpu.memory_space<vmem>>
          %dma_wait3A_112 = tpu.memref_squeeze %dma_wait3A_111 : memref<1x80x128xf32, #tpu.memory_space<vmem>> -> memref<80x128xf32, #tpu.memory_space<vmem>>
          %dma_wait3A_113 = arith.constant 0 : i32
          %dma_wait3A_114 = tpu.memref_slice %arg8[%run_scoped3A_98, %dma_wait3A_113] : memref<3x80xi32, #tpu.memory_space<vmem>> -> memref<1x80xi32, #tpu.memory_space<vmem>>
          %dma_wait3A_115 = tpu.memref_squeeze %dma_wait3A_114 : memref<1x80xi32, #tpu.memory_space<vmem>> -> memref<80xi32, #tpu.memory_space<vmem>>
          %dma_wait3A_116 = arith.constant 0 : i32
          %dma_wait3A_117 = arith.constant 0 : i32
          %dma_wait3A_118 = tpu.memref_slice %arg10[%dma_wait3A_116, %dma_wait3A_117] : memref<10000x128xf32, #tpu.memory_space<vmem_shared>> -> memref<10000x128xf32, #tpu.memory_space<vmem_shared>>
          tpu.wait_indirect_dma semaphore(%run_scoped3A_99 : memref<!tpu.dma_semaphore, #tpu.memory_space<semaphore_mem>>) src(%dma_wait3A_112 : memref<80x128xf32, #tpu.memory_space<vmem>>) dst(%dma_wait3A_118 : memref<10000x128xf32, #tpu.memory_space<vmem_shared>>)
          tpu.yield
        }) : () -> ()
      } else {
      }
      %lt3A_82 = arith.constant 125 : i32
      %lt3A_83 = arith.cmpi slt, %add3A_73, %lt3A_82 : i32
      %convert_element_type3A_84 = arith.extui %lt3A_83 : i1 to i32
      %cond3A_85 = arith.constant 0 : i32
      %cond3A_86 = arith.cmpi ne, %convert_element_type3A_84, %cond3A_85 : i32
      scf.if %cond3A_86 {
        %get3A = arith.index_cast %add3A_73 : i32 to index
        %get3A_87 = arith.constant 0 : index
        %get3A_88 = tpu.vector_load %arg6[%get3A, %get3A_87] {strides = array<i32>} : memref<125x80xi32, #tpu.memory_space<vmem>>, vector<1x16xi32>,
        %get3A_89 = vector.shape_cast %get3A_88 : vector<1x16xi32> to vector<16xi32>
        %and3A_90 = vector.broadcast %scan3A : i32 to vector<16xi32>
        %and3A_91 = arith.andi %get3A_89, %and3A_90 : vector<16xi32>
        %swap3A = arith.constant 2 : i32
        %swap3A_92 = arith.index_cast %swap3A : i32 to index
        %swap3A_93 = arith.constant 0 : index
        %swap3A_94 = tpu.vector_load %arg7[%swap3A_92, %swap3A_93] {strides = array<i32>} : memref<3x80xi32, #tpu.memory_space<vmem>>, vector<1x16xi32>,
        %swap3A_95 = vector.shape_cast %swap3A_94 : vector<1x16xi32> to vector<16xi32>
        %swap3A_96 = vector.shape_cast %and3A_91 : vector<16xi32> to vector<1x16xi32>
        tpu.vector_store %arg7[%swap3A_92, %swap3A_93], %swap3A_96 {strides = array<i32>} : memref<3x80xi32, #tpu.memory_space<vmem>>, vector<1x16xi32>,
        %shift_right_logical3A = arith.constant 16 : i32
        %shift_right_logical3A_97 = vector.broadcast %shift_right_logical3A : i32 to vector<16xi32>
        %shift_right_logical3A_98 = arith.shrui %get3A_89, %shift_right_logical3A_97 : vector<16xi32>
        %swap3A_99 = arith.constant 2 : i32
        %swap3A_100 = arith.index_cast %swap3A_99 : i32 to index
        %swap3A_101 = arith.constant 0 : index
        %swap3A_102 = tpu.vector_load %arg8[%swap3A_100, %swap3A_101] {strides = array<i32>} : memref<3x80xi32, #tpu.memory_space<vmem>>, vector<1x16xi32>,
        %swap3A_103 = vector.shape_cast %swap3A_102 : vector<1x16xi32> to vector<16xi32>
        %swap3A_104 = vector.shape_cast %shift_right_logical3A_98 : vector<16xi32> to vector<1x16xi32>
        tpu.vector_store %arg8[%swap3A_100, %swap3A_101], %swap3A_104 {strides = array<i32>} : memref<3x80xi32, #tpu.memory_space<vmem>>, vector<1x16xi32>,
        %get3A_105 = arith.index_cast %add3A_73 : i32 to index
        %get3A_106 = arith.constant 16 : index
        %get3A_107 = tpu.vector_load %arg6[%get3A_105, %get3A_106] {strides = array<i32>} : memref<125x80xi32, #tpu.memory_space<vmem>>, vector<1x16xi32>,
        %get3A_108 = vector.shape_cast %get3A_107 : vector<1x16xi32> to vector<16xi32>
        %and3A_109 = vector.broadcast %scan3A : i32 to vector<16xi32>
        %and3A_110 = arith.andi %get3A_108, %and3A_109 : vector<16xi32>
        %swap3A_111 = arith.constant 2 : i32
        %swap3A_112 = arith.index_cast %swap3A_111 : i32 to index
        %swap3A_113 = arith.constant 16 : index
        %swap3A_114 = tpu.vector_load %arg7[%swap3A_112, %swap3A_113] {strides = array<i32>} : memref<3x80xi32, #tpu.memory_space<vmem>>, vector<1x16xi32>,
        %swap3A_115 = vector.shape_cast %swap3A_114 : vector<1x16xi32> to vector<16xi32>
        %swap3A_116 = vector.shape_cast %and3A_110 : vector<16xi32> to vector<1x16xi32>
        tpu.vector_store %arg7[%swap3A_112, %swap3A_113], %swap3A_116 {strides = array<i32>} : memref<3x80xi32, #tpu.memory_space<vmem>>, vector<1x16xi32>,
        %shift_right_logical3A_117 = arith.constant 16 : i32
        %shift_right_logical3A_118 = vector.broadcast %shift_right_logical3A_117 : i32 to vector<16xi32>
        %shift_right_logical3A_119 = arith.shrui %get3A_108, %shift_right_logical3A_118 : vector<16xi32>
        %swap3A_120 = arith.constant 2 : i32
        %swap3A_121 = arith.index_cast %swap3A_120 : i32 to index
        %swap3A_122 = arith.constant 16 : index
        %swap3A_123 = tpu.vector_load %arg8[%swap3A_121, %swap3A_122] {strides = array<i32>} : memref<3x80xi32, #tpu.memory_space<vmem>>, vector<1x16xi32>,
        %swap3A_124 = vector.shape_cast %swap3A_123 : vector<1x16xi32> to vector<16xi32>
        %swap3A_125 = vector.shape_cast %shift_right_logical3A_119 : vector<16xi32> to vector<1x16xi32>
        tpu.vector_store %arg8[%swap3A_121, %swap3A_122], %swap3A_125 {strides = array<i32>} : memref<3x80xi32, #tpu.memory_space<vmem>>, vector<1x16xi32>,
        %get3A_126 = arith.index_cast %add3A_73 : i32 to index
        %get3A_127 = arith.constant 32 : index
        %get3A_128 = tpu.vector_load %arg6[%get3A_126, %get3A_127] {strides = array<i32>} : memref<125x80xi32, #tpu.memory_space<vmem>>, vector<1x16xi32>,
        %get3A_129 = vector.shape_cast %get3A_128 : vector<1x16xi32> to vector<16xi32>
        %and3A_130 = vector.broadcast %scan3A : i32 to vector<16xi32>
        %and3A_131 = arith.andi %get3A_129, %and3A_130 : vector<16xi32>
        %swap3A_132 = arith.constant 2 : i32
        %swap3A_133 = arith.index_cast %swap3A_132 : i32 to index
        %swap3A_134 = arith.constant 32 : index
        %swap3A_135 = tpu.vector_load %arg7[%swap3A_133, %swap3A_134] {strides = array<i32>} : memref<3x80xi32, #tpu.memory_space<vmem>>, vector<1x16xi32>,
        %swap3A_136 = vector.shape_cast %swap3A_135 : vector<1x16xi32> to vector<16xi32>
        %swap3A_137 = vector.shape_cast %and3A_131 : vector<16xi32> to vector<1x16xi32>
        tpu.vector_store %arg7[%swap3A_133, %swap3A_134], %swap3A_137 {strides = array<i32>} : memref<3x80xi32, #tpu.memory_space<vmem>>, vector<1x16xi32>,
        %shift_right_logical3A_138 = arith.constant 16 : i32
        %shift_right_logical3A_139 = vector.broadcast %shift_right_logical3A_138 : i32 to vector<16xi32>
        %shift_right_logical3A_140 = arith.shrui %get3A_129, %shift_right_logical3A_139 : vector<16xi32>
        %swap3A_141 = arith.constant 2 : i32
        %swap3A_142 = arith.index_cast %swap3A_141 : i32 to index
        %swap3A_143 = arith.constant 32 : index
        %swap3A_144 = tpu.vector_load %arg8[%swap3A_142, %swap3A_143] {strides = array<i32>} : memref<3x80xi32, #tpu.memory_space<vmem>>, vector<1x16xi32>,
        %swap3A_145 = vector.shape_cast %swap3A_144 : vector<1x16xi32> to vector<16xi32>
        %swap3A_146 = vector.shape_cast %shift_right_logical3A_140 : vector<16xi32> to vector<1x16xi32>
        tpu.vector_store %arg8[%swap3A_142, %swap3A_143], %swap3A_146 {strides = array<i32>} : memref<3x80xi32, #tpu.memory_space<vmem>>, vector<1x16xi32>,
        %get3A_147 = arith.index_cast %add3A_73 : i32 to index
        %get3A_148 = arith.constant 48 : index
        %get3A_149 = tpu.vector_load %arg6[%get3A_147, %get3A_148] {strides = array<i32>} : memref<125x80xi32, #tpu.memory_space<vmem>>, vector<1x16xi32>,
        %get3A_150 = vector.shape_cast %get3A_149 : vector<1x16xi32> to vector<16xi32>
        %and3A_151 = vector.broadcast %scan3A : i32 to vector<16xi32>
        %and3A_152 = arith.andi %get3A_150, %and3A_151 : vector<16xi32>
        %swap3A_153 = arith.constant 2 : i32
        %swap3A_154 = arith.index_cast %swap3A_153 : i32 to index
        %swap3A_155 = arith.constant 48 : index
        %swap3A_156 = tpu.vector_load %arg7[%swap3A_154, %swap3A_155] {strides = array<i32>} : memref<3x80xi32, #tpu.memory_space<vmem>>, vector<1x16xi32>,
        %swap3A_157 = vector.shape_cast %swap3A_156 : vector<1x16xi32> to vector<16xi32>
        %swap3A_158 = vector.shape_cast %and3A_152 : vector<16xi32> to vector<1x16xi32>
        tpu.vector_store %arg7[%swap3A_154, %swap3A_155], %swap3A_158 {strides = array<i32>} : memref<3x80xi32, #tpu.memory_space<vmem>>, vector<1x16xi32>,
        %shift_right_logical3A_159 = arith.constant 16 : i32
        %shift_right_logical3A_160 = vector.broadcast %shift_right_logical3A_159 : i32 to vector<16xi32>
        %shift_right_logical3A_161 = arith.shrui %get3A_150, %shift_right_logical3A_160 : vector<16xi32>
        %swap3A_162 = arith.constant 2 : i32
        %swap3A_163 = arith.index_cast %swap3A_162 : i32 to index
        %swap3A_164 = arith.constant 48 : index
        %swap3A_165 = tpu.vector_load %arg8[%swap3A_163, %swap3A_164] {strides = array<i32>} : memref<3x80xi32, #tpu.memory_space<vmem>>, vector<1x16xi32>,
        %swap3A_166 = vector.shape_cast %swap3A_165 : vector<1x16xi32> to vector<16xi32>
        %swap3A_167 = vector.shape_cast %shift_right_logical3A_161 : vector<16xi32> to vector<1x16xi32>
        tpu.vector_store %arg8[%swap3A_163, %swap3A_164], %swap3A_167 {strides = array<i32>} : memref<3x80xi32, #tpu.memory_space<vmem>>, vector<1x16xi32>,
        %get3A_168 = arith.index_cast %add3A_73 : i32 to index
        %get3A_169 = arith.constant 64 : index
        %get3A_170 = tpu.vector_load %arg6[%get3A_168, %get3A_169] {strides = array<i32>} : memref<125x80xi32, #tpu.memory_space<vmem>>, vector<1x16xi32>,
        %get3A_171 = vector.shape_cast %get3A_170 : vector<1x16xi32> to vector<16xi32>
        %and3A_172 = vector.broadcast %scan3A : i32 to vector<16xi32>
        %and3A_173 = arith.andi %get3A_171, %and3A_172 : vector<16xi32>
        %swap3A_174 = arith.constant 2 : i32
        %swap3A_175 = arith.index_cast %swap3A_174 : i32 to index
        %swap3A_176 = arith.constant 64 : index
        %swap3A_177 = tpu.vector_load %arg7[%swap3A_175, %swap3A_176] {strides = array<i32>} : memref<3x80xi32, #tpu.memory_space<vmem>>, vector<1x16xi32>,
        %swap3A_178 = vector.shape_cast %swap3A_177 : vector<1x16xi32> to vector<16xi32>
        %swap3A_179 = vector.shape_cast %and3A_173 : vector<16xi32> to vector<1x16xi32>
        tpu.vector_store %arg7[%swap3A_175, %swap3A_176], %swap3A_179 {strides = array<i32>} : memref<3x80xi32, #tpu.memory_space<vmem>>, vector<1x16xi32>,
        %shift_right_logical3A_180 = arith.constant 16 : i32
        %shift_right_logical3A_181 = vector.broadcast %shift_right_logical3A_180 : i32 to vector<16xi32>
        %shift_right_logical3A_182 = arith.shrui %get3A_171, %shift_right_logical3A_181 : vector<16xi32>
        %swap3A_183 = arith.constant 2 : i32
        %swap3A_184 = arith.index_cast %swap3A_183 : i32 to index
        %swap3A_185 = arith.constant 64 : index
        %swap3A_186 = tpu.vector_load %arg8[%swap3A_184, %swap3A_185] {strides = array<i32>} : memref<3x80xi32, #tpu.memory_space<vmem>>, vector<1x16xi32>,
        %swap3A_187 = vector.shape_cast %swap3A_186 : vector<1x16xi32> to vector<16xi32>
        %swap3A_188 = vector.shape_cast %shift_right_logical3A_182 : vector<16xi32> to vector<1x16xi32>
        tpu.vector_store %arg8[%swap3A_184, %swap3A_185], %swap3A_188 {strides = array<i32>} : memref<3x80xi32, #tpu.memory_space<vmem>>, vector<1x16xi32>,
        %dma_start3A = arith.constant 2 : i32
        %dma_start3A_189 = arith.constant 2 : i32
        %dma_start3A_190 = arith.constant 0 : i32
        %dma_start3A_191 = arith.constant 0 : i32
        %dma_start3A_192 = tpu.memref_slice %arg9[%dma_start3A_189, %dma_start3A_190, %dma_start3A_191] : memref<3x80x128xf32, #tpu.memory_space<vmem>> -> memref<1x80x128xf32, #tpu.memory_space<vmem>>
        %dma_start3A_193 = tpu.memref_squeeze %dma_start3A_192 : memref<1x80x128xf32, #tpu.memory_space<vmem>> -> memref<80x128xf32, #tpu.memory_space<vmem>>
        %dma_start3A_194 = arith.constant 0 : i32
        %dma_start3A_195 = tpu.memref_slice %arg7[%dma_start3A, %dma_start3A_194] : memref<3x80xi32, #tpu.memory_space<vmem>> -> memref<1x80xi32, #tpu.memory_space<vmem>>
        %dma_start3A_196 = tpu.memref_squeeze %dma_start3A_195 : memref<1x80xi32, #tpu.memory_space<vmem>> -> memref<80xi32, #tpu.memory_space<vmem>>
        %dma_start3A_197 = arith.constant 0 : i32
        %dma_start3A_198 = arith.constant 0 : i32
        %dma_start3A_199 = tpu.memref_slice %arg2[%dma_start3A_197, %dma_start3A_198] : memref<10000x128xf32, #tpu.memory_space<hbm>> -> memref<10000x128xf32, #tpu.memory_space<hbm>>
        tpu.enqueue_indirect_dma source(%dma_start3A_199 : memref<10000x128xf32, #tpu.memory_space<hbm>>) target(%dma_start3A_193 : memref<80x128xf32, #tpu.memory_space<vmem>>) offsets(%dma_start3A_196 : memref<80xi32, #tpu.memory_space<vmem>>) semaphore(%arg13 : memref<!tpu.dma_semaphore, #tpu.memory_space<semaphore_mem>>)
      } else {
      }
    }
    %scan3A_9 = arith.constant 43 : i32
    %barrier3A_10 = arith.constant 0 : index
    tpu.barrier barrier_id(%barrier3A_10)
    %lt3A_11 = arith.constant 10 : i32
    %lt3A_12 = arith.cmpi slt, %arg1, %lt3A_11 : i32
    %convert_element_type3A_13 = arith.extui %lt3A_12 : i1 to i32
    %cond3A_14 = arith.constant 0 : i32
    %cond3A_15 = arith.cmpi ne, %convert_element_type3A_13, %cond3A_14 : i32
    scf.if %cond3A_15 {
      "tpu.region"() ({
        %run_scoped3A = tpu.sem_alloc : memref<!tpu.dma_semaphore, #tpu.memory_space<semaphore_mem>>
        %dma_start3A = arith.constant 0 : i32
        %dma_start3A_16 = tpu.memref_slice %arg5[%arg0, %mul3A_2, %dma_start3A] : memref<2x10000x128xf32, #tpu.memory_space<hbm>> -> memref<1x1000x128xf32, #tpu.memory_space<hbm>>
        %dma_start3A_17 = tpu.memref_squeeze %dma_start3A_16 : memref<1x1000x128xf32, #tpu.memory_space<hbm>> -> memref<1000x128xf32, #tpu.memory_space<hbm>>
        %dma_start3A_18 = arith.constant 0 : i32
        %dma_start3A_19 = tpu.memref_slice %arg10[%mul3A_2, %dma_start3A_18] : memref<10000x128xf32, #tpu.memory_space<vmem_shared>> -> memref<1000x128xf32, #tpu.memory_space<vmem_shared>>
        tpu.enqueue_dma source(%dma_start3A_19 : memref<1000x128xf32, #tpu.memory_space<vmem_shared>>) target(%dma_start3A_17 : memref<1000x128xf32, #tpu.memory_space<hbm>>) target_semaphore(%run_scoped3A : memref<!tpu.dma_semaphore, #tpu.memory_space<semaphore_mem>>)
        %dma_wait3A = arith.constant 0 : i32
        %dma_wait3A_20 = tpu.memref_slice %arg5[%arg0, %mul3A_2, %dma_wait3A] : memref<2x10000x128xf32, #tpu.memory_space<hbm>> -> memref<1x1000x128xf32, #tpu.memory_space<hbm>>
        %dma_wait3A_21 = tpu.memref_squeeze %dma_wait3A_20 : memref<1x1000x128xf32, #tpu.memory_space<hbm>> -> memref<1000x128xf32, #tpu.memory_space<hbm>>
        %dma_wait3A_22 = arith.constant 0 : i32
        %dma_wait3A_23 = tpu.memref_slice %arg10[%mul3A_2, %dma_wait3A_22] : memref<10000x128xf32, #tpu.memory_space<vmem_shared>> -> memref<1000x128xf32, #tpu.memory_space<vmem_shared>>
        tpu.wait_dma2 semaphore(%run_scoped3A : memref<!tpu.dma_semaphore, #tpu.memory_space<semaphore_mem>>) src(%dma_wait3A_23 : memref<1000x128xf32, #tpu.memory_space<vmem_shared>>) dst(%dma_wait3A_21 : memref<1000x128xf32, #tpu.memory_space<hbm>>)
        tpu.yield
      }) : () -> ()
    } else {
    }
    return
  }
}

module attributes {stable_mosaic.version = 14 : i64} {
  func.func @body(%arg0: i32, %arg1: memref<2000x128xf32, #tpu.memory_space<vmem>>, %arg2: memref<128x128xf32, #tpu.memory_space<vmem>>, %arg3: memref<1x128xf32, #tpu.memory_space<vmem>>, %arg4: memref<2000x128xf32, #tpu.memory_space<vmem>>) attributes {dimension_semantics = [#tpu.dimension_semantics<arbitrary>], iteration_bounds = array<i64: 5>, scalar_prefetch = 0 : i64, scratch_operands = 0 : i64, tpu.core_type = #tpu.core_type<tc>, window_params = [{transform_indices = @transform_0, window_bounds = array<i64: 2000, 128>}, {pipeline_mode = #tpu.pipeline_mode<synchronous>, transform_indices = @transform_1, window_bounds = array<i64: 128, 128>}, {pipeline_mode = #tpu.pipeline_mode<synchronous>, transform_indices = @transform_2, window_bounds = array<i64: 1, 128>}, {transform_indices = @transform_3, window_bounds = array<i64: 2000, 128>}]} {
    %get3A = arith.constant 0 : index
    %get3A_0 = arith.constant 0 : index
    %get3A_1 = vector.load %arg1[%get3A, %get3A_0] : memref<2000x128xf32, #tpu.memory_space<vmem>>, vector<2000x128xf32>
    %get3A_2 = arith.constant 0 : index
    %get3A_3 = arith.constant 0 : index
    %get3A_4 = vector.load %arg2[%get3A_2, %get3A_3] : memref<128x128xf32, #tpu.memory_space<vmem>>, vector<128x128xf32>
    %dot_general3A = arith.constant dense<0.000000e+00> : vector<2000x128xf32>
    %dot_general3A_5 = tpu.matmul %get3A_1, %get3A_4, %dot_general3A {dimension_numbers = #tpu.dot_dimension_numbers<[1], [1], [0], [0], [0, 0, 1, 0], [], []>, transpose_lhs_hint = false} : vector<2000x128xf32>, vector<128x128xf32>, vector<2000x128xf32> -> vector<2000x128xf32>
    %get3A_6 = arith.constant 0 : index
    %get3A_7 = arith.constant 0 : index
    %get3A_8 = vector.load %arg3[%get3A_6, %get3A_7] : memref<1x128xf32, #tpu.memory_space<vmem>>, vector<1x128xf32>
    %add3A = vector.broadcast %get3A_8 : vector<1x128xf32> to vector<2000x128xf32>
    %add3A_9 = arith.addf %dot_general3A_5, %add3A : vector<2000x128xf32>
    %max3A = arith.constant 0.000000e+00 : f32
    %max3A_10 = vector.broadcast %max3A : f32 to vector<2000x128xf32>
    %max3A_11 = arith.maximumf %add3A_9, %max3A_10 : vector<2000x128xf32>
    %swap3A = arith.constant 0 : index
    %swap3A_12 = arith.constant 0 : index
    %swap3A_13 = vector.load %arg4[%swap3A, %swap3A_12] : memref<2000x128xf32, #tpu.memory_space<vmem>>, vector<2000x128xf32>
    tpu.vector_store %arg4[%swap3A, %swap3A_12], %max3A_11 {strides = array<i32>} : memref<2000x128xf32, #tpu.memory_space<vmem>>, vector<2000x128xf32>,
    return
  }
  func.func @transform_0(%arg0: i32) -> (i32, i32) {
    %c0_i32 = arith.constant 0 : i32
    %c0_i32_0 = arith.constant 0 : i32
    return %arg0, %c0_i32 : i32, i32
  }
  func.func @transform_1(%arg0: i32) -> (i32, i32) {
    %c0_i32 = arith.constant 0 : i32
    %c0_i32_0 = arith.constant 0 : i32
    %c0_i32_1 = arith.constant 0 : i32
    return %c0_i32, %c0_i32_0 : i32, i32
  }
  func.func @transform_2(%arg0: i32) -> (i32, i32) {
    %c0_i32 = arith.constant 0 : i32
    %c0_i32_0 = arith.constant 0 : i32
    %c0_i32_1 = arith.constant 0 : i32
    return %c0_i32, %c0_i32_0 : i32, i32
  }
  func.func @transform_3(%arg0: i32) -> (i32, i32) {
    %c0_i32 = arith.constant 0 : i32
    %c0_i32_0 = arith.constant 0 : i32
    return %arg0, %c0_i32 : i32, i32
  }
}

module attributes {stable_mosaic.version = 14 : i64} {
  func.func @body(%arg0: i32, %arg1: memref<2000x128xf32, #tpu.memory_space<vmem>>, %arg2: memref<128x128xf32, #tpu.memory_space<vmem>>, %arg3: memref<2000x128xf32, #tpu.memory_space<vmem>>) attributes {dimension_semantics = [#tpu.dimension_semantics<arbitrary>], iteration_bounds = array<i64: 5>, scalar_prefetch = 0 : i64, scratch_operands = 0 : i64, tpu.core_type = #tpu.core_type<tc>, window_params = [{transform_indices = @transform_0, window_bounds = array<i64: 2000, 128>}, {pipeline_mode = #tpu.pipeline_mode<synchronous>, transform_indices = @transform_1, window_bounds = array<i64: 128, 128>}, {transform_indices = @transform_2, window_bounds = array<i64: 2000, 128>}]} {
    %get3A = arith.constant 0 : index
    %get3A_0 = arith.constant 0 : index
    %get3A_1 = vector.load %arg1[%get3A, %get3A_0] : memref<2000x128xf32, #tpu.memory_space<vmem>>, vector<2000x128xf32>
    %get3A_2 = arith.constant 0 : index
    %get3A_3 = arith.constant 0 : index
    %get3A_4 = vector.load %arg2[%get3A_2, %get3A_3] : memref<128x128xf32, #tpu.memory_space<vmem>>, vector<128x128xf32>
    %dot_general3A = arith.constant dense<0.000000e+00> : vector<2000x128xf32>
    %dot_general3A_5 = tpu.matmul %get3A_1, %get3A_4, %dot_general3A {dimension_numbers = #tpu.dot_dimension_numbers<[1], [1], [0], [0], [0, 0, 1, 0], [], []>, transpose_lhs_hint = false} : vector<2000x128xf32>, vector<128x128xf32>, vector<2000x128xf32> -> vector<2000x128xf32>
    %swap3A = arith.constant 0 : index
    %swap3A_6 = arith.constant 0 : index
    %swap3A_7 = vector.load %arg3[%swap3A, %swap3A_6] : memref<2000x128xf32, #tpu.memory_space<vmem>>, vector<2000x128xf32>
    tpu.vector_store %arg3[%swap3A, %swap3A_6], %dot_general3A_5 {strides = array<i32>} : memref<2000x128xf32, #tpu.memory_space<vmem>>, vector<2000x128xf32>,
    return
  }
  func.func @transform_0(%arg0: i32) -> (i32, i32) {
    %c0_i32 = arith.constant 0 : i32
    %c0_i32_0 = arith.constant 0 : i32
    return %arg0, %c0_i32 : i32, i32
  }
  func.func @transform_1(%arg0: i32) -> (i32, i32) {
    %c0_i32 = arith.constant 0 : i32
    %c0_i32_0 = arith.constant 0 : i32
    %c0_i32_1 = arith.constant 0 : i32
    return %c0_i32, %c0_i32_0 : i32, i32
  }
  func.func @transform_2(%arg0: i32) -> (i32, i32) {
    %c0_i32 = arith.constant 0 : i32
    %c0_i32_0 = arith.constant 0 : i32
    return %arg0, %c0_i32 : i32, i32
  }
}

module attributes {stable_mosaic.version = 14 : i64} {
  func.func @body(%arg0: i32, %arg1: memref<2x2000x128xf32, #tpu.memory_space<vmem>>, %arg2: memref<2000x32xf32, #tpu.memory_space<vmem>>, %arg3: memref<2000x128xf32, #tpu.memory_space<vmem>>, %arg4: memref<128x128xf32, #tpu.memory_space<vmem>>, %arg5: memref<1x128xf32, #tpu.memory_space<vmem>>, %arg6: memref<128x128xf32, #tpu.memory_space<vmem>>, %arg7: memref<1x128xf32, #tpu.memory_space<vmem>>, %arg8: memref<128x128xf32, #tpu.memory_space<vmem>>, %arg9: memref<2000x128xf32, #tpu.memory_space<vmem>>, %arg10: memref<2000x128xf32, #tpu.memory_space<vmem>>) attributes {dimension_semantics = [#tpu.dimension_semantics<arbitrary>], iteration_bounds = array<i64: 5>, scalar_prefetch = 0 : i64, scratch_operands = 0 : i64, tpu.core_type = #tpu.core_type<tc>, window_params = [{transform_indices = @transform_0, window_bounds = array<i64: 2, 2000, 128>}, {transform_indices = @transform_1, window_bounds = array<i64: 2000, 32>}, {transform_indices = @transform_2, window_bounds = array<i64: 2000, 128>}, {pipeline_mode = #tpu.pipeline_mode<synchronous>, transform_indices = @transform_3, window_bounds = array<i64: 128, 128>}, {pipeline_mode = #tpu.pipeline_mode<synchronous>, transform_indices = @transform_4, window_bounds = array<i64: 1, 128>}, {pipeline_mode = #tpu.pipeline_mode<synchronous>, transform_indices = @transform_5, window_bounds = array<i64: 128, 128>}, {pipeline_mode = #tpu.pipeline_mode<synchronous>, transform_indices = @transform_6, window_bounds = array<i64: 1, 128>}, {pipeline_mode = #tpu.pipeline_mode<synchronous>, transform_indices = @transform_7, window_bounds = array<i64: 128, 128>}, {transform_indices = @transform_8, window_bounds = array<i64: 2000, 128>}, {transform_indices = @transform_9, window_bounds = array<i64: 2000, 128>}]} {
    %get3A = arith.constant 0 : index
    %get3A_0 = arith.constant 0 : index
    %get3A_1 = arith.constant 0 : index
    %get3A_2 = vector.load %arg1[%get3A, %get3A_0, %get3A_1] : memref<2x2000x128xf32, #tpu.memory_space<vmem>>, vector<1x2000x128xf32>
    %get3A_3 = vector.shape_cast %get3A_2 : vector<1x2000x128xf32> to vector<2000x128xf32>
    %get3A_4 = arith.constant 1 : index
    %get3A_5 = arith.constant 0 : index
    %get3A_6 = arith.constant 0 : index
    %get3A_7 = vector.load %arg1[%get3A_4, %get3A_5, %get3A_6] : memref<2x2000x128xf32, #tpu.memory_space<vmem>>, vector<1x2000x128xf32>
    %get3A_8 = vector.shape_cast %get3A_7 : vector<1x2000x128xf32> to vector<2000x128xf32>
    %add3A = arith.addf %get3A_3, %get3A_8 : vector<2000x128xf32>
    %get3A_9 = arith.constant 0 : index
    %get3A_10 = arith.constant 0 : index
    %get3A_11 = vector.load %arg2[%get3A_9, %get3A_10] : memref<2000x32xf32, #tpu.memory_space<vmem>>, vector<2000x32xf32>
    %reduce_sum3A = arith.constant dense<0.000000e+00> : vector<2000xf32>
    %reduce_sum3A_12 = vector.multi_reduction <add>, %get3A_11, %reduce_sum3A [1] : vector<2000x32xf32> to vector<2000xf32>
    %broadcast_in_dim3A = vector.shape_cast %reduce_sum3A_12 : vector<2000xf32> to vector<2000x1xf32>
    %max3A = arith.constant 1.000000e+00 : f32
    %max3A_13 = vector.broadcast %max3A : f32 to vector<2000x1xf32>
    %max3A_14 = arith.maximumf %broadcast_in_dim3A, %max3A_13 : vector<2000x1xf32>
    %div3A = vector.broadcast %max3A_14 : vector<2000x1xf32> to vector<2000x128xf32>
    %div3A_15 = arith.divf %add3A, %div3A : vector<2000x128xf32>
    %get3A_16 = arith.constant 0 : index
    %get3A_17 = arith.constant 0 : index
    %get3A_18 = vector.load %arg4[%get3A_16, %get3A_17] : memref<128x128xf32, #tpu.memory_space<vmem>>, vector<128x128xf32>
    %dot_general3A = arith.constant dense<0.000000e+00> : vector<2000x128xf32>
    %dot_general3A_19 = tpu.matmul %div3A_15, %get3A_18, %dot_general3A {dimension_numbers = #tpu.dot_dimension_numbers<[1], [1], [0], [0], [0, 0, 1, 0], [], []>, transpose_lhs_hint = false} : vector<2000x128xf32>, vector<128x128xf32>, vector<2000x128xf32> -> vector<2000x128xf32>
    %get3A_20 = arith.constant 0 : index
    %get3A_21 = arith.constant 0 : index
    %get3A_22 = vector.load %arg5[%get3A_20, %get3A_21] : memref<1x128xf32, #tpu.memory_space<vmem>>, vector<1x128xf32>
    %add3A_23 = vector.broadcast %get3A_22 : vector<1x128xf32> to vector<2000x128xf32>
    %add3A_24 = arith.addf %dot_general3A_19, %add3A_23 : vector<2000x128xf32>
    %get3A_25 = arith.constant 0 : index
    %get3A_26 = arith.constant 0 : index
    %get3A_27 = vector.load %arg3[%get3A_25, %get3A_26] : memref<2000x128xf32, #tpu.memory_space<vmem>>, vector<2000x128xf32>
    %add3A_28 = arith.addf %add3A_24, %get3A_27 : vector<2000x128xf32>
    %max3A_29 = arith.constant 0.000000e+00 : f32
    %max3A_30 = vector.broadcast %max3A_29 : f32 to vector<2000x128xf32>
    %max3A_31 = arith.maximumf %add3A_28, %max3A_30 : vector<2000x128xf32>
    %get3A_32 = arith.constant 0 : index
    %get3A_33 = arith.constant 0 : index
    %get3A_34 = vector.load %arg6[%get3A_32, %get3A_33] : memref<128x128xf32, #tpu.memory_space<vmem>>, vector<128x128xf32>
    %dot_general3A_35 = arith.constant dense<0.000000e+00> : vector<2000x128xf32>
    %dot_general3A_36 = tpu.matmul %max3A_31, %get3A_34, %dot_general3A_35 {dimension_numbers = #tpu.dot_dimension_numbers<[1], [1], [0], [0], [0, 0, 1, 0], [], []>, transpose_lhs_hint = false} : vector<2000x128xf32>, vector<128x128xf32>, vector<2000x128xf32> -> vector<2000x128xf32>
    %get3A_37 = arith.constant 0 : index
    %get3A_38 = arith.constant 0 : index
    %get3A_39 = vector.load %arg7[%get3A_37, %get3A_38] : memref<1x128xf32, #tpu.memory_space<vmem>>, vector<1x128xf32>
    %add3A_40 = vector.broadcast %get3A_39 : vector<1x128xf32> to vector<2000x128xf32>
    %add3A_41 = arith.addf %dot_general3A_36, %add3A_40 : vector<2000x128xf32>
    %max3A_42 = arith.constant 0.000000e+00 : f32
    %max3A_43 = vector.broadcast %max3A_42 : f32 to vector<2000x128xf32>
    %max3A_44 = arith.maximumf %add3A_41, %max3A_43 : vector<2000x128xf32>
    %swap3A = arith.constant 0 : index
    %swap3A_45 = arith.constant 0 : index
    %swap3A_46 = vector.load %arg9[%swap3A, %swap3A_45] : memref<2000x128xf32, #tpu.memory_space<vmem>>, vector<2000x128xf32>
    tpu.vector_store %arg9[%swap3A, %swap3A_45], %max3A_44 {strides = array<i32>} : memref<2000x128xf32, #tpu.memory_space<vmem>>, vector<2000x128xf32>,
    %get3A_47 = arith.constant 0 : index
    %get3A_48 = arith.constant 0 : index
    %get3A_49 = vector.load %arg8[%get3A_47, %get3A_48] : memref<128x128xf32, #tpu.memory_space<vmem>>, vector<128x128xf32>
    %dot_general3A_50 = arith.constant dense<0.000000e+00> : vector<2000x128xf32>
    %dot_general3A_51 = tpu.matmul %max3A_31, %get3A_49, %dot_general3A_50 {dimension_numbers = #tpu.dot_dimension_numbers<[1], [1], [0], [0], [0, 0, 1, 0], [], []>, transpose_lhs_hint = false} : vector<2000x128xf32>, vector<128x128xf32>, vector<2000x128xf32> -> vector<2000x128xf32>
    %swap3A_52 = arith.constant 0 : index
    %swap3A_53 = arith.constant 0 : index
    %swap3A_54 = vector.load %arg10[%swap3A_52, %swap3A_53] : memref<2000x128xf32, #tpu.memory_space<vmem>>, vector<2000x128xf32>
    tpu.vector_store %arg10[%swap3A_52, %swap3A_53], %dot_general3A_51 {strides = array<i32>} : memref<2000x128xf32, #tpu.memory_space<vmem>>, vector<2000x128xf32>,
    return
  }
  func.func @transform_0(%arg0: i32) -> (i32, i32, i32) {
    %c0_i32 = arith.constant 0 : i32
    %c0_i32_0 = arith.constant 0 : i32
    %c0_i32_1 = arith.constant 0 : i32
    return %c0_i32, %arg0, %c0_i32_0 : i32, i32, i32
  }
  func.func @transform_1(%arg0: i32) -> (i32, i32) {
    %c0_i32 = arith.constant 0 : i32
    %c0_i32_0 = arith.constant 0 : i32
    return %arg0, %c0_i32 : i32, i32
  }
  func.func @transform_2(%arg0: i32) -> (i32, i32) {
    %c0_i32 = arith.constant 0 : i32
    %c0_i32_0 = arith.constant 0 : i32
    return %arg0, %c0_i32 : i32, i32
  }
  func.func @transform_3(%arg0: i32) -> (i32, i32) {
    %c0_i32 = arith.constant 0 : i32
    %c0_i32_0 = arith.constant 0 : i32
    %c0_i32_1 = arith.constant 0 : i32
    return %c0_i32, %c0_i32_0 : i32, i32
  }
  func.func @transform_4(%arg0: i32) -> (i32, i32) {
    %c0_i32 = arith.constant 0 : i32
    %c0_i32_0 = arith.constant 0 : i32
    %c0_i32_1 = arith.constant 0 : i32
    return %c0_i32, %c0_i32_0 : i32, i32
  }
  func.func @transform_5(%arg0: i32) -> (i32, i32) {
    %c0_i32 = arith.constant 0 : i32
    %c0_i32_0 = arith.constant 0 : i32
    %c0_i32_1 = arith.constant 0 : i32
    return %c0_i32, %c0_i32_0 : i32, i32
  }
  func.func @transform_6(%arg0: i32) -> (i32, i32) {
    %c0_i32 = arith.constant 0 : i32
    %c0_i32_0 = arith.constant 0 : i32
    %c0_i32_1 = arith.constant 0 : i32
    return %c0_i32, %c0_i32_0 : i32, i32
  }
  func.func @transform_7(%arg0: i32) -> (i32, i32) {
    %c0_i32 = arith.constant 0 : i32
    %c0_i32_0 = arith.constant 0 : i32
    %c0_i32_1 = arith.constant 0 : i32
    return %c0_i32, %c0_i32_0 : i32, i32
  }
  func.func @transform_8(%arg0: i32) -> (i32, i32) {
    %c0_i32 = arith.constant 0 : i32
    %c0_i32_0 = arith.constant 0 : i32
    return %arg0, %c0_i32 : i32, i32
  }
  func.func @transform_9(%arg0: i32) -> (i32, i32) {
    %c0_i32 = arith.constant 0 : i32
    %c0_i32_0 = arith.constant 0 : i32
    return %arg0, %c0_i32 : i32, i32
  }
}

module attributes {stable_mosaic.version = 14 : i64} {
  func.func @body(%arg0: i32, %arg1: memref<2x2000x128xf32, #tpu.memory_space<vmem>>, %arg2: memref<2000x32xf32, #tpu.memory_space<vmem>>, %arg3: memref<2000x128xf32, #tpu.memory_space<vmem>>, %arg4: memref<128x128xf32, #tpu.memory_space<vmem>>, %arg5: memref<1x128xf32, #tpu.memory_space<vmem>>, %arg6: memref<2000x128xf32, #tpu.memory_space<vmem>>) attributes {dimension_semantics = [#tpu.dimension_semantics<arbitrary>], iteration_bounds = array<i64: 5>, scalar_prefetch = 0 : i64, scratch_operands = 0 : i64, tpu.core_type = #tpu.core_type<tc>, window_params = [{transform_indices = @transform_0, window_bounds = array<i64: 2, 2000, 128>}, {transform_indices = @transform_1, window_bounds = array<i64: 2000, 32>}, {transform_indices = @transform_2, window_bounds = array<i64: 2000, 128>}, {pipeline_mode = #tpu.pipeline_mode<synchronous>, transform_indices = @transform_3, window_bounds = array<i64: 128, 128>}, {pipeline_mode = #tpu.pipeline_mode<synchronous>, transform_indices = @transform_4, window_bounds = array<i64: 1, 128>}, {transform_indices = @transform_5, window_bounds = array<i64: 2000, 128>}]} {
    %get3A = arith.constant 0 : index
    %get3A_0 = arith.constant 0 : index
    %get3A_1 = arith.constant 0 : index
    %get3A_2 = vector.load %arg1[%get3A, %get3A_0, %get3A_1] : memref<2x2000x128xf32, #tpu.memory_space<vmem>>, vector<1x2000x128xf32>
    %get3A_3 = vector.shape_cast %get3A_2 : vector<1x2000x128xf32> to vector<2000x128xf32>
    %get3A_4 = arith.constant 1 : index
    %get3A_5 = arith.constant 0 : index
    %get3A_6 = arith.constant 0 : index
    %get3A_7 = vector.load %arg1[%get3A_4, %get3A_5, %get3A_6] : memref<2x2000x128xf32, #tpu.memory_space<vmem>>, vector<1x2000x128xf32>
    %get3A_8 = vector.shape_cast %get3A_7 : vector<1x2000x128xf32> to vector<2000x128xf32>
    %add3A = arith.addf %get3A_3, %get3A_8 : vector<2000x128xf32>
    %get3A_9 = arith.constant 0 : index
    %get3A_10 = arith.constant 0 : index
    %get3A_11 = vector.load %arg2[%get3A_9, %get3A_10] : memref<2000x32xf32, #tpu.memory_space<vmem>>, vector<2000x32xf32>
    %reduce_sum3A = arith.constant dense<0.000000e+00> : vector<2000xf32>
    %reduce_sum3A_12 = vector.multi_reduction <add>, %get3A_11, %reduce_sum3A [1] : vector<2000x32xf32> to vector<2000xf32>
    %broadcast_in_dim3A = vector.shape_cast %reduce_sum3A_12 : vector<2000xf32> to vector<2000x1xf32>
    %max3A = arith.constant 1.000000e+00 : f32
    %max3A_13 = vector.broadcast %max3A : f32 to vector<2000x1xf32>
    %max3A_14 = arith.maximumf %broadcast_in_dim3A, %max3A_13 : vector<2000x1xf32>
    %div3A = vector.broadcast %max3A_14 : vector<2000x1xf32> to vector<2000x128xf32>
    %div3A_15 = arith.divf %add3A, %div3A : vector<2000x128xf32>
    %get3A_16 = arith.constant 0 : index
    %get3A_17 = arith.constant 0 : index
    %get3A_18 = vector.load %arg4[%get3A_16, %get3A_17] : memref<128x128xf32, #tpu.memory_space<vmem>>, vector<128x128xf32>
    %dot_general3A = arith.constant dense<0.000000e+00> : vector<2000x128xf32>
    %dot_general3A_19 = tpu.matmul %div3A_15, %get3A_18, %dot_general3A {dimension_numbers = #tpu.dot_dimension_numbers<[1], [1], [0], [0], [0, 0, 1, 0], [], []>, transpose_lhs_hint = false} : vector<2000x128xf32>, vector<128x128xf32>, vector<2000x128xf32> -> vector<2000x128xf32>
    %get3A_20 = arith.constant 0 : index
    %get3A_21 = arith.constant 0 : index
    %get3A_22 = vector.load %arg5[%get3A_20, %get3A_21] : memref<1x128xf32, #tpu.memory_space<vmem>>, vector<1x128xf32>
    %add3A_23 = vector.broadcast %get3A_22 : vector<1x128xf32> to vector<2000x128xf32>
    %add3A_24 = arith.addf %dot_general3A_19, %add3A_23 : vector<2000x128xf32>
    %get3A_25 = arith.constant 0 : index
    %get3A_26 = arith.constant 0 : index
    %get3A_27 = vector.load %arg3[%get3A_25, %get3A_26] : memref<2000x128xf32, #tpu.memory_space<vmem>>, vector<2000x128xf32>
    %add3A_28 = arith.addf %add3A_24, %get3A_27 : vector<2000x128xf32>
    %swap3A = arith.constant 0 : index
    %swap3A_29 = arith.constant 0 : index
    %swap3A_30 = vector.load %arg6[%swap3A, %swap3A_29] : memref<2000x128xf32, #tpu.memory_space<vmem>>, vector<2000x128xf32>
    tpu.vector_store %arg6[%swap3A, %swap3A_29], %add3A_28 {strides = array<i32>} : memref<2000x128xf32, #tpu.memory_space<vmem>>, vector<2000x128xf32>,
    return
  }
  func.func @transform_0(%arg0: i32) -> (i32, i32, i32) {
    %c0_i32 = arith.constant 0 : i32
    %c0_i32_0 = arith.constant 0 : i32
    %c0_i32_1 = arith.constant 0 : i32
    return %c0_i32, %arg0, %c0_i32_0 : i32, i32, i32
  }
  func.func @transform_1(%arg0: i32) -> (i32, i32) {
    %c0_i32 = arith.constant 0 : i32
    %c0_i32_0 = arith.constant 0 : i32
    return %arg0, %c0_i32 : i32, i32
  }
  func.func @transform_2(%arg0: i32) -> (i32, i32) {
    %c0_i32 = arith.constant 0 : i32
    %c0_i32_0 = arith.constant 0 : i32
    return %arg0, %c0_i32 : i32, i32
  }
  func.func @transform_3(%arg0: i32) -> (i32, i32) {
    %c0_i32 = arith.constant 0 : i32
    %c0_i32_0 = arith.constant 0 : i32
    %c0_i32_1 = arith.constant 0 : i32
    return %c0_i32, %c0_i32_0 : i32, i32
  }
  func.func @transform_4(%arg0: i32) -> (i32, i32) {
    %c0_i32 = arith.constant 0 : i32
    %c0_i32_0 = arith.constant 0 : i32
    %c0_i32_1 = arith.constant 0 : i32
    return %c0_i32, %c0_i32_0 : i32, i32
  }
  func.func @transform_5(%arg0: i32) -> (i32, i32) {
    %c0_i32 = arith.constant 0 : i32
    %c0_i32_0 = arith.constant 0 : i32
    return %arg0, %c0_i32 : i32, i32
  }
}

</mosaic_0001>

<sc_bundles>
// kernel: kernel.12.cloned.1.call-start
scs
__scs_entry_jumppad:
0x0: {  	(pc) =	sbr.rel $0x88, $3  }
0x1: {  	(tag) =	ssettag $0x0;
	lr =	simm.s32 $0x1  }
0x2: {  	[smem:$0x3F95] =	sst lr;
	_ =	strace $0xD0000000  }
0x3: {  	_ = 	snop  }
0x4: {  	_ = 	snop  }
0x5: {  	_ = 	snop  }
0x6: {  	_ = 	snop  }
0x7: {  	_ = 	snop  }
__scs_overlays_trampoline_lowered:
0x8: {  	[smem:$0x3FA4] =	sst s0  }
0x9: {  	[smem:$0x3FA5] =	sst s1  }
0xa: {  	[smem:$0x3FA6] =	sst s2  }
0xb: {  	[smem:$0x3FA7] =	sst s3  }
0xc: {  	[smem:$0x3FA8] =	sst s4  }
0xd: {  	[smem:$0x3FA9] =	sst s5  }
0xe: {  	[smem:$0x3FAA] =	sst s6  }
0xf: {  	[smem:$0x3FAB] =	sst s7  }
0x10: {  	[smem:$0x3FAC] =	sst s8  }
0x11: {  	[smem:$0x3FAD] =	sst s9;
	s0 =	simm.s32 @!p0 $0x0  }
0x12: {  	s1 =	sld [smem:$0x3F93];
	s0 =	simm.s32 @p0 $0x1  }
0x13: {  	[smem:$0x3FAE] =	sst s0;
	s0 =	simm.s32 @!p1 $0x0  }
0x14: {  	s2 =	sld [smem:$0x3F92];
	s0 =	simm.s32 @p1 $0x1  }
0x15: {  	[smem:$0x3FAF] =	sst s0;
	s0 =	simm.s32 @!p2 $0x0  }
0x16: {  	s3 =	sld [smem:$0x3FDB];
	s0 =	simm.s32 @p2 $0x1  }
0x17: {  	s4 =	simm.s32 $0x1BF5;
	[smem:$0x3FB1] =	sst s0  }
0x18: {  	s0 =	sld [smem:$0x3F94];
	_ =	swait.ge [sflag:s4], $0x0  }
0x19: {  	s7 =	sld [smem:$0x3F95]  }
0x1a: {  	s8 =	sadd.s32 $0xFFFFE003, lr  }
0x1b: {  	s9 =	sadd.s32 $0xFFFFFEF7, lr;
	s5 =	simm.s32 $0xFFFFFFFF;
	p2 =	slt.u32 s8, $0xFFFFF086  }
0x1c: {  	p1 =	slt.u32 s9, $0xF7A;
	s5 =	simm.s32 @!p2 $0x0  }
0x1d: {  	s5 =	simm.s32 @p1 $0x1;
	p0 =	seq.s32 s7, s2  }
0x1e: {  	s7 =	smul.u32 @!p0 $0xF7A, s2;
	p2 =	seq.s32 @!p0 s5, $0x0  }
0x1f: {  	s9 =	smul.u32 $0xF7A, s1;
	s8 =	simm.s32 @!p0 $0x1BF5;
	p2 =	por !p2, p0  }
0x20: {  	[sflag:s8] =	ssyncset.s32 @!p0 $0xFFFFF086;
	s6 =	sadd.s32 @!p0 s3, s7;
	s7 =	simm.s32 @!p0 $0x108  }
0x21: {  	s3 =	sadd.s32 s3, s9;
	s6 =	sadd.s32 @!p0 $0x88, s6;
	s7 =	simm.s32 @p2 $0x1082  }
0x22: {  	[simem:s7], [sflag:s8] =	dma.local @!p0 [hbm:s6], $0xF7A  }
0x23: {  	s9 =	sor.u32 $0xD0000000, s2;
	s6 =	simm.s32 $0x108;
	_ =	swait.ge @!p0 [sflag:s8], $0x0  }
0x24: {  	s3 =	sadd.s32 $0x88, s3;
	s6 =	simm.s32 @!p1 $0x1082;
	[sflag:s4] =	ssyncset.s32 $0xFFFFF086  }
0x25: {  	[simem:s6], [sflag:s4] =	dma.local [hbm:s3], $0xF7A  }
0x26: {  	[smem:$0x3F95] =	sst s1;
	(tag) =	ssettag s2;
	_ =	strace s9  }
0x27: {  	s1 =	sld [smem:$0x3FA5]  }
0x28: {  	s2 =	sld [smem:$0x3FA6]  }
0x29: {  	s4 =	sld [smem:$0x3FA8]  }
0x2a: {  	p0 =	seq.s32 s5, $0x0;
	s5 =	sld [smem:$0x3FA9]  }
0x2b: {  	s6 =	sld [smem:$0x3FAA]  }
0x2c: {  	s7 =	sld [smem:$0x3FAB]  }
0x2d: {  	s3 =	simm.s32 $0x108;
	s8 =	sld [smem:$0x3FAC]  }
0x2e: {  	s3 =	simm.s32 @!p0 $0x1082;
	s9 =	sld [smem:$0x3FAD]  }
0x2f: {  	lr =	sadd.s32 s0, s3;
	s0 =	sld [smem:$0x3FA4]  }
0x30: {  	s3 =	sld [smem:$0x3FA7]  }
0x31: {  	[smem:$0x3FB0] =	sst s10  }
0x32: {  	s10 =	sld [smem:$0x3FAE];
	_ =	sdelay $0x3  }
0x33: {  	p0 =	seq.s32 s10, $0x1;
	s10 =	sld [smem:$0x3FB0];
	_ =	sdelay $0x3  }
0x34: {  	[smem:$0x3FB0] =	sst s10  }
0x35: {  	s10 =	sld [smem:$0x3FAF];
	_ =	sdelay $0x3  }
0x36: {  	p1 =	seq.s32 s10, $0x1;
	s10 =	sld [smem:$0x3FB0];
	_ =	sdelay $0x3  }
0x37: {  	[smem:$0x3FB0] =	sst s10  }
0x38: {  	s10 =	sld [smem:$0x3FB1]  }
0x39: {  	_ = 	snop;
	(pc) =	sbr.ind lr, $3  }
0x3a: {  	_ = 	snop  }
0x3b: {  	_ = 	snop  }
0x3c: {  	p2 =	seq.s32 s10, $0x1;
	s10 =	sld [smem:$0x3FB0]  }
0x3d: {  	_ =	shalt  }
0x3e: {  	_ =	shalt  }
0x3f: {  	_ =	shalt  }
0x40: {  	_ =	shalt  }
0x41: {  	_ =	shalt  }
0x42: {  	_ =	shalt  }
0x43: {  	_ =	shalt  }
0x44: {  	_ =	shalt  }
0x45: {  	_ =	shalt  }
0x46: {  	_ =	shalt  }
0x47: {  	_ =	shalt  }
0x48: {  	_ =	shalt  }
0x49: {  	_ =	shalt  }
0x4a: {  	_ =	shalt  }
0x4b: {  	_ =	shalt  }
0x4c: {  	_ =	shalt  }
0x4d: {  	_ =	shalt  }
0x4e: {  	_ =	shalt  }
0x4f: {  	_ =	shalt  }
0x50: {  	_ =	shalt  }
0x51: {  	_ =	shalt  }
0x52: {  	_ =	shalt  }
0x53: {  	_ =	shalt  }
0x54: {  	_ =	shalt  }
0x55: {  	_ =	shalt  }
0x56: {  	_ =	shalt  }
0x57: {  	_ =	shalt  }
0x58: {  	_ =	shalt  }
0x59: {  	_ =	shalt  }
0x5a: {  	_ =	shalt  }
0x5b: {  	_ =	shalt  }
0x5c: {  	_ =	shalt  }
0x5d: {  	_ =	shalt  }
0x5e: {  	_ =	shalt  }
0x5f: {  	_ =	shalt  }
0x60: {  	_ =	shalt  }
0x61: {  	_ =	shalt  }
0x62: {  	_ =	shalt  }
0x63: {  	_ =	shalt  }
0x64: {  	_ =	shalt  }
0x65: {  	_ =	shalt  }
0x66: {  	_ =	shalt  }
0x67: {  	_ =	shalt  }
0x68: {  	_ =	shalt  }
0x69: {  	_ =	shalt  }
0x6a: {  	_ =	shalt  }
0x6b: {  	_ =	shalt  }
0x6c: {  	_ =	shalt  }
0x6d: {  	_ =	shalt  }
0x6e: {  	_ =	shalt  }
0x6f: {  	_ =	shalt  }
0x70: {  	_ =	shalt  }
0x71: {  	_ =	shalt  }
0x72: {  	_ =	shalt  }
0x73: {  	_ =	shalt  }
0x74: {  	_ =	shalt  }
0x75: {  	_ =	shalt  }
0x76: {  	_ =	shalt  }
0x77: {  	_ =	shalt  }
0x78: {  	_ =	shalt  }
0x79: {  	_ =	shalt  }
0x7a: {  	_ =	shalt  }
0x7b: {  	_ =	shalt  }
0x7c: {  	_ =	shalt  }
0x7d: {  	_ =	shalt  }
0x7e: {  	_ =	shalt  }
0x7f: {  	_ =	shalt  }
0x80: {  	_ =	shalt  }
0x81: {  	_ =	shalt  }
0x82: {  	_ =	shalt  }
0x83: {  	_ =	shalt  }
0x84: {  	_ =	shalt  }
0x85: {  	_ =	shalt  }
0x86: {  	_ =	shalt  }
0x87: {  	_ =	shalt  }
.Lfunc_end0:
.L_simem_size_0:
called_computation.1_lowered:
.L_overlay_start_0:
0x88: {  	s2 =	sld [smem:$0x3FD9]  }
0x89: {  	s3 =	sld [smem:$0x3FFE];
	_ =	sdelay $0x1  }
0x8a: {  	s1 =	srdreg.scid  }
0x8b: {  	s0 =	sand.u32 $0x1, s1  }
0x8c: {  	s17 =	sshll.u32 s0, $0xA;
	s2 =	sadd.s32 s3, s2  }
0x8d: {  	s2 =	sadd.s32 s2, s17  }
0x8e: {  	[smem:$0x3FBC] =	sst s2  }
0x8f: {  	_ = 	snop  }
0x90: {  	s18 =	sld [smem:$0x3FD0];
	(tm) =	ssettm $0x1  }
0x91: {  	s19 =	sld [smem:$0x3FFB];
	_ =	sdelay $0x3  }
0x92: {  	_ =	strace s19  }
0x93: {  	s2 =	sld [smem:$0x3FFC];
	_ =	sdelay $0x3  }
0x94: {  	_ =	strace s2  }
0x95: {  	s2 =	sld [smem:$0x3FFD];
	_ =	sdelay $0x3  }
0x96: {  	_ =	strace s2  }
0x97: {  	_ =	strace $0x8FFFFFFF  }
0x98: {  	s20 =	sld [smem:$0x3FDB];
	_ =	sdelay $0x1  }
0x99: {  	s4 =	simm.s32 $_scs_section_size  }
0x9a: {  	s5 =	simm.s32 $_size__tile_overlayer_lowered;
	s6 =	simm.s32 $_tile_overlayer_lowered  }
0x9b: {  	s7 =	simm.s32 $0x1BFF;
	s21 =	sshll.u32 s6, $0x1;
	s4 =	sadd.s32 s4, s20  }
0x9c: {  	s22 =	simm.s32 $0x0;
	s5 =	sshll.u32 s5, $0x1;
	s6 =	sadd.s32 s21, s4  }
0x9d: {  	[timem:s22], [sflag:s7] =	dma.local [hbm:s6], s5  }
0x9e: {  	_ =	swait.ge [sflag:s7], s5  }
0x9f: {  	s5 =	ssub.s32 $0x0, s5;
	[sflag:s7] =	ssyncset.done $0x0  }
0xa0: {  	[sflag:s7] =	ssyncadd.s32 s5;
	_ =	sdelay $0x1  }
0xa1: {  	s23 =	simm.s32 $0x1B8B  }
0xa2: {  	_ =	swait.ge [sflag:s23], $0x1  }
0xa3: {  	[sflag:s23] =	ssyncset.done $0x0  }
0xa4: {  	[sflag:s23] =	ssyncadd.s32 $0xFFFFFFFF  }
0xa5: {  	s5 =	sld [smem:$0x0]  }
0xa6: {  	s6 =	sand.u32 $0xFFFFFFFE, s1  }
0xa7: {  	p0 =	sne.s32 s1, s6  }
0xa8: {  	s6 =	sshll.u32 @p0 s6, $0xE  }
0xa9: {  	s6 =	sadd.s32 @p0 $0x11B8D, s6;
	s7 =	sshll.u32 @p0 s5, $0x11  }
0xaa: {  	s6 =	sor.u32 @p0 s7, s6  }
0xab: {  	[sflag:s6] =	ssyncadd.remote.s32 @p0 $0x1;
	_ =	sdelay $0x1  }
0xac: {  	s6 =	simm.s32 @p0 $0x1B8D  }
0xad: {  	_ =	swait.eq @p0 [sflag:s6], $0x1  }
0xae: {  	[sflag:s6] =	ssyncadd.s32 @p0 $0xFFFFFFFF  }
0xaf: {  	s7 =	sshll.u32 @!p0 s1, $0xE  }
0xb0: {  	s7 =	sor.u32 @!p0 $0x4000, s7;
	s6 =	simm.s32 @!p0 $0x1B8D  }
0xb1: {  	s5 =	sshll.u32 @!p0 s5, $0x11;
	s7 =	sadd.s32 @!p0 $0x11B8D, s7;
	_ =	swait.eq @!p0 [sflag:s6], $0x1  }
0xb2: {  	s5 =	sor.u32 @!p0 s5, s7;
	[sflag:s6] =	ssyncadd.s32 @!p0 $0xFFFFFFFF  }
0xb3: {  	s25 =	simm.s32 $0x1B8E;
	s24 =	sld [smem:$0x3FFE];
	[sflag:s5] =	ssyncadd.remote.s32 @!p0 $0x1  }
0xb4: {  	s26 =	simm.s32 $execute0_lowered;
	[smem:$0x3FD2] =	sst s25  }
0xb5: {  	s6 =	sshll.u32 s26, $0x1;
	_ =	strace $0x80000049;
	[dreg:$0x1] =	wrdreg $0xFFFFFFFF  }
0xb6: {  	s28 =	simm.s32 $_size_execute0_lowered;
	s4 =	sadd.s32 s4, s6;
	[dreg:$0x0] =	wrdreg $0x0  }
0xb7: {  	s6 =	sshll.u32 s28, $0x1;
	[dreg:$0x2] =	wrdreg s4  }
0xb8: {  	[dreg:$0x3] =	wrdreg s6  }
0xb9: {  	[dreg:$0x4] =	wrdreg $0xC0  }
0xba: {  	_ =	task [dreg:s22], $0x5FFFF  }
0xbb: {  	[dreg:$0x1] =	wrdreg $0xFFFFFFFF  }
0xbc: {  	[dreg:$0x0] =	wrdreg $0x60  }
0xbd: {  	[dreg:$0x2] =	wrdreg s18  }
0xbe: {  	[dreg:$0x3] =	wrdreg s24  }
0xbf: {  	[dreg:$0x4] =	wrdreg $0xBC000  }
0xc0: {  	[dreg:$0x5] =	wrdreg $0xA  }
0xc1: {  	_ =	task.clear_ibuf [dreg:s22], $0x6FFFF;
	_ =	strace $0x90000049  }
0xc2: {  	s29 =	simm.s32 $0xA;
	_ =	strace $0x8000004B  }
0xc3: {  	_ =	swait.ge [sflag:s29], $0x1  }
0xc4: {  	[sflag:s29] =	ssyncadd.s32 $0xFFFFFFFF  }
0xc5: {  	_ =	strace $0x9000004B  }
0xc6: {  	_ =	sfence  }
0xc7: {  	s30 =	sld [smem:$0x0];
	_ =	sdelay $0x2  }
0xc8: {  	s31 =	sshll.u32 s1, $0xD;
	s1 =	sshrl.u32 s1, $0x2  }
0xc9: {  	s4 =	sand.u32 $0x4000, s31;
	s1 =	sadd.s32 s1, s30  }
0xca: {  	s0 =	sor.u32 s4, s0;
	s1 =	sshll.u32 s1, $0x11  }
0xcb: {  	s0 =	sor.u32 s1, s0  }
0xcc: {  	s0 =	sadd.s32 $0x8F2B, s0  }
0xcd: {  	[sflag:s0] =	ssyncadd.remote.s32 $0x1  }
0xce: {  	_ =	sfence.sel $0xFFFF  }
0xcf: {  	[dreg:$0x0] =	wrdreg $0xFFFFFFFF;
	(pc) =	sbr.abs _section_cstart, $3  }
0xd0: {  	[dreg:$0x1] =	wrdreg $0xFFFFFFFF  }
0xd1: {  	_ =	task.clear_ibuf [dreg:s22], $0x2FFFF;
	_ =	strace $0x9FFFFFFF  }
0xd2: {  	(tm) =	ssettm $0x7FFFFFFF  }
0xd3: {  	_ =	shalt  }
tec
execute0_lowered:
.L_overlay_start_1:
0x0: {  	(tag) =	ssettag $0x1  }
0x1: {  	s1 =	rddreg [dreg:$0x0]  }
0x2: {  	s5 =	rddreg [dreg:$0x1]  }
0x3: {  	s2 =	rddreg [dreg:$0x2]  }
0x4: {  	s3 =	srdreg.scid;
	s0 =	rddreg [dreg:$0x3];
	s4 =	simm.s32 $0x0  }
0x5: {  	s13 =	simm.s32 $0x50;
	s14 =	simm.s32 $0x4280;
	s15 =	simm.s32 $0x6C00  }
0x6: {  	s16 =	simm.s32 $0x4000;
	s17 =	simm.s32 $0x4400;
	s6 =	sand.u32 $0x1, s3  }
0x7: {  	s18 =	simm.s32 $0x4080;
	s3 =	stileid.u32;
	s7 =	smul.u32 $0x138800, s6  }
0x8: {  	s19 =	simm.s32 $0x0;
	[smem:$0x7FF] =	sst s4;
	s8 =	smul.u32 $0x1F400, s3  }
0x9: {  	_ =	strace $0x8000004A;
	s9 =	sshll.u32 s3, $0xB;
	s10 =	smul.u32 $0x3E80, s3  }
0xa: {  	s30 =	smul.u32 $0x7D000, s3;
	s11 =	ssub.s32 $0x2, s6;
	s6 =	sshll.u32 s6, $0xF  }
0xb: {  	p0 =	sgt.u32 s3, $0x9;
	s9 =	sadd.s32 s9, s5;
	s31 =	sshrl.u32 s11, $0x1  }
0xc: {  	s7 =	sadd.s32 s8, s7;
	s10 =	sadd.s32 s10, s5;
	s8 =	sshrl.u32 s30, $0x2  }
.Ltmp0:
0xd: {  	s11 =	ssub.s32 s11, s31;
	s6 =	sadd.s32 s6, s9;
	(pc) =	sbr.rel .LBB2_1-.Ltmp0, $4  }
0xe: {  	s9 =	sshll.u32 @!p0 s3, $0x6;
	s7 =	sshrl.u32 s7, $0x3;
	s12 =	sadd.s32 s8, s2  }
0xf: {  	s6 =	sadd.s32 $0x5B600, s6;
	s8 =	smax.u32 s11, $0x1;
	s9 =	sor.u32 @!p0 $0x1C04, s9  }
0x10: {  	s11 =	simm.s32 $0x4;
	s7 =	sadd.s32 s7, s5;
	s5 =	sadd.s32 $0x6B600, s10  }
0x11: {  	s10 =	sshrl.u32 @!p0 s12, $0x3;
	s12 =	simm.s32 $0x2;
	s7 =	sadd.s32 $0x92800, s7  }
.LBB2_6:
0x12: {  	_ =	swait.ge [sflag:s12], $0x2800  }
0x13: {  	[sflag:s12] =	ssyncset.done $0x0  }
0x14: {  	[sflag:s12] =	ssyncadd.s32 $0xFFFFD800  }
0x15: {  	[spmem:s2] =	stream.indirect.scatter.add.f32 [tilespmem:s15], [sflag:$0x4], $0x80, s14, s13, $0xb8;
	[tilespmem:$0x1F480] =	vst v63  }
0x16: {  	_ =	swait.ge [sflag:s11], $0x2800  }
0x17: {  	[sflag:s11] =	ssyncset.done $0x0  }
0x18: {  	[sflag:s11] =	ssyncadd.s32 $0xFFFFD800  }
.LBB2_4:
0x19: {  	s19 =	sadd.s32 $0x1, s19  }
0x1a: {  	p1 =	sne.s32 s19, s8  }
.Ltmp1:
0x1b: {  	[bflag:$0x0] =	sbarrier.arrive $0xFFFF;
	s20 =	simm.s32 @!p0 $0x4;
	(pc) =	sbr.rel @!p1 .LBB2_5-.Ltmp1, $4  }
0x1c: {  	[hbm:s7], [sflag:s9] =	dma.local @!p0 [spmem:s10], $0x3E80  }
0x1d: {  	_ =	swait.ge @!p0 [sflag:s20], $0x3E80  }
0x1e: {  	[sflag:s20] =	ssyncset.done @!p0 $0x0  }
0x1f: {  	[sflag:s20] =	ssyncadd.s32 @!p0 $0xFFFFC180  }
.LBB2_1:
0x20: {  	[spmem:s10], [sflag:s9] =	dma.local @!p0 [hbm:s5], $0x3E80  }
0x21: {  	s20 =	simm.s32 @!p0 $0x4  }
0x22: {  	_ =	swait.ge @!p0 [sflag:s20], $0x3E80  }
0x23: {  	[sflag:s20] =	ssyncset.done @!p0 $0x0  }
0x24: {  	[sflag:s20] =	ssyncadd.s32 @!p0 $0xFFFFC180  }
0x25: {  	[tilespmem:s4], [sflag:$0x4] =	stream.linear.gather [hbm4b:s6+s4], $0x3E80, $0x38;
	[tilespmem:$0x1F480] =	vst v63  }
0x26: {  	_ =	swait.ge [sflag:s11], $0x3E80  }
0x27: {  	[sflag:s11] =	ssyncset.done $0x0  }
0x28: {  	s21 =	simm.s32 $0xA0;
	[sflag:s11] =	ssyncadd.s32 $0xFFFFC180  }
0x29: {  	s22 =	simm.s32 $0x0;
	s20 =	simm.s32 $0xFFFFFFFD;
	[bflag:$0x0] =	sbarrier.arrive $0xFFFF  }
.LBB2_2:
0x2a: {  	p1 =	sgt.u32 s20, $0x7C  }
0x2b: {  	s23 =	simm.s32 @!p1 $0x1  }
0x2c: {  	_ =	swait.ge @!p1 [sflag:s23], $0x2800  }
0x2d: {  	p2 =	seq.s32 s20, $0x7B;
	s24 =	simm.s32 @!p1 $0x4200;
	[sflag:s23] =	ssyncset.done @!p1 $0x0  }
0x2e: {  	s25 =	simm.s32 @!p1 $0x4400;
	[sflag:s23] =	ssyncadd.s32 @!p1 $0xFFFFD800;
	s23 =	simm.s32 @!p1 $0x50  }
0x2f: {  	[spmem:s2] =	stream.indirect.scatter.add.f32 @!p1 [tilespmem:s25], [sflag:$0x4], $0x80, s24, s23, $0xb8;
	[tilespmem:$0x1F480] =	vst v63  }
.Ltmp2:
0x30: {  	_ = 	snop;
	(pc) =	sbr.rel @p2 .LBB2_6-.Ltmp2, $4  }
0x31: {  	s23 =	simm.s32 @!p1 $0x4  }
0x32: {  	_ =	swait.ge @!p1 [sflag:s23], $0x2800  }
0x33: {  	[sflag:s23] =	ssyncset.done @!p1 $0x0  }
0x34: {  	[sflag:s23] =	ssyncadd.s32 @!p1 $0xFFFFD800  }
0x35: {  	v0 =	vld [tilespmem:s21+$0xFFFFFF60];
	_ =	sdelay $0x4  }
0x36: {  	v1 =	vand.u32 $0xFFFF, v0  }
0x37: {  	v0 =	vshrl.u32 v0, $0x10;
	[tilespmem:$0x4000] =	vst v1  }
0x38: {  	[tilespmem:$0x4200] =	vst v0  }
0x39: {  	v0 =	vld [tilespmem:s21+$0xFFFFFF70];
	_ =	sdelay $0x4  }
0x3a: {  	v54 =	vand.u32 $0xFFFF, v0  }
0x3b: {  	v0 =	vshrl.u32 v0, $0x10;
	[tilespmem:$0x4010] =	vst v54  }
0x3c: {  	[tilespmem:$0x4210] =	vst v0  }
0x3d: {  	v0 =	vld [tilespmem:s21+$0xFFFFFF80];
	_ =	sdelay $0x4  }
0x3e: {  	v55 =	vand.u32 $0xFFFF, v0  }
0x3f: {  	v0 =	vshrl.u32 v0, $0x10;
	[tilespmem:$0x4020] =	vst v55  }
0x40: {  	[tilespmem:$0x4220] =	vst v0  }
0x41: {  	v0 =	vld [tilespmem:s21+$0xFFFFFF90];
	_ =	sdelay $0x4  }
0x42: {  	v56 =	vand.u32 $0xFFFF, v0  }
0x43: {  	v0 =	vshrl.u32 v0, $0x10;
	[tilespmem:$0x4030] =	vst v56  }
0x44: {  	[tilespmem:$0x4230] =	vst v0  }
0x45: {  	v0 =	vld [tilespmem:s21+$0xFFFFFFA0];
	_ =	sdelay $0x4  }
0x46: {  	s23 =	sadd.s32 $0x1, s20;
	v57 =	vand.u32 $0xFFFF, v0  }
0x47: {  	p1 =	sgt.u32 s23, $0x7C;
	v0 =	vshrl.u32 v0, $0x10;
	[tilespmem:$0x4040] =	vst v57  }
0x48: {  	s23 =	simm.s32 @!p1 $0x2;
	[tilespmem:$0x4240] =	vst v0  }
0x49: {  	[tilespmem:s17], [sflag:$0x1] =	stream.indirect.gather [hbm4b:s1+s13], $0x80, s16, s13, $0xb8;
	[tilespmem:$0x1F480] =	vst v63  }
0x4a: {  	_ =	swait.ge @!p1 [sflag:s23], $0x2800  }
0x4b: {  	s24 =	simm.s32 @!p1 $0x4280;
	[sflag:s23] =	ssyncset.done @!p1 $0x0  }
0x4c: {  	s25 =	simm.s32 @!p1 $0x6C00;
	[sflag:s23] =	ssyncadd.s32 @!p1 $0xFFFFD800;
	s23 =	simm.s32 @!p1 $0x50  }
0x4d: {  	[spmem:s2] =	stream.indirect.scatter.add.f32 @!p1 [tilespmem:s25], [sflag:$0x4], $0x80, s24, s23, $0xb8;
	[tilespmem:$0x1F480] =	vst v63  }
0x4e: {  	s23 =	simm.s32 @!p1 $0x4  }
0x4f: {  	_ =	swait.ge @!p1 [sflag:s23], $0x2800  }
0x50: {  	[sflag:s23] =	ssyncset.done @!p1 $0x0  }
0x51: {  	[sflag:s23] =	ssyncadd.s32 @!p1 $0xFFFFD800  }
0x52: {  	v58 =	vld [tilespmem:s21+$0xFFFFFFE0];
	_ =	sdelay $0x4  }
0x53: {  	v59 =	vand.u32 $0xFFFF, v58  }
0x54: {  	v0 =	vshrl.u32 v58, $0x10;
	[tilespmem:$0x4080] =	vst v59  }
0x55: {  	[tilespmem:$0x4280] =	vst v0  }
0x56: {  	v0 =	vld [tilespmem:s21+$0xFFFFFFF0];
	_ =	sdelay $0x4  }
0x57: {  	v60 =	vand.u32 $0xFFFF, v0  }
0x58: {  	v0 =	vshrl.u32 v0, $0x10;
	[tilespmem:$0x4090] =	vst v60  }
0x59: {  	[tilespmem:$0x4290] =	vst v0  }
0x5a: {  	v0 =	vld [tilespmem:s21+$0x0];
	_ =	sdelay $0x4  }
0x5b: {  	v61 =	vand.u32 $0xFFFF, v0  }
0x5c: {  	v0 =	vshrl.u32 v0, $0x10;
	[tilespmem:$0x40A0] =	vst v61  }
0x5d: {  	[tilespmem:$0x42A0] =	vst v0  }
0x5e: {  	v0 =	vld [tilespmem:s21+$0x10];
	_ =	sdelay $0x4  }
0x5f: {  	v62 =	vand.u32 $0xFFFF, v0  }
0x60: {  	v0 =	vshrl.u32 v0, $0x10;
	[tilespmem:$0x40B0] =	vst v62  }
0x61: {  	[tilespmem:$0x42B0] =	vst v0  }
0x62: {  	v0 =	vld [tilespmem:s21+$0x20];
	_ =	sdelay $0x4  }
0x63: {  	s31 =	sadd.s32 $0x2, s20;
	v63 =	vand.u32 $0xFFFF, v0  }
0x64: {  	p1 =	sgt.u32 s31, $0x7C;
	v0 =	vshrl.u32 v0, $0x10;
	[tilespmem:$0x40C0] =	vst v63  }
0x65: {  	s23 =	simm.s32 @!p1 $0x3;
	[tilespmem:$0x42C0] =	vst v0  }
0x66: {  	[tilespmem:s15], [sflag:$0x2] =	stream.indirect.gather [hbm4b:s1+s13], $0x80, s18, s13, $0xb8;
	[tilespmem:$0x1F480] =	vst v63  }
0x67: {  	_ =	swait.ge @!p1 [sflag:s23], $0x2800  }
0x68: {  	s24 =	simm.s32 @!p1 $0x4300;
	[sflag:s23] =	ssyncset.done @!p1 $0x0  }
0x69: {  	s25 =	simm.s32 @!p1 $0x9400;
	[sflag:s23] =	ssyncadd.s32 @!p1 $0xFFFFD800;
	s23 =	simm.s32 @!p1 $0x50  }
0x6a: {  	[spmem:s2] =	stream.indirect.scatter.add.f32 @!p1 [tilespmem:s25], [sflag:$0x4], $0x80, s24, s23, $0xb8;
	[tilespmem:$0x1F480] =	vst v63  }
0x6b: {  	s23 =	simm.s32 @!p1 $0x4  }
0x6c: {  	_ =	swait.ge @!p1 [sflag:s23], $0x2800  }
0x6d: {  	[sflag:s23] =	ssyncset.done @!p1 $0x0  }
0x6e: {  	[sflag:s23] =	ssyncadd.s32 @!p1 $0xFFFFD800;
	p1 =	sgt.u32 s22, $0x28  }
0x6f: {  	v0 =	vld @!p1 [tilespmem:s21+$0x60];
	_ =	sdelay $0x4  }
0x70: {  	v1 =	vand.u32 @!p1 $0xFFFF, v0  }
0x71: {  	v0 =	vshrl.u32 @!p1 v0, $0x10;
	[tilespmem:$0x4100] =	vst @!p1 v1  }
0x72: {  	[tilespmem:$0x4300] =	vst @!p1 v0  }
0x73: {  	v0 =	vld @!p1 [tilespmem:s21+$0x70];
	_ =	sdelay $0x4  }
0x74: {  	v1 =	vand.u32 @!p1 $0xFFFF, v0  }
0x75: {  	v0 =	vshrl.u32 @!p1 v0, $0x10;
	[tilespmem:$0x4110] =	vst @!p1 v1  }
0x76: {  	[tilespmem:$0x4310] =	vst @!p1 v0  }
0x77: {  	v0 =	vld @!p1 [tilespmem:s21+$0x80];
	_ =	sdelay $0x4  }
0x78: {  	v1 =	vand.u32 @!p1 $0xFFFF, v0  }
0x79: {  	v0 =	vshrl.u32 @!p1 v0, $0x10;
	[tilespmem:$0x4120] =	vst @!p1 v1  }
0x7a: {  	[tilespmem:$0x4320] =	vst @!p1 v0  }
0x7b: {  	v0 =	vld @!p1 [tilespmem:s21+$0x90];
	_ =	sdelay $0x4  }
0x7c: {  	v1 =	vand.u32 @!p1 $0xFFFF, v0  }
0x7d: {  	v0 =	vshrl.u32 @!p1 v0, $0x10;
	[tilespmem:$0x4130] =	vst @!p1 v1  }
0x7e: {  	[tilespmem:$0x4330] =	vst @!p1 v0  }
0x7f: {  	v0 =	vld @!p1 [tilespmem:s21+$0xA0];
	_ =	sdelay $0x4  }
0x80: {  	v1 =	vand.u32 @!p1 $0xFFFF, v0  }
0x81: {  	s20 =	sadd.s32 $0x3, s20;
	v0 =	vshrl.u32 @!p1 v0, $0x10;
	[tilespmem:$0x4140] =	vst @!p1 v1  }
0x82: {  	s23 =	simm.s32 @!p1 $0x50;
	s24 =	simm.s32 @!p1 $0x4100;
	s25 =	simm.s32 @!p1 $0x9400;
	[tilespmem:$0x4340] =	vst @!p1 v0  }
0x83: {  	[tilespmem:s25], [sflag:$0x3] =	stream.indirect.gather @!p1 [hbm4b:s1+s23], $0x80, s24, s23, $0xb8;
	[tilespmem:$0x1F480] =	vst v63  }
0x84: {  	p1 =	sne.s32 s20, $0x7E  }
.Ltmp3:
0x85: {  	_ = 	snop;
	(pc) =	sbr.rel @p1 .LBB2_2-.Ltmp3, $4  }
.Ltmp4:
0x86: {  	_ = 	snop;
	(pc) =	sbr.rel @!p1 .LBB2_4-.Ltmp4, $4  }
0x87: {  	_ = 	snop  }
0x88: {  	_ = 	snop  }
0x89: {  	s22 =	sadd.s32 $0x1, s22;
	s21 =	sadd.s32 $0x180, s21  }
0x8a: {  	_ = 	snop  }
.LBB2_5:
0x8b: {  	_ =	sfence.sel $0x180000  }
0x8c: {  	[bflag:$0x0] =	sbarrier.arrive $0xFFFF  }
0x8d: {  	p0 =	sne.s32 s3, $0x0;
	_ =	strace $0x9000004A  }
0x8e: {  	s0 =	sadd.s32 @!p0 $0x100000, s0;
	[bflag:$0x2] =	sbarrier.arrive $0xFFFF  }
0x8f: {  	[sflag:s0] =	ssyncadd.tile.s32 @!p0 $0x1;
	_ =	shalt  }
.Lfunc_end2:
_tile_overlayer_lowered:
.L_overlay_start_2:
0x90: {  	(tag) =	ssettag $0x2  }
0x91: {  	s0 =	rddreg [dreg:$0x0];
	s2 =	stileid.u32  }
0x92: {  	s1 =	rddreg [dreg:$0x1];
	p0 =	sne.s32 s2, $0x0  }
0x93: {  	s3 =	rddreg [dreg:$0x2];
	[bflag:$0x3] =	sbarrier.arrive $0xFFFF;
	s2 =	simm.s32 @!p0 $0x1C04  }
0x94: {  	[timem:s3], [sflag:s2] =	dma.local @!p0 [hbm:s0], s1  }
0x95: {  	s0 =	simm.s32 @!p0 $0x4  }
0x96: {  	_ =	swait.ge @!p0 [sflag:s0], s1  }
0x97: {  	s1 =	ssub.s32 @!p0 $0x0, s1;
	[sflag:s0] =	ssyncset.done @!p0 $0x0  }
0x98: {  	[sflag:s0] =	ssyncadd.s32 @!p0 s1  }
0x99: {  	[bflag:$0x3] =	sbarrier.arrive $0xFFFF  }
0x9a: {  	_ =	shalt  }

// kernel: kernel.15.cloned.1.call-start
scs
__scs_entry_jumppad:
0x0: {  	(pc) =	sbr.rel $0x88, $3  }
0x1: {  	(tag) =	ssettag $0x0;
	lr =	simm.s32 $0x1  }
0x2: {  	[smem:$0x3F95] =	sst lr;
	_ =	strace $0xD0000000  }
0x3: {  	_ = 	snop  }
0x4: {  	_ = 	snop  }
0x5: {  	_ = 	snop  }
0x6: {  	_ = 	snop  }
0x7: {  	_ = 	snop  }
__scs_overlays_trampoline_lowered:
0x8: {  	[smem:$0x3FA4] =	sst s0  }
0x9: {  	[smem:$0x3FA5] =	sst s1  }
0xa: {  	[smem:$0x3FA6] =	sst s2  }
0xb: {  	[smem:$0x3FA7] =	sst s3  }
0xc: {  	[smem:$0x3FA8] =	sst s4  }
0xd: {  	[smem:$0x3FA9] =	sst s5  }
0xe: {  	[smem:$0x3FAA] =	sst s6  }
0xf: {  	[smem:$0x3FAB] =	sst s7  }
0x10: {  	[smem:$0x3FAC] =	sst s8  }
0x11: {  	[smem:$0x3FAD] =	sst s9;
	s0 =	simm.s32 @!p0 $0x0  }
0x12: {  	s1 =	sld [smem:$0x3F93];
	s0 =	simm.s32 @p0 $0x1  }
0x13: {  	[smem:$0x3FAE] =	sst s0;
	s0 =	simm.s32 @!p1 $0x0  }
0x14: {  	s2 =	sld [smem:$0x3F92];
	s0 =	simm.s32 @p1 $0x1  }
0x15: {  	[smem:$0x3FAF] =	sst s0;
	s0 =	simm.s32 @!p2 $0x0  }
0x16: {  	s3 =	sld [smem:$0x3FDB];
	s0 =	simm.s32 @p2 $0x1  }
0x17: {  	s4 =	simm.s32 $0x1BF5;
	[smem:$0x3FB1] =	sst s0  }
0x18: {  	s0 =	sld [smem:$0x3F94];
	_ =	swait.ge [sflag:s4], $0x0  }
0x19: {  	s7 =	sld [smem:$0x3F95]  }
0x1a: {  	s8 =	sadd.s32 $0xFFFFE003, lr  }
0x1b: {  	s9 =	sadd.s32 $0xFFFFFEF7, lr;
	s5 =	simm.s32 $0xFFFFFFFF;
	p2 =	slt.u32 s8, $0xFFFFF086  }
0x1c: {  	p1 =	slt.u32 s9, $0xF7A;
	s5 =	simm.s32 @!p2 $0x0  }
0x1d: {  	s5 =	simm.s32 @p1 $0x1;
	p0 =	seq.s32 s7, s2  }
0x1e: {  	s7 =	smul.u32 @!p0 $0xF7A, s2;
	p2 =	seq.s32 @!p0 s5, $0x0  }
0x1f: {  	s9 =	smul.u32 $0xF7A, s1;
	s8 =	simm.s32 @!p0 $0x1BF5;
	p2 =	por !p2, p0  }
0x20: {  	[sflag:s8] =	ssyncset.s32 @!p0 $0xFFFFF086;
	s6 =	sadd.s32 @!p0 s3, s7;
	s7 =	simm.s32 @!p0 $0x108  }
0x21: {  	s3 =	sadd.s32 s3, s9;
	s6 =	sadd.s32 @!p0 $0x88, s6;
	s7 =	simm.s32 @p2 $0x1082  }
0x22: {  	[simem:s7], [sflag:s8] =	dma.local @!p0 [hbm:s6], $0xF7A  }
0x23: {  	s9 =	sor.u32 $0xD0000000, s2;
	s6 =	simm.s32 $0x108;
	_ =	swait.ge @!p0 [sflag:s8], $0x0  }
0x24: {  	s3 =	sadd.s32 $0x88, s3;
	s6 =	simm.s32 @!p1 $0x1082;
	[sflag:s4] =	ssyncset.s32 $0xFFFFF086  }
0x25: {  	[simem:s6], [sflag:s4] =	dma.local [hbm:s3], $0xF7A  }
0x26: {  	[smem:$0x3F95] =	sst s1;
	(tag) =	ssettag s2;
	_ =	strace s9  }
0x27: {  	s1 =	sld [smem:$0x3FA5]  }
0x28: {  	s2 =	sld [smem:$0x3FA6]  }
0x29: {  	s4 =	sld [smem:$0x3FA8]  }
0x2a: {  	p0 =	seq.s32 s5, $0x0;
	s5 =	sld [smem:$0x3FA9]  }
0x2b: {  	s6 =	sld [smem:$0x3FAA]  }
0x2c: {  	s7 =	sld [smem:$0x3FAB]  }
0x2d: {  	s3 =	simm.s32 $0x108;
	s8 =	sld [smem:$0x3FAC]  }
0x2e: {  	s3 =	simm.s32 @!p0 $0x1082;
	s9 =	sld [smem:$0x3FAD]  }
0x2f: {  	lr =	sadd.s32 s0, s3;
	s0 =	sld [smem:$0x3FA4]  }
0x30: {  	s3 =	sld [smem:$0x3FA7]  }
0x31: {  	[smem:$0x3FB0] =	sst s10  }
0x32: {  	s10 =	sld [smem:$0x3FAE];
	_ =	sdelay $0x3  }
0x33: {  	p0 =	seq.s32 s10, $0x1;
	s10 =	sld [smem:$0x3FB0];
	_ =	sdelay $0x3  }
0x34: {  	[smem:$0x3FB0] =	sst s10  }
0x35: {  	s10 =	sld [smem:$0x3FAF];
	_ =	sdelay $0x3  }
0x36: {  	p1 =	seq.s32 s10, $0x1;
	s10 =	sld [smem:$0x3FB0];
	_ =	sdelay $0x3  }
0x37: {  	[smem:$0x3FB0] =	sst s10  }
0x38: {  	s10 =	sld [smem:$0x3FB1]  }
0x39: {  	_ = 	snop;
	(pc) =	sbr.ind lr, $3  }
0x3a: {  	_ = 	snop  }
0x3b: {  	_ = 	snop  }
0x3c: {  	p2 =	seq.s32 s10, $0x1;
	s10 =	sld [smem:$0x3FB0]  }
0x3d: {  	_ =	shalt  }
0x3e: {  	_ =	shalt  }
0x3f: {  	_ =	shalt  }
0x40: {  	_ =	shalt  }
0x41: {  	_ =	shalt  }
0x42: {  	_ =	shalt  }
0x43: {  	_ =	shalt  }
0x44: {  	_ =	shalt  }
0x45: {  	_ =	shalt  }
0x46: {  	_ =	shalt  }
0x47: {  	_ =	shalt  }
0x48: {  	_ =	shalt  }
0x49: {  	_ =	shalt  }
0x4a: {  	_ =	shalt  }
0x4b: {  	_ =	shalt  }
0x4c: {  	_ =	shalt  }
0x4d: {  	_ =	shalt  }
0x4e: {  	_ =	shalt  }
0x4f: {  	_ =	shalt  }
0x50: {  	_ =	shalt  }
0x51: {  	_ =	shalt  }
0x52: {  	_ =	shalt  }
0x53: {  	_ =	shalt  }
0x54: {  	_ =	shalt  }
0x55: {  	_ =	shalt  }
0x56: {  	_ =	shalt  }
0x57: {  	_ =	shalt  }
0x58: {  	_ =	shalt  }
0x59: {  	_ =	shalt  }
0x5a: {  	_ =	shalt  }
0x5b: {  	_ =	shalt  }
0x5c: {  	_ =	shalt  }
0x5d: {  	_ =	shalt  }
0x5e: {  	_ =	shalt  }
0x5f: {  	_ =	shalt  }
0x60: {  	_ =	shalt  }
0x61: {  	_ =	shalt  }
0x62: {  	_ =	shalt  }
0x63: {  	_ =	shalt  }
0x64: {  	_ =	shalt  }
0x65: {  	_ =	shalt  }
0x66: {  	_ =	shalt  }
0x67: {  	_ =	shalt  }
0x68: {  	_ =	shalt  }
0x69: {  	_ =	shalt  }
0x6a: {  	_ =	shalt  }
0x6b: {  	_ =	shalt  }
0x6c: {  	_ =	shalt  }
0x6d: {  	_ =	shalt  }
0x6e: {  	_ =	shalt  }
0x6f: {  	_ =	shalt  }
0x70: {  	_ =	shalt  }
0x71: {  	_ =	shalt  }
0x72: {  	_ =	shalt  }
0x73: {  	_ =	shalt  }
0x74: {  	_ =	shalt  }
0x75: {  	_ =	shalt  }
0x76: {  	_ =	shalt  }
0x77: {  	_ =	shalt  }
0x78: {  	_ =	shalt  }
0x79: {  	_ =	shalt  }
0x7a: {  	_ =	shalt  }
0x7b: {  	_ =	shalt  }
0x7c: {  	_ =	shalt  }
0x7d: {  	_ =	shalt  }
0x7e: {  	_ =	shalt  }
0x7f: {  	_ =	shalt  }
0x80: {  	_ =	shalt  }
0x81: {  	_ =	shalt  }
0x82: {  	_ =	shalt  }
0x83: {  	_ =	shalt  }
0x84: {  	_ =	shalt  }
0x85: {  	_ =	shalt  }
0x86: {  	_ =	shalt  }
0x87: {  	_ =	shalt  }
.Lfunc_end0:
.L_simem_size_0:
called_computation.2_lowered:
.L_overlay_start_0:
0x88: {  	s2 =	sld [smem:$0x3FD9]  }
0x89: {  	s3 =	sld [smem:$0x3FFE];
	_ =	sdelay $0x1  }
0x8a: {  	s1 =	srdreg.scid  }
0x8b: {  	s0 =	sand.u32 $0x1, s1  }
0x8c: {  	s17 =	sshll.u32 s0, $0xA;
	s2 =	sadd.s32 s3, s2  }
0x8d: {  	s2 =	sadd.s32 s2, s17  }
0x8e: {  	[smem:$0x3FBC] =	sst s2  }
0x8f: {  	_ = 	snop  }
0x90: {  	s2 =	sld [smem:$0x3FD0];
	(tm) =	ssettm $0x1  }
0x91: {  	s18 =	sld [smem:$0x3FFB];
	_ =	sdelay $0x3  }
0x92: {  	_ =	strace s18  }
0x93: {  	s3 =	sld [smem:$0x3FFC];
	_ =	sdelay $0x3  }
0x94: {  	_ =	strace s3  }
0x95: {  	s3 =	sld [smem:$0x3FFD];
	_ =	sdelay $0x3  }
0x96: {  	_ =	strace s3  }
0x97: {  	_ =	strace $0x8FFFFFFF  }
0x98: {  	s19 =	sld [smem:$0x3FDB];
	_ =	sdelay $0x1  }
0x99: {  	s4 =	simm.s32 $_scs_section_size  }
0x9a: {  	s5 =	simm.s32 $_size__tile_overlayer_lowered;
	s6 =	simm.s32 $_tile_overlayer_lowered  }
0x9b: {  	s22 =	simm.s32 $0x1BFF;
	s21 =	sshll.u32 s6, $0x1;
	s3 =	sadd.s32 s4, s19  }
0x9c: {  	s7 =	simm.s32 $0x0;
	s20 =	sshll.u32 s5, $0x1;
	s5 =	sadd.s32 s21, s3  }
0x9d: {  	[timem:s7], [sflag:s22] =	dma.local [hbm:s5], s20  }
0x9e: {  	_ =	swait.ge [sflag:s22], s20  }
0x9f: {  	s4 =	ssub.s32 $0x0, s20;
	[sflag:s22] =	ssyncset.done $0x0  }
0xa0: {  	[sflag:s22] =	ssyncadd.s32 s4;
	_ =	sdelay $0x1  }
0xa1: {  	s23 =	simm.s32 $0x1B8B  }
0xa2: {  	_ =	swait.ge [sflag:s23], $0x1  }
0xa3: {  	[sflag:s23] =	ssyncset.done $0x0  }
0xa4: {  	s25 =	simm.s32 $0x1B8E;
	s24 =	sld [smem:$0x3FFE];
	[sflag:s23] =	ssyncadd.s32 $0xFFFFFFFF  }
0xa5: {  	s26 =	simm.s32 $execute0_lowered;
	[smem:$0x3FD2] =	sst s25  }
0xa6: {  	s5 =	sshll.u32 s26, $0x1;
	_ =	strace $0x8000004C;
	[dreg:$0x1] =	wrdreg $0xFFFFFFFF  }
0xa7: {  	s28 =	simm.s32 $_size_execute0_lowered;
	s3 =	sadd.s32 s3, s5;
	[dreg:$0x0] =	wrdreg $0x0  }
0xa8: {  	s5 =	sshll.u32 s28, $0x1;
	[dreg:$0x2] =	wrdreg s3  }
0xa9: {  	[dreg:$0x3] =	wrdreg s5  }
0xaa: {  	[dreg:$0x4] =	wrdreg $0xC0  }
0xab: {  	_ =	task [dreg:s7], $0x5FFFF  }
0xac: {  	[dreg:$0x1] =	wrdreg $0xFFFFFFFF  }
0xad: {  	[dreg:$0x0] =	wrdreg $0x60  }
0xae: {  	[dreg:$0x2] =	wrdreg s2  }
0xaf: {  	[dreg:$0x3] =	wrdreg s24  }
0xb0: {  	[dreg:$0x4] =	wrdreg $0xBC000  }
0xb1: {  	[dreg:$0x5] =	wrdreg $0x9  }
0xb2: {  	_ =	task.clear_ibuf [dreg:s7], $0x6FFFF;
	_ =	strace $0x9000004C  }
0xb3: {  	s29 =	simm.s32 $0x9;
	_ =	strace $0x8000004E  }
0xb4: {  	_ =	swait.ge [sflag:s29], $0x1  }
0xb5: {  	[sflag:s29] =	ssyncadd.s32 $0xFFFFFFFF  }
0xb6: {  	_ =	strace $0x9000004E  }
0xb7: {  	_ =	sfence  }
0xb8: {  	s30 =	sld [smem:$0x0];
	_ =	sdelay $0x2  }
0xb9: {  	s31 =	sshll.u32 s1, $0xD;
	s1 =	sshrl.u32 s1, $0x2  }
0xba: {  	s3 =	sand.u32 $0x4000, s31;
	s1 =	sadd.s32 s1, s30  }
0xbb: {  	s0 =	sor.u32 s3, s0;
	s1 =	sshll.u32 s1, $0x11  }
0xbc: {  	s0 =	sor.u32 s1, s0  }
0xbd: {  	s0 =	sadd.s32 $0x8F2B, s0  }
0xbe: {  	[sflag:s0] =	ssyncadd.remote.s32 $0x1  }
0xbf: {  	_ =	sfence.sel $0xFFFF  }
0xc0: {  	[dreg:$0x0] =	wrdreg $0xFFFFFFFF;
	(pc) =	sbr.abs _section_cstart, $3  }
0xc1: {  	[dreg:$0x1] =	wrdreg $0xFFFFFFFF  }
0xc2: {  	_ =	task.clear_ibuf [dreg:s7], $0x2FFFF;
	_ =	strace $0x9FFFFFFF  }
0xc3: {  	(tm) =	ssettm $0x7FFFFFFF  }
tec
execute0_lowered:
.L_overlay_start_1:
0x0: {  	(tag) =	ssettag $0x1  }
0x1: {  	s1 =	rddreg [dreg:$0x0]  }
0x2: {  	s5 =	rddreg [dreg:$0x1]  }
0x3: {  	s2 =	rddreg [dreg:$0x2]  }
0x4: {  	s3 =	srdreg.scid;
	s0 =	rddreg [dreg:$0x3];
	s4 =	simm.s32 $0x0  }
0x5: {  	s13 =	simm.s32 $0x50;
	s14 =	simm.s32 $0x4280;
	s15 =	simm.s32 $0x6C00  }
0x6: {  	s16 =	simm.s32 $0x4000;
	s17 =	simm.s32 $0x4400;
	s6 =	sand.u32 $0x1, s3  }
0x7: {  	s18 =	simm.s32 $0x4080;
	s3 =	stileid.u32;
	s7 =	smul.u32 $0x138800, s6  }
0x8: {  	s19 =	simm.s32 $0x0;
	[smem:$0x7FF] =	sst s4;
	s8 =	smul.u32 $0x1F400, s3  }
0x9: {  	_ =	strace $0x8000004D;
	s9 =	sshll.u32 s3, $0xB;
	s10 =	smul.u32 $0x3E80, s3  }
0xa: {  	s30 =	smul.u32 $0x7D000, s3;
	s11 =	ssub.s32 $0x2, s6;
	s6 =	sshll.u32 s6, $0xF  }
0xb: {  	p0 =	sgt.u32 s3, $0x9;
	s9 =	sadd.s32 s9, s5;
	s31 =	sshrl.u32 s11, $0x1  }
0xc: {  	s7 =	sadd.s32 s8, s7;
	s10 =	sadd.s32 s10, s5;
	s8 =	sshrl.u32 s30, $0x2  }
.Ltmp0:
0xd: {  	s11 =	ssub.s32 s11, s31;
	s6 =	sadd.s32 s6, s9;
	(pc) =	sbr.rel .LBB2_1-.Ltmp0, $4  }
0xe: {  	s9 =	sshll.u32 @!p0 s3, $0x6;
	s7 =	sshrl.u32 s7, $0x3;
	s12 =	sadd.s32 s8, s2  }
0xf: {  	s6 =	sadd.s32 $0x5B600, s6;
	s8 =	smax.u32 s11, $0x1;
	s9 =	sor.u32 @!p0 $0x1C04, s9  }
0x10: {  	s11 =	simm.s32 $0x4;
	s7 =	sadd.s32 s7, s5;
	s5 =	sadd.s32 $0x6B600, s10  }
0x11: {  	s10 =	sshrl.u32 @!p0 s12, $0x3;
	s12 =	simm.s32 $0x2;
	s7 =	sadd.s32 $0x2800, s7  }
.LBB2_6:
0x12: {  	_ =	swait.ge [sflag:s12], $0x2800  }
0x13: {  	[sflag:s12] =	ssyncset.done $0x0  }
0x14: {  	[sflag:s12] =	ssyncadd.s32 $0xFFFFD800  }
0x15: {  	[spmem:s2] =	stream.indirect.scatter.add.f32 [tilespmem:s15], [sflag:$0x4], $0x80, s14, s13, $0xb8;
	[tilespmem:$0x1F480] =	vst v63  }
0x16: {  	_ =	swait.ge [sflag:s11], $0x2800  }
0x17: {  	[sflag:s11] =	ssyncset.done $0x0  }
0x18: {  	[sflag:s11] =	ssyncadd.s32 $0xFFFFD800  }
.LBB2_4:
0x19: {  	s19 =	sadd.s32 $0x1, s19  }
0x1a: {  	p1 =	sne.s32 s19, s8  }
.Ltmp1:
0x1b: {  	[bflag:$0x0] =	sbarrier.arrive $0xFFFF;
	s20 =	simm.s32 @!p0 $0x4;
	(pc) =	sbr.rel @!p1 .LBB2_5-.Ltmp1, $4  }
0x1c: {  	[hbm:s7], [sflag:s9] =	dma.local @!p0 [spmem:s10], $0x3E80  }
0x1d: {  	_ =	swait.ge @!p0 [sflag:s20], $0x3E80  }
0x1e: {  	[sflag:s20] =	ssyncset.done @!p0 $0x0  }
0x1f: {  	[sflag:s20] =	ssyncadd.s32 @!p0 $0xFFFFC180  }
.LBB2_1:
0x20: {  	[spmem:s10], [sflag:s9] =	dma.local @!p0 [hbm:s5], $0x3E80  }
0x21: {  	s20 =	simm.s32 @!p0 $0x4  }
0x22: {  	_ =	swait.ge @!p0 [sflag:s20], $0x3E80  }
0x23: {  	[sflag:s20] =	ssyncset.done @!p0 $0x0  }
0x24: {  	[sflag:s20] =	ssyncadd.s32 @!p0 $0xFFFFC180  }
0x25: {  	[tilespmem:s4], [sflag:$0x4] =	stream.linear.gather [hbm4b:s6+s4], $0x3E80, $0x38;
	[tilespmem:$0x1F480] =	vst v63  }
0x26: {  	_ =	swait.ge [sflag:s11], $0x3E80  }
0x27: {  	[sflag:s11] =	ssyncset.done $0x0  }
0x28: {  	s21 =	simm.s32 $0xA0;
	[sflag:s11] =	ssyncadd.s32 $0xFFFFC180  }
0x29: {  	s22 =	simm.s32 $0x0;
	s20 =	simm.s32 $0xFFFFFFFD;
	[bflag:$0x0] =	sbarrier.arrive $0xFFFF  }
.LBB2_2:
0x2a: {  	p1 =	sgt.u32 s20, $0x7C  }
0x2b: {  	s23 =	simm.s32 @!p1 $0x1  }
0x2c: {  	_ =	swait.ge @!p1 [sflag:s23], $0x2800  }
0x2d: {  	p2 =	seq.s32 s20, $0x7B;
	s24 =	simm.s32 @!p1 $0x4200;
	[sflag:s23] =	ssyncset.done @!p1 $0x0  }
0x2e: {  	s25 =	simm.s32 @!p1 $0x4400;
	[sflag:s23] =	ssyncadd.s32 @!p1 $0xFFFFD800;
	s23 =	simm.s32 @!p1 $0x50  }
0x2f: {  	[spmem:s2] =	stream.indirect.scatter.add.f32 @!p1 [tilespmem:s25], [sflag:$0x4], $0x80, s24, s23, $0xb8;
	[tilespmem:$0x1F480] =	vst v63  }
.Ltmp2:
0x30: {  	_ = 	snop;
	(pc) =	sbr.rel @p2 .LBB2_6-.Ltmp2, $4  }
0x31: {  	s23 =	simm.s32 @!p1 $0x4  }
0x32: {  	_ =	swait.ge @!p1 [sflag:s23], $0x2800  }
0x33: {  	[sflag:s23] =	ssyncset.done @!p1 $0x0  }
0x34: {  	[sflag:s23] =	ssyncadd.s32 @!p1 $0xFFFFD800  }
0x35: {  	v0 =	vld [tilespmem:s21+$0xFFFFFF60];
	_ =	sdelay $0x4  }
0x36: {  	v1 =	vand.u32 $0xFFFF, v0  }
0x37: {  	v0 =	vshrl.u32 v0, $0x10;
	[tilespmem:$0x4000] =	vst v1  }
0x38: {  	[tilespmem:$0x4200] =	vst v0  }
0x39: {  	v0 =	vld [tilespmem:s21+$0xFFFFFF70];
	_ =	sdelay $0x4  }
0x3a: {  	v54 =	vand.u32 $0xFFFF, v0  }
0x3b: {  	v0 =	vshrl.u32 v0, $0x10;
	[tilespmem:$0x4010] =	vst v54  }
0x3c: {  	[tilespmem:$0x4210] =	vst v0  }
0x3d: {  	v0 =	vld [tilespmem:s21+$0xFFFFFF80];
	_ =	sdelay $0x4  }
0x3e: {  	v55 =	vand.u32 $0xFFFF, v0  }
0x3f: {  	v0 =	vshrl.u32 v0, $0x10;
	[tilespmem:$0x4020] =	vst v55  }
0x40: {  	[tilespmem:$0x4220] =	vst v0  }
0x41: {  	v0 =	vld [tilespmem:s21+$0xFFFFFF90];
	_ =	sdelay $0x4  }
0x42: {  	v56 =	vand.u32 $0xFFFF, v0  }
0x43: {  	v0 =	vshrl.u32 v0, $0x10;
	[tilespmem:$0x4030] =	vst v56  }
0x44: {  	[tilespmem:$0x4230] =	vst v0  }
0x45: {  	v0 =	vld [tilespmem:s21+$0xFFFFFFA0];
	_ =	sdelay $0x4  }
0x46: {  	s23 =	sadd.s32 $0x1, s20;
	v57 =	vand.u32 $0xFFFF, v0  }
0x47: {  	p1 =	sgt.u32 s23, $0x7C;
	v0 =	vshrl.u32 v0, $0x10;
	[tilespmem:$0x4040] =	vst v57  }
0x48: {  	s23 =	simm.s32 @!p1 $0x2;
	[tilespmem:$0x4240] =	vst v0  }
0x49: {  	[tilespmem:s17], [sflag:$0x1] =	stream.indirect.gather [hbm4b:s1+s13], $0x80, s16, s13, $0xb8;
	[tilespmem:$0x1F480] =	vst v63  }
0x4a: {  	_ =	swait.ge @!p1 [sflag:s23], $0x2800  }
0x4b: {  	s24 =	simm.s32 @!p1 $0x4280;
	[sflag:s23] =	ssyncset.done @!p1 $0x0  }
0x4c: {  	s25 =	simm.s32 @!p1 $0x6C00;
	[sflag:s23] =	ssyncadd.s32 @!p1 $0xFFFFD800;
	s23 =	simm.s32 @!p1 $0x50  }
0x4d: {  	[spmem:s2] =	stream.indirect.scatter.add.f32 @!p1 [tilespmem:s25], [sflag:$0x4], $0x80, s24, s23, $0xb8;
	[tilespmem:$0x1F480] =	vst v63  }
0x4e: {  	s23 =	simm.s32 @!p1 $0x4  }
0x4f: {  	_ =	swait.ge @!p1 [sflag:s23], $0x2800  }
0x50: {  	[sflag:s23] =	ssyncset.done @!p1 $0x0  }
0x51: {  	[sflag:s23] =	ssyncadd.s32 @!p1 $0xFFFFD800  }
0x52: {  	v58 =	vld [tilespmem:s21+$0xFFFFFFE0];
	_ =	sdelay $0x4  }
0x53: {  	v59 =	vand.u32 $0xFFFF, v58  }
0x54: {  	v0 =	vshrl.u32 v58, $0x10;
	[tilespmem:$0x4080] =	vst v59  }
0x55: {  	[tilespmem:$0x4280] =	vst v0  }
0x56: {  	v0 =	vld [tilespmem:s21+$0xFFFFFFF0];
	_ =	sdelay $0x4  }
0x57: {  	v60 =	vand.u32 $0xFFFF, v0  }
0x58: {  	v0 =	vshrl.u32 v0, $0x10;
	[tilespmem:$0x4090] =	vst v60  }
0x59: {  	[tilespmem:$0x4290] =	vst v0  }
0x5a: {  	v0 =	vld [tilespmem:s21+$0x0];
	_ =	sdelay $0x4  }
0x5b: {  	v61 =	vand.u32 $0xFFFF, v0  }
0x5c: {  	v0 =	vshrl.u32 v0, $0x10;
	[tilespmem:$0x40A0] =	vst v61  }
0x5d: {  	[tilespmem:$0x42A0] =	vst v0  }
0x5e: {  	v0 =	vld [tilespmem:s21+$0x10];
	_ =	sdelay $0x4  }
0x5f: {  	v62 =	vand.u32 $0xFFFF, v0  }
0x60: {  	v0 =	vshrl.u32 v0, $0x10;
	[tilespmem:$0x40B0] =	vst v62  }
0x61: {  	[tilespmem:$0x42B0] =	vst v0  }
0x62: {  	v0 =	vld [tilespmem:s21+$0x20];
	_ =	sdelay $0x4  }
0x63: {  	s31 =	sadd.s32 $0x2, s20;
	v63 =	vand.u32 $0xFFFF, v0  }
0x64: {  	p1 =	sgt.u32 s31, $0x7C;
	v0 =	vshrl.u32 v0, $0x10;
	[tilespmem:$0x40C0] =	vst v63  }
0x65: {  	s23 =	simm.s32 @!p1 $0x3;
	[tilespmem:$0x42C0] =	vst v0  }
0x66: {  	[tilespmem:s15], [sflag:$0x2] =	stream.indirect.gather [hbm4b:s1+s13], $0x80, s18, s13, $0xb8;
	[tilespmem:$0x1F480] =	vst v63  }
0x67: {  	_ =	swait.ge @!p1 [sflag:s23], $0x2800  }
0x68: {  	s24 =	simm.s32 @!p1 $0x4300;
	[sflag:s23] =	ssyncset.done @!p1 $0x0  }
0x69: {  	s25 =	simm.s32 @!p1 $0x9400;
	[sflag:s23] =	ssyncadd.s32 @!p1 $0xFFFFD800;
	s23 =	simm.s32 @!p1 $0x50  }
0x6a: {  	[spmem:s2] =	stream.indirect.scatter.add.f32 @!p1 [tilespmem:s25], [sflag:$0x4], $0x80, s24, s23, $0xb8;
	[tilespmem:$0x1F480] =	vst v63  }
0x6b: {  	s23 =	simm.s32 @!p1 $0x4  }
0x6c: {  	_ =	swait.ge @!p1 [sflag:s23], $0x2800  }
0x6d: {  	[sflag:s23] =	ssyncset.done @!p1 $0x0  }
0x6e: {  	[sflag:s23] =	ssyncadd.s32 @!p1 $0xFFFFD800;
	p1 =	sgt.u32 s22, $0x28  }
0x6f: {  	v0 =	vld @!p1 [tilespmem:s21+$0x60];
	_ =	sdelay $0x4  }
0x70: {  	v1 =	vand.u32 @!p1 $0xFFFF, v0  }
0x71: {  	v0 =	vshrl.u32 @!p1 v0, $0x10;
	[tilespmem:$0x4100] =	vst @!p1 v1  }
0x72: {  	[tilespmem:$0x4300] =	vst @!p1 v0  }
0x73: {  	v0 =	vld @!p1 [tilespmem:s21+$0x70];
	_ =	sdelay $0x4  }
0x74: {  	v1 =	vand.u32 @!p1 $0xFFFF, v0  }
0x75: {  	v0 =	vshrl.u32 @!p1 v0, $0x10;
	[tilespmem:$0x4110] =	vst @!p1 v1  }
0x76: {  	[tilespmem:$0x4310] =	vst @!p1 v0  }
0x77: {  	v0 =	vld @!p1 [tilespmem:s21+$0x80];
	_ =	sdelay $0x4  }
0x78: {  	v1 =	vand.u32 @!p1 $0xFFFF, v0  }
0x79: {  	v0 =	vshrl.u32 @!p1 v0, $0x10;
	[tilespmem:$0x4120] =	vst @!p1 v1  }
0x7a: {  	[tilespmem:$0x4320] =	vst @!p1 v0  }
0x7b: {  	v0 =	vld @!p1 [tilespmem:s21+$0x90];
	_ =	sdelay $0x4  }
0x7c: {  	v1 =	vand.u32 @!p1 $0xFFFF, v0  }
0x7d: {  	v0 =	vshrl.u32 @!p1 v0, $0x10;
	[tilespmem:$0x4130] =	vst @!p1 v1  }
0x7e: {  	[tilespmem:$0x4330] =	vst @!p1 v0  }
0x7f: {  	v0 =	vld @!p1 [tilespmem:s21+$0xA0];
	_ =	sdelay $0x4  }
0x80: {  	v1 =	vand.u32 @!p1 $0xFFFF, v0  }
0x81: {  	s20 =	sadd.s32 $0x3, s20;
	v0 =	vshrl.u32 @!p1 v0, $0x10;
	[tilespmem:$0x4140] =	vst @!p1 v1  }
0x82: {  	s23 =	simm.s32 @!p1 $0x50;
	s24 =	simm.s32 @!p1 $0x4100;
	s25 =	simm.s32 @!p1 $0x9400;
	[tilespmem:$0x4340] =	vst @!p1 v0  }
0x83: {  	[tilespmem:s25], [sflag:$0x3] =	stream.indirect.gather @!p1 [hbm4b:s1+s23], $0x80, s24, s23, $0xb8;
	[tilespmem:$0x1F480] =	vst v63  }
0x84: {  	p1 =	sne.s32 s20, $0x7E  }
.Ltmp3:
0x85: {  	_ = 	snop;
	(pc) =	sbr.rel @p1 .LBB2_2-.Ltmp3, $4  }
.Ltmp4:
0x86: {  	_ = 	snop;
	(pc) =	sbr.rel @!p1 .LBB2_4-.Ltmp4, $4  }
0x87: {  	_ = 	snop  }
0x88: {  	_ = 	snop  }
0x89: {  	s22 =	sadd.s32 $0x1, s22;
	s21 =	sadd.s32 $0x180, s21  }
0x8a: {  	_ = 	snop  }
.LBB2_5:
0x8b: {  	_ =	sfence.sel $0x180000  }
0x8c: {  	[bflag:$0x0] =	sbarrier.arrive $0xFFFF  }
0x8d: {  	p0 =	sne.s32 s3, $0x0;
	_ =	strace $0x9000004D  }
0x8e: {  	s0 =	sadd.s32 @!p0 $0x100000, s0;
	[bflag:$0x2] =	sbarrier.arrive $0xFFFF  }
0x8f: {  	[sflag:s0] =	ssyncadd.tile.s32 @!p0 $0x1;
	_ =	shalt  }
.Lfunc_end2:
_tile_overlayer_lowered:
.L_overlay_start_2:
0x90: {  	(tag) =	ssettag $0x2  }
0x91: {  	s0 =	rddreg [dreg:$0x0];
	s2 =	stileid.u32  }
0x92: {  	s1 =	rddreg [dreg:$0x1];
	p0 =	sne.s32 s2, $0x0  }
0x93: {  	s3 =	rddreg [dreg:$0x2];
	[bflag:$0x3] =	sbarrier.arrive $0xFFFF;
	s2 =	simm.s32 @!p0 $0x1C04  }
0x94: {  	[timem:s3], [sflag:s2] =	dma.local @!p0 [hbm:s0], s1  }
0x95: {  	s0 =	simm.s32 @!p0 $0x4  }
0x96: {  	_ =	swait.ge @!p0 [sflag:s0], s1  }
0x97: {  	s1 =	ssub.s32 @!p0 $0x0, s1;
	[sflag:s0] =	ssyncset.done @!p0 $0x0  }
0x98: {  	[sflag:s0] =	ssyncadd.s32 @!p0 s1  }
0x99: {  	[bflag:$0x3] =	sbarrier.arrive $0xFFFF  }
0x9a: {  	_ =	shalt  }

// kernel: kernel.9.cloned.1.call-start
scs
__scs_entry_jumppad:
0x0: {  	(pc) =	sbr.rel $0x88, $3  }
0x1: {  	(tag) =	ssettag $0x0;
	lr =	simm.s32 $0x1  }
0x2: {  	[smem:$0x3F95] =	sst lr;
	_ =	strace $0xD0000000  }
0x3: {  	_ = 	snop  }
0x4: {  	_ = 	snop  }
0x5: {  	_ = 	snop  }
0x6: {  	_ = 	snop  }
0x7: {  	_ = 	snop  }
__scs_overlays_trampoline_lowered:
0x8: {  	[smem:$0x3FA4] =	sst s0  }
0x9: {  	[smem:$0x3FA5] =	sst s1  }
0xa: {  	[smem:$0x3FA6] =	sst s2  }
0xb: {  	[smem:$0x3FA7] =	sst s3  }
0xc: {  	[smem:$0x3FA8] =	sst s4  }
0xd: {  	[smem:$0x3FA9] =	sst s5  }
0xe: {  	[smem:$0x3FAA] =	sst s6  }
0xf: {  	[smem:$0x3FAB] =	sst s7  }
0x10: {  	[smem:$0x3FAC] =	sst s8  }
0x11: {  	[smem:$0x3FAD] =	sst s9;
	s0 =	simm.s32 @!p0 $0x0  }
0x12: {  	s1 =	sld [smem:$0x3F93];
	s0 =	simm.s32 @p0 $0x1  }
0x13: {  	[smem:$0x3FAE] =	sst s0;
	s0 =	simm.s32 @!p1 $0x0  }
0x14: {  	s2 =	sld [smem:$0x3F92];
	s0 =	simm.s32 @p1 $0x1  }
0x15: {  	[smem:$0x3FAF] =	sst s0;
	s0 =	simm.s32 @!p2 $0x0  }
0x16: {  	s3 =	sld [smem:$0x3FDB];
	s0 =	simm.s32 @p2 $0x1  }
0x17: {  	s4 =	simm.s32 $0x1BF5;
	[smem:$0x3FB1] =	sst s0  }
0x18: {  	s0 =	sld [smem:$0x3F94];
	_ =	swait.ge [sflag:s4], $0x0  }
0x19: {  	s7 =	sld [smem:$0x3F95]  }
0x1a: {  	s8 =	sadd.s32 $0xFFFFE003, lr  }
0x1b: {  	s9 =	sadd.s32 $0xFFFFFEF7, lr;
	s5 =	simm.s32 $0xFFFFFFFF;
	p2 =	slt.u32 s8, $0xFFFFF086  }
0x1c: {  	p1 =	slt.u32 s9, $0xF7A;
	s5 =	simm.s32 @!p2 $0x0  }
0x1d: {  	s5 =	simm.s32 @p1 $0x1;
	p0 =	seq.s32 s7, s2  }
0x1e: {  	s7 =	smul.u32 @!p0 $0xF7A, s2;
	p2 =	seq.s32 @!p0 s5, $0x0  }
0x1f: {  	s9 =	smul.u32 $0xF7A, s1;
	s8 =	simm.s32 @!p0 $0x1BF5;
	p2 =	por !p2, p0  }
0x20: {  	[sflag:s8] =	ssyncset.s32 @!p0 $0xFFFFF086;
	s6 =	sadd.s32 @!p0 s3, s7;
	s7 =	simm.s32 @!p0 $0x108  }
0x21: {  	s3 =	sadd.s32 s3, s9;
	s6 =	sadd.s32 @!p0 $0x88, s6;
	s7 =	simm.s32 @p2 $0x1082  }
0x22: {  	[simem:s7], [sflag:s8] =	dma.local @!p0 [hbm:s6], $0xF7A  }
0x23: {  	s9 =	sor.u32 $0xD0000000, s2;
	s6 =	simm.s32 $0x108;
	_ =	swait.ge @!p0 [sflag:s8], $0x0  }
0x24: {  	s3 =	sadd.s32 $0x88, s3;
	s6 =	simm.s32 @!p1 $0x1082;
	[sflag:s4] =	ssyncset.s32 $0xFFFFF086  }
0x25: {  	[simem:s6], [sflag:s4] =	dma.local [hbm:s3], $0xF7A  }
0x26: {  	[smem:$0x3F95] =	sst s1;
	(tag) =	ssettag s2;
	_ =	strace s9  }
0x27: {  	s1 =	sld [smem:$0x3FA5]  }
0x28: {  	s2 =	sld [smem:$0x3FA6]  }
0x29: {  	s4 =	sld [smem:$0x3FA8]  }
0x2a: {  	p0 =	seq.s32 s5, $0x0;
	s5 =	sld [smem:$0x3FA9]  }
0x2b: {  	s6 =	sld [smem:$0x3FAA]  }
0x2c: {  	s7 =	sld [smem:$0x3FAB]  }
0x2d: {  	s3 =	simm.s32 $0x108;
	s8 =	sld [smem:$0x3FAC]  }
0x2e: {  	s3 =	simm.s32 @!p0 $0x1082;
	s9 =	sld [smem:$0x3FAD]  }
0x2f: {  	lr =	sadd.s32 s0, s3;
	s0 =	sld [smem:$0x3FA4]  }
0x30: {  	s3 =	sld [smem:$0x3FA7]  }
0x31: {  	[smem:$0x3FB0] =	sst s10  }
0x32: {  	s10 =	sld [smem:$0x3FAE];
	_ =	sdelay $0x3  }
0x33: {  	p0 =	seq.s32 s10, $0x1;
	s10 =	sld [smem:$0x3FB0];
	_ =	sdelay $0x3  }
0x34: {  	[smem:$0x3FB0] =	sst s10  }
0x35: {  	s10 =	sld [smem:$0x3FAF];
	_ =	sdelay $0x3  }
0x36: {  	p1 =	seq.s32 s10, $0x1;
	s10 =	sld [smem:$0x3FB0];
	_ =	sdelay $0x3  }
0x37: {  	[smem:$0x3FB0] =	sst s10  }
0x38: {  	s10 =	sld [smem:$0x3FB1]  }
0x39: {  	_ = 	snop;
	(pc) =	sbr.ind lr, $3  }
0x3a: {  	_ = 	snop  }
0x3b: {  	_ = 	snop  }
0x3c: {  	p2 =	seq.s32 s10, $0x1;
	s10 =	sld [smem:$0x3FB0]  }
0x3d: {  	_ =	shalt  }
0x3e: {  	_ =	shalt  }
0x3f: {  	_ =	shalt  }
0x40: {  	_ =	shalt  }
0x41: {  	_ =	shalt  }
0x42: {  	_ =	shalt  }
0x43: {  	_ =	shalt  }
0x44: {  	_ =	shalt  }
0x45: {  	_ =	shalt  }
0x46: {  	_ =	shalt  }
0x47: {  	_ =	shalt  }
0x48: {  	_ =	shalt  }
0x49: {  	_ =	shalt  }
0x4a: {  	_ =	shalt  }
0x4b: {  	_ =	shalt  }
0x4c: {  	_ =	shalt  }
0x4d: {  	_ =	shalt  }
0x4e: {  	_ =	shalt  }
0x4f: {  	_ =	shalt  }
0x50: {  	_ =	shalt  }
0x51: {  	_ =	shalt  }
0x52: {  	_ =	shalt  }
0x53: {  	_ =	shalt  }
0x54: {  	_ =	shalt  }
0x55: {  	_ =	shalt  }
0x56: {  	_ =	shalt  }
0x57: {  	_ =	shalt  }
0x58: {  	_ =	shalt  }
0x59: {  	_ =	shalt  }
0x5a: {  	_ =	shalt  }
0x5b: {  	_ =	shalt  }
0x5c: {  	_ =	shalt  }
0x5d: {  	_ =	shalt  }
0x5e: {  	_ =	shalt  }
0x5f: {  	_ =	shalt  }
0x60: {  	_ =	shalt  }
0x61: {  	_ =	shalt  }
0x62: {  	_ =	shalt  }
0x63: {  	_ =	shalt  }
0x64: {  	_ =	shalt  }
0x65: {  	_ =	shalt  }
0x66: {  	_ =	shalt  }
0x67: {  	_ =	shalt  }
0x68: {  	_ =	shalt  }
0x69: {  	_ =	shalt  }
0x6a: {  	_ =	shalt  }
0x6b: {  	_ =	shalt  }
0x6c: {  	_ =	shalt  }
0x6d: {  	_ =	shalt  }
0x6e: {  	_ =	shalt  }
0x6f: {  	_ =	shalt  }
0x70: {  	_ =	shalt  }
0x71: {  	_ =	shalt  }
0x72: {  	_ =	shalt  }
0x73: {  	_ =	shalt  }
0x74: {  	_ =	shalt  }
0x75: {  	_ =	shalt  }
0x76: {  	_ =	shalt  }
0x77: {  	_ =	shalt  }
0x78: {  	_ =	shalt  }
0x79: {  	_ =	shalt  }
0x7a: {  	_ =	shalt  }
0x7b: {  	_ =	shalt  }
0x7c: {  	_ =	shalt  }
0x7d: {  	_ =	shalt  }
0x7e: {  	_ =	shalt  }
0x7f: {  	_ =	shalt  }
0x80: {  	_ =	shalt  }
0x81: {  	_ =	shalt  }
0x82: {  	_ =	shalt  }
0x83: {  	_ =	shalt  }
0x84: {  	_ =	shalt  }
0x85: {  	_ =	shalt  }
0x86: {  	_ =	shalt  }
0x87: {  	_ =	shalt  }
.Lfunc_end0:
.L_simem_size_0:
called_computation_lowered:
.L_overlay_start_0:
0x88: {  	s2 =	sld [smem:$0x3FD9]  }
0x89: {  	s3 =	sld [smem:$0x3FFE];
	_ =	sdelay $0x1  }
0x8a: {  	s1 =	srdreg.scid  }
0x8b: {  	s0 =	sand.u32 $0x1, s1  }
0x8c: {  	s16 =	sshll.u32 s0, $0xA;
	s2 =	sadd.s32 s3, s2  }
0x8d: {  	s2 =	sadd.s32 s2, s16  }
0x8e: {  	[smem:$0x3FBC] =	sst s2  }
0x8f: {  	_ = 	snop  }
0x90: {  	(tm) =	ssettm $0x1  }
0x91: {  	s17 =	sld [smem:$0x3FFB];
	_ =	sdelay $0x3  }
0x92: {  	_ =	strace s17  }
0x93: {  	s2 =	sld [smem:$0x3FFC];
	_ =	sdelay $0x3  }
0x94: {  	_ =	strace s2  }
0x95: {  	s2 =	sld [smem:$0x3FFD];
	_ =	sdelay $0x3  }
0x96: {  	_ =	strace s2  }
0x97: {  	_ =	strace $0x8FFFFFFF  }
0x98: {  	s18 =	sld [smem:$0x3FDB];
	_ =	sdelay $0x1  }
0x99: {  	s19 =	simm.s32 $_scs_section_size  }
0x9a: {  	s4 =	simm.s32 $_size__tile_overlayer_lowered;
	s5 =	simm.s32 $_tile_overlayer_lowered  }
0x9b: {  	s22 =	simm.s32 $0x1BFF;
	s21 =	sshll.u32 s5, $0x1;
	s2 =	sadd.s32 s19, s18  }
0x9c: {  	s6 =	simm.s32 $0x0;
	s20 =	sshll.u32 s4, $0x1;
	s4 =	sadd.s32 s21, s2  }
0x9d: {  	[timem:s6], [sflag:s22] =	dma.local [hbm:s4], s20  }
0x9e: {  	_ =	swait.ge [sflag:s22], s20  }
0x9f: {  	s3 =	ssub.s32 $0x0, s20;
	[sflag:s22] =	ssyncset.done $0x0  }
0xa0: {  	[sflag:s22] =	ssyncadd.s32 s3;
	_ =	sdelay $0x1  }
0xa1: {  	s23 =	simm.s32 $0x1B8B  }
0xa2: {  	_ =	swait.ge [sflag:s23], $0x1  }
0xa3: {  	[sflag:s23] =	ssyncset.done $0x0  }
0xa4: {  	s25 =	simm.s32 $0x1B8E;
	s24 =	sld [smem:$0x3FFE];
	[sflag:s23] =	ssyncadd.s32 $0xFFFFFFFF  }
0xa5: {  	s26 =	simm.s32 $execute0_lowered;
	[smem:$0x3FD2] =	sst s25  }
0xa6: {  	s4 =	sshll.u32 s26, $0x1;
	_ =	strace $0x80000046;
	[dreg:$0x1] =	wrdreg $0xFFFFFFFF  }
0xa7: {  	s28 =	simm.s32 $_size_execute0_lowered;
	s2 =	sadd.s32 s2, s4;
	[dreg:$0x0] =	wrdreg $0x0  }
0xa8: {  	s4 =	sshll.u32 s28, $0x1;
	[dreg:$0x2] =	wrdreg s2  }
0xa9: {  	[dreg:$0x3] =	wrdreg s4  }
0xaa: {  	[dreg:$0x4] =	wrdreg $0xC0  }
0xab: {  	_ =	task [dreg:s6], $0x5FFFF  }
0xac: {  	[dreg:$0x1] =	wrdreg $0xFFFFFFFF  }
0xad: {  	[dreg:$0x0] =	wrdreg $0x60  }
0xae: {  	[dreg:$0x2] =	wrdreg s24  }
0xaf: {  	[dreg:$0x3] =	wrdreg $0x9  }
0xb0: {  	_ =	task.clear_ibuf [dreg:s6], $0x4FFFF;
	_ =	strace $0x90000046  }
0xb1: {  	s29 =	simm.s32 $0x9;
	_ =	strace $0x80000048  }
0xb2: {  	_ =	swait.ge [sflag:s29], $0x1  }
0xb3: {  	[sflag:s29] =	ssyncadd.s32 $0xFFFFFFFF  }
0xb4: {  	_ =	strace $0x90000048  }
0xb5: {  	_ =	sfence  }
0xb6: {  	s30 =	sld [smem:$0x0];
	_ =	sdelay $0x2  }
0xb7: {  	s31 =	sshll.u32 s1, $0xD;
	s1 =	sshrl.u32 s1, $0x2  }
0xb8: {  	s3 =	sand.u32 $0x4000, s31;
	s1 =	sadd.s32 s1, s30  }
0xb9: {  	s0 =	sor.u32 s3, s0;
	s1 =	sshll.u32 s1, $0x11  }
0xba: {  	s0 =	sor.u32 s1, s0  }
0xbb: {  	s0 =	sadd.s32 $0x8F2B, s0  }
0xbc: {  	[sflag:s0] =	ssyncadd.remote.s32 $0x1  }
0xbd: {  	_ =	sfence.sel $0xFFFF  }
0xbe: {  	[dreg:$0x0] =	wrdreg $0xFFFFFFFF;
	(pc) =	sbr.abs _section_cstart, $3  }
0xbf: {  	[dreg:$0x1] =	wrdreg $0xFFFFFFFF  }
0xc0: {  	_ =	task.clear_ibuf [dreg:s6], $0x2FFFF;
	_ =	strace $0x9FFFFFFF  }
0xc1: {  	(tm) =	ssettm $0x7FFFFFFF  }
tec
execute0_lowered:
.L_overlay_start_1:
0x0: {  	(tag) =	ssettag $0x1  }
0x1: {  	s0 =	srdreg.scid  }
0x2: {  	s3 =	sand.u32 $0x1, s0  }
0x3: {  	s4 =	rddreg [dreg:$0x0];
	s0 =	stileid.u32;
	s1 =	sshll.u32 s3, $0x4  }
0x4: {  	s2 =	simm.s32 $0x0;
	s8 =	simm.s32 $0x0;
	s5 =	sor.u32 s0, s1  }
0x5: {  	[smem:$0x7FF] =	sst s2;
	s3 =	ssub.s32 $0x2, s3;
	s6 =	smul.u32 $0x2780, s5  }
0x6: {  	s1 =	rddreg [dreg:$0x1];
	s7 =	sshrl.u32 s3, $0x1;
	s5 =	smul.u32 $0x4F0, s5  }
0x7: {  	_ =	strace $0x80000047;
	s31 =	ssub.s32 s3, s7;
	s7 =	simm.s32 $0x13C00  }
0x8: {  	s6 =	sadd.s32 s6, s4;
	s4 =	sadd.s32 s5, s4;
	s5 =	smax.u32 s31, $0x1  }
0x9: {  	v0 =	vimm.f32 $0.0e+00;
	v1 =	vimm.f32 $1.000000000e+00;
	s3 =	sadd.s32 $0x2800, s6;
	s4 =	sadd.s32 $0x51800, s4;
	s6 =	simm.s32 $0x1  }
.LBB2_1:
0xa: {  	s9 =	simm.s32 $0x40;
	s10 =	simm.s32 $0x0  }
.LBB2_2:
0xb: {  	p0 =	sne.s32 s9, $0x9C00;
	[tilespmem:s10+$0x13C00] =	vst v0;
	s10 =	smov.u32 s9;
	s9 =	sadd.s32 $0x40, s9  }
.Ltmp0:
0xc: {  	(pc) =	sbr.rel @p0 .LBB2_2-.Ltmp0, $2  }
0xd: {  	_ =	sdelay $0x2  }
0xe: {  	s10 =	sshra.s32 s10, $0x2  }
0xf: {  	[tilespmem:s10+$0x13C00] =	vst v0;
	s9 =	simm.s32 $0x0  }
0x10: {  	[tilespmem:s9], [sflag:$0x1] =	stream.linear.gather [hbm4b:s3+s9], $0x13880, $0x38;
	[tilespmem:$0x16380] =	vst v63  }
0x11: {  	_ =	swait.ge [sflag:s6], $0x13880  }
0x12: {  	[sflag:s6] =	ssyncset.done $0x0  }
0x13: {  	s10 =	simm.s32 $0x0;
	s9 =	simm.s32 $0x200;
	[sflag:s6] =	ssyncadd.s32 $0xFFFEC780  }
.LBB2_4:
0x14: {  	p0 =	sne.s32 s9, $0x4E000;
	v2 =	vld [tilespmem:s10+$0x0];
	_ =	sdelay $0x3  }
.Ltmp1:
0x15: {  	(pc) =	sbr.rel @p0 .LBB2_4-.Ltmp1, $2  }
0x16: {  	_ =	sdelay $0x2  }
0x17: {  	s10 =	sshra.s32 s9, $0x2;
	s9 =	sadd.s32 $0x200, s9;
	[tilespmem:v2+s7+$0x0] =	vst.idx.add.f32.msk $0xffff, v1  }
0x18: {  	v2 =	vld [tilespmem:s10+$0x0];
	_ =	sdelay $0x5  }
0x19: {  	s8 =	sadd.s32 $0x1, s8  }
0x1a: {  	p0 =	sne.s32 s8, s5  }
.Ltmp2:
0x1b: {  	[tilespmem:v2+s7+$0x0] =	vst.idx.add.f32.msk $0xffff, v1;
	(pc) =	sbr.rel @p0 .LBB2_1-.Ltmp2, $4  }
0x1c: {  	[hbm4b:s4+s2] =	stream.linear.scatter [tilespmem:s7], [sflag:$0x1], $0x2780, $0x38;
	[tilespmem:$0x16380] =	vst v63  }
0x1d: {  	_ =	swait.ge [sflag:s6], $0x2780  }
0x1e: {  	[sflag:s6] =	ssyncset.done $0x0  }
0x1f: {  	[sflag:s6] =	ssyncadd.s32 $0xFFFFD880  }
0x20: {  	_ =	sfence.sel $0x180000  }
0x21: {  	[bflag:$0x0] =	sbarrier.arrive $0xFFFF  }
0x22: {  	p0 =	sne.s32 s0, $0x0;
	_ =	strace $0x90000047  }
0x23: {  	s0 =	sadd.s32 @!p0 $0x100000, s1;
	[bflag:$0x2] =	sbarrier.arrive $0xFFFF  }
0x24: {  	[sflag:s0] =	ssyncadd.tile.s32 @!p0 $0x1;
	_ =	shalt  }
.Lfunc_end2:
_tile_overlayer_lowered:
.L_overlay_start_2:
0x25: {  	(tag) =	ssettag $0x2  }
0x26: {  	s0 =	rddreg [dreg:$0x0];
	s2 =	stileid.u32  }
0x27: {  	s1 =	rddreg [dreg:$0x1];
	p0 =	sne.s32 s2, $0x0  }
0x28: {  	s3 =	rddreg [dreg:$0x2];
	[bflag:$0x3] =	sbarrier.arrive $0xFFFF;
	s2 =	simm.s32 @!p0 $0x1C01  }
0x29: {  	[timem:s3], [sflag:s2] =	dma.local @!p0 [hbm:s0], s1  }
0x2a: {  	s0 =	simm.s32 @!p0 $0x1  }
0x2b: {  	_ =	swait.ge @!p0 [sflag:s0], s1  }
0x2c: {  	s1 =	ssub.s32 @!p0 $0x0, s1;
	[sflag:s0] =	ssyncset.done @!p0 $0x0  }
0x2d: {  	[sflag:s0] =	ssyncadd.s32 @!p0 s1  }
0x2e: {  	[bflag:$0x3] =	sbarrier.arrive $0xFFFF  }
0x2f: {  	_ =	shalt  }

</sc_bundles>
